<compile_context>
chip_gen: v7x
topology: tpu7x:2x2x1
jax: 0.10.2.dev20260603
libtpu: 0.0.44.dev20260713+nightly
codegen_flags: <defaults>
</compile_context>

<pallas_src>
import functools

import jax
import jax.numpy as jnp
from jax import lax
from jax.experimental import pallas as pl
from jax.experimental.pallas import tpu as pltpu
from jax.experimental.pallas import tpu_sc as plsc

N = 10000
E = 320000
D = 128

NC = 2
NS = 16
NW = NC * NS
EPW = E // NW
K = 80
NCHUNK = EPW // K
NP = 10240
RPT = NP // NS

NBUF = 3

_mesh = plsc.VectorSubcoreMesh(
    core_axis_name="c", subcore_axis_name="s", num_cores=NC, num_subcores=NS
)


def _unpack_idx(pk_v, c, src_buf, dst_buf):
    for j in range(K // 16):
        v = pk_v[c, pl.ds(16 * j, 16)]
        src_buf[pl.ds(16 * j, 16)] = lax.shift_right_logical(v, 16)
        dst_buf[pl.ds(16 * j, 16)] = lax.bitwise_and(v, 0xFFFF)


@functools.partial(
    pl.kernel,
    out_type=jax.ShapeDtypeStruct((NC, NP, D), jnp.float32),
    mesh=_mesh,
    scratch_types=[
        pltpu.VMEM((NCHUNK, K), jnp.int32),
        [pltpu.VMEM((K,), jnp.int32)] * NBUF,
        [pltpu.VMEM((K,), jnp.int32)] * NBUF,
        [pltpu.VMEM((K, D), jnp.float32)] * NBUF,
        pltpu.VMEM_SHARED((NP, D), jnp.float32),
        [pltpu.SemaphoreType.DMA] * NBUF,
        [pltpu.SemaphoreType.DMA] * NBUF,
        pltpu.SemaphoreType.DMA,
        pltpu.SemaphoreType.DMA,
    ],
)
def _sc_segment_sum(y_hbm, pk_hbm, out_hbm,
                    pk_v, srcb, dstb, rows, acc_sh, gsem, ssem, psem, zsem):
    cid = lax.axis_index("c")
    sid = lax.axis_index("s")
    wid = sid * NC + cid

    pltpu.async_copy(pk_hbm.at[wid], pk_v, psem)

    zer = jnp.zeros((16,), jnp.float32)

    def zrow(r, carry):
        for j in range(D // 16):
            rows[0][r, pl.ds(16 * j, 16)] = zer
        return carry

    lax.fori_loop(0, K, zrow, 0)
    for t in range(RPT // K):
        pltpu.async_copy(rows[0], acc_sh.at[pl.ds(sid * RPT + t * K, K)], zsem)

    pltpu.make_async_copy(pk_hbm.at[wid], pk_v, psem).wait()
    for t in range(RPT // K):
        pltpu.make_async_copy(
            rows[0], acc_sh.at[pl.ds(sid * RPT + t * K, K)], zsem).wait()

    for b in range(NBUF):
        _unpack_idx(pk_v, b, srcb[b], dstb[b])
        pltpu.async_copy(y_hbm.at[srcb[b]], rows[b], gsem[b])
    plsc.subcore_barrier()

    def chunk_step(c, b, prefetch):
        pltpu.make_async_copy(y_hbm.at[srcb[b]], rows[b], gsem[b]).wait()
        pltpu.async_copy(rows[b], acc_sh.at[dstb[b]], ssem[b], add=True)
        if prefetch:
            p = (b + NBUF - 1) % NBUF

            @pl.when(jnp.logical_and(c >= 1, c + NBUF - 1 < NCHUNK))
            def _():
                pltpu.make_async_copy(
                    rows[p], acc_sh.at[dstb[p]], ssem[p]).wait()
                _unpack_idx(pk_v, c + NBUF - 1, srcb[p], dstb[p])
                pltpu.async_copy(y_hbm.at[srcb[p]], rows[p], gsem[p])

    def outer(i, carry):
        for b in range(NBUF):
            chunk_step(i * NBUF + b, b, True)
        return carry

    lax.fori_loop(0, NCHUNK // NBUF, outer, 0)

    for c in range(NCHUNK - NCHUNK % NBUF, NCHUNK):
        chunk_step(c, c % NBUF, False)

    for b in range(NBUF):
        pltpu.make_async_copy(rows[b], acc_sh.at[dstb[b]], ssem[b]).wait()

    plsc.subcore_barrier()
    pltpu.sync_copy(acc_sh.at[pl.ds(sid * RPT, RPT)],
                    out_hbm.at[cid].at[pl.ds(sid * RPT, RPT)])


def _tc_body(relu, p_ref, w_ref, b_ref, o_ref):
    s = p_ref[0] + p_ref[1]
    y = jnp.dot(s, w_ref[...], preferred_element_type=jnp.float32) + b_ref[...]
    o_ref[...] = jnp.maximum(y, 0.0) if relu else y


def _tc_layer(p, w, b, relu):
    bn = 5000
    return pl.pallas_call(
        functools.partial(_tc_body, relu),
        grid=(N // bn,),
        in_specs=[
            pl.BlockSpec((2, bn, D), lambda i: (0, i, 0)),
            pl.BlockSpec((D, D), lambda i: (0, 0)),
            pl.BlockSpec((1, D), lambda i: (0, 0)),
        ],
        out_specs=pl.BlockSpec((bn, D), lambda i: (i, 0)),
        out_shape=jax.ShapeDtypeStruct((N, D), jnp.float32),
    )(p, w, b.reshape(1, D))


def kernel(x, edge_index, W1, b1, W2, b2):
    packed = jnp.bitwise_or(
        jnp.left_shift(edge_index[0], 16), edge_index[1]
    ).reshape(NW, NCHUNK, K)
    p1 = _sc_segment_sum(x, packed)
    h1 = _tc_layer(p1, W1, b1, relu=True)
    p2 = _sc_segment_sum(h1, packed)
    return _tc_layer(p2, W2, b2, relu=False)

# --- scband reference (transcript-rebuilt; emitter-appended) ---
"""Pipeline reference for scband-model-87230785782112 (READ-ONLY COPY).

The authoritative reference and input builder live on the scoring server;
editing this copy changes nothing except your own understanding.
"""

import jax, jax.numpy as jnp
import numpy as np

N_NODES = 10000
N_EDGES = 320000
D_IN = 128
D_HID = 128
D_OUT = 128


def setup_inputs(seed: int = 0) -> dict:
    key = jax.random.key(seed)
    k1, k2, k3, k4, k5, k6 = jax.random.split(key, 6)
    x = jax.random.normal(k1, (N_NODES, D_IN), dtype=jnp.float32)
    edge_index = jax.random.randint(k2, (2, N_EDGES), 0, N_NODES, dtype=jnp.int32)
    W1 = jax.random.normal(k3, (D_IN, D_HID), dtype=jnp.float32) * (1.0 / np.sqrt(D_IN))
    b1 = jnp.zeros((D_HID,), dtype=jnp.float32)
    W2 = jax.random.normal(k4, (D_HID, D_OUT), dtype=jnp.float32) * (1.0 / np.sqrt(D_HID))
    b2 = jnp.zeros((D_OUT,), dtype=jnp.float32)
    return {"x": x, "edge_index": edge_index, "W1": W1, "b1": b1, "W2": W2, "b2": b2}


def reference(x, edge_index, W1, b1, W2, b2):
    # Two-layer relational graph conv (StochasticTwoLayerRGCN with a single
    # canonical edge type; HGraphConv aggregate='sum' is trivial for one relation).
    # Per layer: message = h[src]; reduce = scatter-add onto dst; then linear.
    n = x.shape[0]
    src = edge_index[0]
    dst = edge_index[1]
    # layer 1
    msgs1 = jnp.take(x, src, axis=0)
    agg1 = jax.ops.segment_sum(msgs1, dst, num_segments=n)
    h1 = jax.nn.relu(agg1 @ W1 + b1)
    # layer 2
    msgs2 = jnp.take(h1, src, axis=0)
    agg2 = jax.ops.segment_sum(msgs2, dst, num_segments=n)
    h2 = agg2 @ W2 + b2
    return h2

if __name__ == "__main__":
    import jax
    _d = setup_inputs()
    print(jax.jit(kernel)(*tuple(_d.values())))

</pallas_src>

<mosaic_0001>
#map = affine_map<(d0, d1) -> (0, 0)>
#map1 = affine_map<(d0, d1) -> (0, 0, 0)>
module attributes {stable_mosaic.version = 14 : i64} {
  func.func @_sc_segment_sum(%arg0: i32, %arg1: i32, %arg2: memref<10000x128xf32, #tpu.memory_space<hbm>>, %arg3: memref<32x125x80xi32, #tpu.memory_space<hbm>>, %arg4: memref<2x10240x128xf32, #tpu.memory_space<hbm>>, %arg5: memref<125x80xi32, #tpu.memory_space<vmem>>, %arg6: memref<80xi32, #tpu.memory_space<vmem>>, %arg7: memref<80xi32, #tpu.memory_space<vmem>>, %arg8: memref<80xi32, #tpu.memory_space<vmem>>, %arg9: memref<80xi32, #tpu.memory_space<vmem>>, %arg10: memref<80xi32, #tpu.memory_space<vmem>>, %arg11: memref<80xi32, #tpu.memory_space<vmem>>, %arg12: memref<80x128xf32, #tpu.memory_space<vmem>>, %arg13: memref<80x128xf32, #tpu.memory_space<vmem>>, %arg14: memref<80x128xf32, #tpu.memory_space<vmem>>, %arg15: memref<10240x128xf32, #tpu.memory_space<vmem_shared>>, %arg16: memref<!tpu.dma_semaphore, #tpu.memory_space<semaphore_mem>>, %arg17: memref<!tpu.dma_semaphore, #tpu.memory_space<semaphore_mem>>, %arg18: memref<!tpu.dma_semaphore, #tpu.memory_space<semaphore_mem>>, %arg19: memref<!tpu.dma_semaphore, #tpu.memory_space<semaphore_mem>>, %arg20: memref<!tpu.dma_semaphore, #tpu.memory_space<semaphore_mem>>, %arg21: memref<!tpu.dma_semaphore, #tpu.memory_space<semaphore_mem>>, %arg22: memref<!tpu.dma_semaphore, #tpu.memory_space<semaphore_mem>>, %arg23: memref<!tpu.dma_semaphore, #tpu.memory_space<semaphore_mem>>) attributes {dimension_semantics = [#tpu.dimension_semantics<core_parallel>, #tpu.dimension_semantics<subcore_parallel>], iteration_bounds = array<i64: 2, 16>, scalar_prefetch = 0 : i64, scratch_operands = 19 : i64, tpu.core_type = #tpu.core_type<sc_vector_subcore>, window_params = [{transform_indices = #map}, {transform_indices = #map1}, {transform_indices = #map1}]} {
    %mul3A = arith.constant 2 : i32
    %mul3A_0 = arith.muli %arg1, %mul3A : i32
    %add3A = arith.addi %mul3A_0, %arg0 : i32
    %dma_start3A = arith.constant 0 : i32
    %dma_start3A_1 = arith.constant 0 : i32
    %dma_start3A_2 = tpu.memref_slice %arg3[%add3A, %dma_start3A, %dma_start3A_1] : memref<32x125x80xi32, #tpu.memory_space<hbm>> -> memref<1x125x80xi32, #tpu.memory_space<hbm>>
    %dma_start3A_3 = tpu.memref_squeeze %dma_start3A_2 : memref<1x125x80xi32, #tpu.memory_space<hbm>> -> memref<125x80xi32, #tpu.memory_space<hbm>>
    %dma_start3A_4 = arith.constant 0 : i32
    %dma_start3A_5 = arith.constant 0 : i32
    %dma_start3A_6 = tpu.memref_slice %arg3[%add3A, %dma_start3A_4, %dma_start3A_5] : memref<32x125x80xi32, #tpu.memory_space<hbm>> -> memref<1x125x80xi32, #tpu.memory_space<hbm>>
    %dma_start3A_7 = tpu.memref_squeeze %dma_start3A_6 : memref<1x125x80xi32, #tpu.memory_space<hbm>> -> memref<125x80xi32, #tpu.memory_space<hbm>>
    tpu.enqueue_dma source(%dma_start3A_7 : memref<125x80xi32, #tpu.memory_space<hbm>>) target(%arg5 : memref<125x80xi32, #tpu.memory_space<vmem>>) target_semaphore(%arg22 : memref<!tpu.dma_semaphore, #tpu.memory_space<semaphore_mem>>)
    %broadcast_in_dim3A = arith.constant 0.000000e+00 : f32
    %broadcast_in_dim3A_8 = vector.broadcast %broadcast_in_dim3A : f32 to vector<16xf32>
    %scan3A = arith.constant 0 : i32
    %scan3A_9 = arith.constant 0 : i32
    %scan3A_10 = arith.constant 80 : i32
    %scan3A_11 = arith.addi %scan3A_9, %scan3A_10 : i32
    %scan3A_12 = arith.constant 1 : i32
    scf.for %scan3A_471 = %scan3A_9 to %scan3A_11 step %scan3A_12  : i32 {
      %swap3A_472 = arith.index_cast %scan3A_471 : i32 to index
      %swap3A_473 = arith.constant 0 : index
      %swap3A_474 = tpu.vector_load %arg12[%swap3A_472, %swap3A_473] {strides = array<i32>} : memref<80x128xf32, #tpu.memory_space<vmem>>, vector<1x16xf32>,
      %swap3A_475 = vector.shape_cast %swap3A_474 : vector<1x16xf32> to vector<16xf32>
      %swap3A_476 = vector.shape_cast %broadcast_in_dim3A_8 : vector<16xf32> to vector<1x16xf32>
      tpu.vector_store %arg12[%swap3A_472, %swap3A_473], %swap3A_476 {strides = array<i32>} : memref<80x128xf32, #tpu.memory_space<vmem>>, vector<1x16xf32>,
      %swap3A_477 = arith.index_cast %scan3A_471 : i32 to index
      %swap3A_478 = arith.constant 16 : index
      %swap3A_479 = tpu.vector_load %arg12[%swap3A_477, %swap3A_478] {strides = array<i32>} : memref<80x128xf32, #tpu.memory_space<vmem>>, vector<1x16xf32>,
      %swap3A_480 = vector.shape_cast %swap3A_479 : vector<1x16xf32> to vector<16xf32>
      %swap3A_481 = vector.shape_cast %broadcast_in_dim3A_8 : vector<16xf32> to vector<1x16xf32>
      tpu.vector_store %arg12[%swap3A_477, %swap3A_478], %swap3A_481 {strides = array<i32>} : memref<80x128xf32, #tpu.memory_space<vmem>>, vector<1x16xf32>,
      %swap3A_482 = arith.index_cast %scan3A_471 : i32 to index
      %swap3A_483 = arith.constant 32 : index
      %swap3A_484 = tpu.vector_load %arg12[%swap3A_482, %swap3A_483] {strides = array<i32>} : memref<80x128xf32, #tpu.memory_space<vmem>>, vector<1x16xf32>,
      %swap3A_485 = vector.shape_cast %swap3A_484 : vector<1x16xf32> to vector<16xf32>
      %swap3A_486 = vector.shape_cast %broadcast_in_dim3A_8 : vector<16xf32> to vector<1x16xf32>
      tpu.vector_store %arg12[%swap3A_482, %swap3A_483], %swap3A_486 {strides = array<i32>} : memref<80x128xf32, #tpu.memory_space<vmem>>, vector<1x16xf32>,
      %swap3A_487 = arith.index_cast %scan3A_471 : i32 to index
      %swap3A_488 = arith.constant 48 : index
      %swap3A_489 = tpu.vector_load %arg12[%swap3A_487, %swap3A_488] {strides = array<i32>} : memref<80x128xf32, #tpu.memory_space<vmem>>, vector<1x16xf32>,
      %swap3A_490 = vector.shape_cast %swap3A_489 : vector<1x16xf32> to vector<16xf32>
      %swap3A_491 = vector.shape_cast %broadcast_in_dim3A_8 : vector<16xf32> to vector<1x16xf32>
      tpu.vector_store %arg12[%swap3A_487, %swap3A_488], %swap3A_491 {strides = array<i32>} : memref<80x128xf32, #tpu.memory_space<vmem>>, vector<1x16xf32>,
      %swap3A_492 = arith.index_cast %scan3A_471 : i32 to index
      %swap3A_493 = arith.constant 64 : index
      %swap3A_494 = tpu.vector_load %arg12[%swap3A_492, %swap3A_493] {strides = array<i32>} : memref<80x128xf32, #tpu.memory_space<vmem>>, vector<1x16xf32>,
      %swap3A_495 = vector.shape_cast %swap3A_494 : vector<1x16xf32> to vector<16xf32>
      %swap3A_496 = vector.shape_cast %broadcast_in_dim3A_8 : vector<16xf32> to vector<1x16xf32>
      tpu.vector_store %arg12[%swap3A_492, %swap3A_493], %swap3A_496 {strides = array<i32>} : memref<80x128xf32, #tpu.memory_space<vmem>>, vector<1x16xf32>,
      %swap3A_497 = arith.index_cast %scan3A_471 : i32 to index
      %swap3A_498 = arith.constant 80 : index
      %swap3A_499 = tpu.vector_load %arg12[%swap3A_497, %swap3A_498] {strides = array<i32>} : memref<80x128xf32, #tpu.memory_space<vmem>>, vector<1x16xf32>,
      %swap3A_500 = vector.shape_cast %swap3A_499 : vector<1x16xf32> to vector<16xf32>
      %swap3A_501 = vector.shape_cast %broadcast_in_dim3A_8 : vector<16xf32> to vector<1x16xf32>
      tpu.vector_store %arg12[%swap3A_497, %swap3A_498], %swap3A_501 {strides = array<i32>} : memref<80x128xf32, #tpu.memory_space<vmem>>, vector<1x16xf32>,
      %swap3A_502 = arith.index_cast %scan3A_471 : i32 to index
      %swap3A_503 = arith.constant 96 : index
      %swap3A_504 = tpu.vector_load %arg12[%swap3A_502, %swap3A_503] {strides = array<i32>} : memref<80x128xf32, #tpu.memory_space<vmem>>, vector<1x16xf32>,
      %swap3A_505 = vector.shape_cast %swap3A_504 : vector<1x16xf32> to vector<16xf32>
      %swap3A_506 = vector.shape_cast %broadcast_in_dim3A_8 : vector<16xf32> to vector<1x16xf32>
      tpu.vector_store %arg12[%swap3A_502, %swap3A_503], %swap3A_506 {strides = array<i32>} : memref<80x128xf32, #tpu.memory_space<vmem>>, vector<1x16xf32>,
      %swap3A_507 = arith.index_cast %scan3A_471 : i32 to index
      %swap3A_508 = arith.constant 112 : index
      %swap3A_509 = tpu.vector_load %arg12[%swap3A_507, %swap3A_508] {strides = array<i32>} : memref<80x128xf32, #tpu.memory_space<vmem>>, vector<1x16xf32>,
      %swap3A_510 = vector.shape_cast %swap3A_509 : vector<1x16xf32> to vector<16xf32>
      %swap3A_511 = vector.shape_cast %broadcast_in_dim3A_8 : vector<16xf32> to vector<1x16xf32>
      tpu.vector_store %arg12[%swap3A_507, %swap3A_508], %swap3A_511 {strides = array<i32>} : memref<80x128xf32, #tpu.memory_space<vmem>>, vector<1x16xf32>,
    }
    %scan3A_13 = arith.constant 80 : i32
    %mul3A_14 = arith.constant 640 : i32
    %mul3A_15 = arith.muli %arg1, %mul3A_14 : i32
    %add3A_16 = arith.constant 0 : i32
    %add3A_17 = arith.addi %mul3A_15, %add3A_16 : i32
    %dma_start3A_18 = arith.constant 0 : i32
    %dma_start3A_19 = tpu.memref_slice %arg15[%add3A_17, %dma_start3A_18] : memref<10240x128xf32, #tpu.memory_space<vmem_shared>> -> memref<80x128xf32, #tpu.memory_space<vmem_shared>>
    %dma_start3A_20 = arith.constant 0 : i32
    %dma_start3A_21 = tpu.memref_slice %arg15[%add3A_17, %dma_start3A_20] : memref<10240x128xf32, #tpu.memory_space<vmem_shared>> -> memref<80x128xf32, #tpu.memory_space<vmem_shared>>
    tpu.enqueue_dma source(%arg12 : memref<80x128xf32, #tpu.memory_space<vmem>>) target(%dma_start3A_21 : memref<80x128xf32, #tpu.memory_space<vmem_shared>>) target_semaphore(%arg23 : memref<!tpu.dma_semaphore, #tpu.memory_space<semaphore_mem>>)
    %mul3A_22 = arith.constant 640 : i32
    %mul3A_23 = arith.muli %arg1, %mul3A_22 : i32
    %add3A_24 = arith.constant 80 : i32
    %add3A_25 = arith.addi %mul3A_23, %add3A_24 : i32
    %dma_start3A_26 = arith.constant 0 : i32
    %dma_start3A_27 = tpu.memref_slice %arg15[%add3A_25, %dma_start3A_26] : memref<10240x128xf32, #tpu.memory_space<vmem_shared>> -> memref<80x128xf32, #tpu.memory_space<vmem_shared>>
    %dma_start3A_28 = arith.constant 0 : i32
    %dma_start3A_29 = tpu.memref_slice %arg15[%add3A_25, %dma_start3A_28] : memref<10240x128xf32, #tpu.memory_space<vmem_shared>> -> memref<80x128xf32, #tpu.memory_space<vmem_shared>>
    tpu.enqueue_dma source(%arg12 : memref<80x128xf32, #tpu.memory_space<vmem>>) target(%dma_start3A_29 : memref<80x128xf32, #tpu.memory_space<vmem_shared>>) target_semaphore(%arg23 : memref<!tpu.dma_semaphore, #tpu.memory_space<semaphore_mem>>)
    %mul3A_30 = arith.constant 640 : i32
    %mul3A_31 = arith.muli %arg1, %mul3A_30 : i32
    %add3A_32 = arith.constant 160 : i32
    %add3A_33 = arith.addi %mul3A_31, %add3A_32 : i32
    %dma_start3A_34 = arith.constant 0 : i32
    %dma_start3A_35 = tpu.memref_slice %arg15[%add3A_33, %dma_start3A_34] : memref<10240x128xf32, #tpu.memory_space<vmem_shared>> -> memref<80x128xf32, #tpu.memory_space<vmem_shared>>
    %dma_start3A_36 = arith.constant 0 : i32
    %dma_start3A_37 = tpu.memref_slice %arg15[%add3A_33, %dma_start3A_36] : memref<10240x128xf32, #tpu.memory_space<vmem_shared>> -> memref<80x128xf32, #tpu.memory_space<vmem_shared>>
    tpu.enqueue_dma source(%arg12 : memref<80x128xf32, #tpu.memory_space<vmem>>) target(%dma_start3A_37 : memref<80x128xf32, #tpu.memory_space<vmem_shared>>) target_semaphore(%arg23 : memref<!tpu.dma_semaphore, #tpu.memory_space<semaphore_mem>>)
    %mul3A_38 = arith.constant 640 : i32
    %mul3A_39 = arith.muli %arg1, %mul3A_38 : i32
    %add3A_40 = arith.constant 240 : i32
    %add3A_41 = arith.addi %mul3A_39, %add3A_40 : i32
    %dma_start3A_42 = arith.constant 0 : i32
    %dma_start3A_43 = tpu.memref_slice %arg15[%add3A_41, %dma_start3A_42] : memref<10240x128xf32, #tpu.memory_space<vmem_shared>> -> memref<80x128xf32, #tpu.memory_space<vmem_shared>>
    %dma_start3A_44 = arith.constant 0 : i32
    %dma_start3A_45 = tpu.memref_slice %arg15[%add3A_41, %dma_start3A_44] : memref<10240x128xf32, #tpu.memory_space<vmem_shared>> -> memref<80x128xf32, #tpu.memory_space<vmem_shared>>
    tpu.enqueue_dma source(%arg12 : memref<80x128xf32, #tpu.memory_space<vmem>>) target(%dma_start3A_45 : memref<80x128xf32, #tpu.memory_space<vmem_shared>>) target_semaphore(%arg23 : memref<!tpu.dma_semaphore, #tpu.memory_space<semaphore_mem>>)
    %mul3A_46 = arith.constant 640 : i32
    %mul3A_47 = arith.muli %arg1, %mul3A_46 : i32
    %add3A_48 = arith.constant 320 : i32
    %add3A_49 = arith.addi %mul3A_47, %add3A_48 : i32
    %dma_start3A_50 = arith.constant 0 : i32
    %dma_start3A_51 = tpu.memref_slice %arg15[%add3A_49, %dma_start3A_50] : memref<10240x128xf32, #tpu.memory_space<vmem_shared>> -> memref<80x128xf32, #tpu.memory_space<vmem_shared>>
    %dma_start3A_52 = arith.constant 0 : i32
    %dma_start3A_53 = tpu.memref_slice %arg15[%add3A_49, %dma_start3A_52] : memref<10240x128xf32, #tpu.memory_space<vmem_shared>> -> memref<80x128xf32, #tpu.memory_space<vmem_shared>>
    tpu.enqueue_dma source(%arg12 : memref<80x128xf32, #tpu.memory_space<vmem>>) target(%dma_start3A_53 : memref<80x128xf32, #tpu.memory_space<vmem_shared>>) target_semaphore(%arg23 : memref<!tpu.dma_semaphore, #tpu.memory_space<semaphore_mem>>)
    %mul3A_54 = arith.constant 640 : i32
    %mul3A_55 = arith.muli %arg1, %mul3A_54 : i32
    %add3A_56 = arith.constant 400 : i32
    %add3A_57 = arith.addi %mul3A_55, %add3A_56 : i32
    %dma_start3A_58 = arith.constant 0 : i32
    %dma_start3A_59 = tpu.memref_slice %arg15[%add3A_57, %dma_start3A_58] : memref<10240x128xf32, #tpu.memory_space<vmem_shared>> -> memref<80x128xf32, #tpu.memory_space<vmem_shared>>
    %dma_start3A_60 = arith.constant 0 : i32
    %dma_start3A_61 = tpu.memref_slice %arg15[%add3A_57, %dma_start3A_60] : memref<10240x128xf32, #tpu.memory_space<vmem_shared>> -> memref<80x128xf32, #tpu.memory_space<vmem_shared>>
    tpu.enqueue_dma source(%arg12 : memref<80x128xf32, #tpu.memory_space<vmem>>) target(%dma_start3A_61 : memref<80x128xf32, #tpu.memory_space<vmem_shared>>) target_semaphore(%arg23 : memref<!tpu.dma_semaphore, #tpu.memory_space<semaphore_mem>>)
    %mul3A_62 = arith.constant 640 : i32
    %mul3A_63 = arith.muli %arg1, %mul3A_62 : i32
    %add3A_64 = arith.constant 480 : i32
    %add3A_65 = arith.addi %mul3A_63, %add3A_64 : i32
    %dma_start3A_66 = arith.constant 0 : i32
    %dma_start3A_67 = tpu.memref_slice %arg15[%add3A_65, %dma_start3A_66] : memref<10240x128xf32, #tpu.memory_space<vmem_shared>> -> memref<80x128xf32, #tpu.memory_space<vmem_shared>>
    %dma_start3A_68 = arith.constant 0 : i32
    %dma_start3A_69 = tpu.memref_slice %arg15[%add3A_65, %dma_start3A_68] : memref<10240x128xf32, #tpu.memory_space<vmem_shared>> -> memref<80x128xf32, #tpu.memory_space<vmem_shared>>
    tpu.enqueue_dma source(%arg12 : memref<80x128xf32, #tpu.memory_space<vmem>>) target(%dma_start3A_69 : memref<80x128xf32, #tpu.memory_space<vmem_shared>>) target_semaphore(%arg23 : memref<!tpu.dma_semaphore, #tpu.memory_space<semaphore_mem>>)
    %mul3A_70 = arith.constant 640 : i32
    %mul3A_71 = arith.muli %arg1, %mul3A_70 : i32
    %add3A_72 = arith.constant 560 : i32
    %add3A_73 = arith.addi %mul3A_71, %add3A_72 : i32
    %dma_start3A_74 = arith.constant 0 : i32
    %dma_start3A_75 = tpu.memref_slice %arg15[%add3A_73, %dma_start3A_74] : memref<10240x128xf32, #tpu.memory_space<vmem_shared>> -> memref<80x128xf32, #tpu.memory_space<vmem_shared>>
    %dma_start3A_76 = arith.constant 0 : i32
    %dma_start3A_77 = tpu.memref_slice %arg15[%add3A_73, %dma_start3A_76] : memref<10240x128xf32, #tpu.memory_space<vmem_shared>> -> memref<80x128xf32, #tpu.memory_space<vmem_shared>>
    tpu.enqueue_dma source(%arg12 : memref<80x128xf32, #tpu.memory_space<vmem>>) target(%dma_start3A_77 : memref<80x128xf32, #tpu.memory_space<vmem_shared>>) target_semaphore(%arg23 : memref<!tpu.dma_semaphore, #tpu.memory_space<semaphore_mem>>)
    %dma_wait3A = arith.constant 0 : i32
    %dma_wait3A_78 = arith.constant 0 : i32
    %dma_wait3A_79 = tpu.memref_slice %arg3[%add3A, %dma_wait3A, %dma_wait3A_78] : memref<32x125x80xi32, #tpu.memory_space<hbm>> -> memref<1x125x80xi32, #tpu.memory_space<hbm>>
    %dma_wait3A_80 = tpu.memref_squeeze %dma_wait3A_79 : memref<1x125x80xi32, #tpu.memory_space<hbm>> -> memref<125x80xi32, #tpu.memory_space<hbm>>
    %dma_wait3A_81 = arith.constant 0 : i32
    %dma_wait3A_82 = arith.constant 0 : i32
    %dma_wait3A_83 = tpu.memref_slice %arg3[%add3A, %dma_wait3A_81, %dma_wait3A_82] : memref<32x125x80xi32, #tpu.memory_space<hbm>> -> memref<1x125x80xi32, #tpu.memory_space<hbm>>
    %dma_wait3A_84 = tpu.memref_squeeze %dma_wait3A_83 : memref<1x125x80xi32, #tpu.memory_space<hbm>> -> memref<125x80xi32, #tpu.memory_space<hbm>>
    tpu.wait_dma2 semaphore(%arg22 : memref<!tpu.dma_semaphore, #tpu.memory_space<semaphore_mem>>) src(%dma_wait3A_84 : memref<125x80xi32, #tpu.memory_space<hbm>>) dst(%arg5 : memref<125x80xi32, #tpu.memory_space<vmem>>)
    %mul3A_85 = arith.constant 640 : i32
    %mul3A_86 = arith.muli %arg1, %mul3A_85 : i32
    %add3A_87 = arith.constant 0 : i32
    %add3A_88 = arith.addi %mul3A_86, %add3A_87 : i32
    %dma_wait3A_89 = arith.constant 0 : i32
    %dma_wait3A_90 = tpu.memref_slice %arg15[%add3A_88, %dma_wait3A_89] : memref<10240x128xf32, #tpu.memory_space<vmem_shared>> -> memref<80x128xf32, #tpu.memory_space<vmem_shared>>
    %dma_wait3A_91 = arith.constant 0 : i32
    %dma_wait3A_92 = tpu.memref_slice %arg15[%add3A_88, %dma_wait3A_91] : memref<10240x128xf32, #tpu.memory_space<vmem_shared>> -> memref<80x128xf32, #tpu.memory_space<vmem_shared>>
    tpu.wait_dma2 semaphore(%arg23 : memref<!tpu.dma_semaphore, #tpu.memory_space<semaphore_mem>>) src(%arg12 : memref<80x128xf32, #tpu.memory_space<vmem>>) dst(%dma_wait3A_92 : memref<80x128xf32, #tpu.memory_space<vmem_shared>>)
    %mul3A_93 = arith.constant 640 : i32
    %mul3A_94 = arith.muli %arg1, %mul3A_93 : i32
    %add3A_95 = arith.constant 80 : i32
    %add3A_96 = arith.addi %mul3A_94, %add3A_95 : i32
    %dma_wait3A_97 = arith.constant 0 : i32
    %dma_wait3A_98 = tpu.memref_slice %arg15[%add3A_96, %dma_wait3A_97] : memref<10240x128xf32, #tpu.memory_space<vmem_shared>> -> memref<80x128xf32, #tpu.memory_space<vmem_shared>>
    %dma_wait3A_99 = arith.constant 0 : i32
    %dma_wait3A_100 = tpu.memref_slice %arg15[%add3A_96, %dma_wait3A_99] : memref<10240x128xf32, #tpu.memory_space<vmem_shared>> -> memref<80x128xf32, #tpu.memory_space<vmem_shared>>
    tpu.wait_dma2 semaphore(%arg23 : memref<!tpu.dma_semaphore, #tpu.memory_space<semaphore_mem>>) src(%arg12 : memref<80x128xf32, #tpu.memory_space<vmem>>) dst(%dma_wait3A_100 : memref<80x128xf32, #tpu.memory_space<vmem_shared>>)
    %mul3A_101 = arith.constant 640 : i32
    %mul3A_102 = arith.muli %arg1, %mul3A_101 : i32
    %add3A_103 = arith.constant 160 : i32
    %add3A_104 = arith.addi %mul3A_102, %add3A_103 : i32
    %dma_wait3A_105 = arith.constant 0 : i32
    %dma_wait3A_106 = tpu.memref_slice %arg15[%add3A_104, %dma_wait3A_105] : memref<10240x128xf32, #tpu.memory_space<vmem_shared>> -> memref<80x128xf32, #tpu.memory_space<vmem_shared>>
    %dma_wait3A_107 = arith.constant 0 : i32
    %dma_wait3A_108 = tpu.memref_slice %arg15[%add3A_104, %dma_wait3A_107] : memref<10240x128xf32, #tpu.memory_space<vmem_shared>> -> memref<80x128xf32, #tpu.memory_space<vmem_shared>>
    tpu.wait_dma2 semaphore(%arg23 : memref<!tpu.dma_semaphore, #tpu.memory_space<semaphore_mem>>) src(%arg12 : memref<80x128xf32, #tpu.memory_space<vmem>>) dst(%dma_wait3A_108 : memref<80x128xf32, #tpu.memory_space<vmem_shared>>)
    %mul3A_109 = arith.constant 640 : i32
    %mul3A_110 = arith.muli %arg1, %mul3A_109 : i32
    %add3A_111 = arith.constant 240 : i32
    %add3A_112 = arith.addi %mul3A_110, %add3A_111 : i32
    %dma_wait3A_113 = arith.constant 0 : i32
    %dma_wait3A_114 = tpu.memref_slice %arg15[%add3A_112, %dma_wait3A_113] : memref<10240x128xf32, #tpu.memory_space<vmem_shared>> -> memref<80x128xf32, #tpu.memory_space<vmem_shared>>
    %dma_wait3A_115 = arith.constant 0 : i32
    %dma_wait3A_116 = tpu.memref_slice %arg15[%add3A_112, %dma_wait3A_115] : memref<10240x128xf32, #tpu.memory_space<vmem_shared>> -> memref<80x128xf32, #tpu.memory_space<vmem_shared>>
    tpu.wait_dma2 semaphore(%arg23 : memref<!tpu.dma_semaphore, #tpu.memory_space<semaphore_mem>>) src(%arg12 : memref<80x128xf32, #tpu.memory_space<vmem>>) dst(%dma_wait3A_116 : memref<80x128xf32, #tpu.memory_space<vmem_shared>>)
    %mul3A_117 = arith.constant 640 : i32
    %mul3A_118 = arith.muli %arg1, %mul3A_117 : i32
    %add3A_119 = arith.constant 320 : i32
    %add3A_120 = arith.addi %mul3A_118, %add3A_119 : i32
    %dma_wait3A_121 = arith.constant 0 : i32
    %dma_wait3A_122 = tpu.memref_slice %arg15[%add3A_120, %dma_wait3A_121] : memref<10240x128xf32, #tpu.memory_space<vmem_shared>> -> memref<80x128xf32, #tpu.memory_space<vmem_shared>>
    %dma_wait3A_123 = arith.constant 0 : i32
    %dma_wait3A_124 = tpu.memref_slice %arg15[%add3A_120, %dma_wait3A_123] : memref<10240x128xf32, #tpu.memory_space<vmem_shared>> -> memref<80x128xf32, #tpu.memory_space<vmem_shared>>
    tpu.wait_dma2 semaphore(%arg23 : memref<!tpu.dma_semaphore, #tpu.memory_space<semaphore_mem>>) src(%arg12 : memref<80x128xf32, #tpu.memory_space<vmem>>) dst(%dma_wait3A_124 : memref<80x128xf32, #tpu.memory_space<vmem_shared>>)
    %mul3A_125 = arith.constant 640 : i32
    %mul3A_126 = arith.muli %arg1, %mul3A_125 : i32
    %add3A_127 = arith.constant 400 : i32
    %add3A_128 = arith.addi %mul3A_126, %add3A_127 : i32
    %dma_wait3A_129 = arith.constant 0 : i32
    %dma_wait3A_130 = tpu.memref_slice %arg15[%add3A_128, %dma_wait3A_129] : memref<10240x128xf32, #tpu.memory_space<vmem_shared>> -> memref<80x128xf32, #tpu.memory_space<vmem_shared>>
    %dma_wait3A_131 = arith.constant 0 : i32
    %dma_wait3A_132 = tpu.memref_slice %arg15[%add3A_128, %dma_wait3A_131] : memref<10240x128xf32, #tpu.memory_space<vmem_shared>> -> memref<80x128xf32, #tpu.memory_space<vmem_shared>>
    tpu.wait_dma2 semaphore(%arg23 : memref<!tpu.dma_semaphore, #tpu.memory_space<semaphore_mem>>) src(%arg12 : memref<80x128xf32, #tpu.memory_space<vmem>>) dst(%dma_wait3A_132 : memref<80x128xf32, #tpu.memory_space<vmem_shared>>)
    %mul3A_133 = arith.constant 640 : i32
    %mul3A_134 = arith.muli %arg1, %mul3A_133 : i32
    %add3A_135 = arith.constant 480 : i32
    %add3A_136 = arith.addi %mul3A_134, %add3A_135 : i32
    %dma_wait3A_137 = arith.constant 0 : i32
    %dma_wait3A_138 = tpu.memref_slice %arg15[%add3A_136, %dma_wait3A_137] : memref<10240x128xf32, #tpu.memory_space<vmem_shared>> -> memref<80x128xf32, #tpu.memory_space<vmem_shared>>
    %dma_wait3A_139 = arith.constant 0 : i32
    %dma_wait3A_140 = tpu.memref_slice %arg15[%add3A_136, %dma_wait3A_139] : memref<10240x128xf32, #tpu.memory_space<vmem_shared>> -> memref<80x128xf32, #tpu.memory_space<vmem_shared>>
    tpu.wait_dma2 semaphore(%arg23 : memref<!tpu.dma_semaphore, #tpu.memory_space<semaphore_mem>>) src(%arg12 : memref<80x128xf32, #tpu.memory_space<vmem>>) dst(%dma_wait3A_140 : memref<80x128xf32, #tpu.memory_space<vmem_shared>>)
    %mul3A_141 = arith.constant 640 : i32
    %mul3A_142 = arith.muli %arg1, %mul3A_141 : i32
    %add3A_143 = arith.constant 560 : i32
    %add3A_144 = arith.addi %mul3A_142, %add3A_143 : i32
    %dma_wait3A_145 = arith.constant 0 : i32
    %dma_wait3A_146 = tpu.memref_slice %arg15[%add3A_144, %dma_wait3A_145] : memref<10240x128xf32, #tpu.memory_space<vmem_shared>> -> memref<80x128xf32, #tpu.memory_space<vmem_shared>>
    %dma_wait3A_147 = arith.constant 0 : i32
    %dma_wait3A_148 = tpu.memref_slice %arg15[%add3A_144, %dma_wait3A_147] : memref<10240x128xf32, #tpu.memory_space<vmem_shared>> -> memref<80x128xf32, #tpu.memory_space<vmem_shared>>
    tpu.wait_dma2 semaphore(%arg23 : memref<!tpu.dma_semaphore, #tpu.memory_space<semaphore_mem>>) src(%arg12 : memref<80x128xf32, #tpu.memory_space<vmem>>) dst(%dma_wait3A_148 : memref<80x128xf32, #tpu.memory_space<vmem_shared>>)
    %get3A = arith.constant 0 : i32
    %get3A_149 = arith.index_cast %get3A : i32 to index
    %get3A_150 = arith.constant 0 : index
    %get3A_151 = tpu.vector_load %arg5[%get3A_149, %get3A_150] {strides = array<i32>} : memref<125x80xi32, #tpu.memory_space<vmem>>, vector<1x16xi32>,
    %get3A_152 = vector.shape_cast %get3A_151 : vector<1x16xi32> to vector<16xi32>
    %shift_right_logical3A = arith.constant 16 : i32
    %shift_right_logical3A_153 = vector.broadcast %shift_right_logical3A : i32 to vector<16xi32>
    %shift_right_logical3A_154 = arith.shrui %get3A_152, %shift_right_logical3A_153 : vector<16xi32>
    %swap3A = arith.constant 0 : index
    %swap3A_155 = tpu.vector_load %arg6[%swap3A] {strides = array<i32>} : memref<80xi32, #tpu.memory_space<vmem>>, vector<16xi32>,
    %swap3A_156 = vector.shape_cast %swap3A_155 : vector<16xi32> to vector<16xi32>
    %swap3A_157 = vector.shape_cast %shift_right_logical3A_154 : vector<16xi32> to vector<16xi32>
    tpu.vector_store %arg6[%swap3A], %swap3A_157 {strides = array<i32>} : memref<80xi32, #tpu.memory_space<vmem>>, vector<16xi32>,
    %and3A = arith.constant 65535 : i32
    %and3A_158 = vector.broadcast %and3A : i32 to vector<16xi32>
    %and3A_159 = arith.andi %get3A_152, %and3A_158 : vector<16xi32>
    %swap3A_160 = arith.constant 0 : index
    %swap3A_161 = tpu.vector_load %arg9[%swap3A_160] {strides = array<i32>} : memref<80xi32, #tpu.memory_space<vmem>>, vector<16xi32>,
    %swap3A_162 = vector.shape_cast %swap3A_161 : vector<16xi32> to vector<16xi32>
    %swap3A_163 = vector.shape_cast %and3A_159 : vector<16xi32> to vector<16xi32>
    tpu.vector_store %arg9[%swap3A_160], %swap3A_163 {strides = array<i32>} : memref<80xi32, #tpu.memory_space<vmem>>, vector<16xi32>,
    %get3A_164 = arith.constant 0 : i32
    %get3A_165 = arith.index_cast %get3A_164 : i32 to index
    %get3A_166 = arith.constant 16 : index
    %get3A_167 = tpu.vector_load %arg5[%get3A_165, %get3A_166] {strides = array<i32>} : memref<125x80xi32, #tpu.memory_space<vmem>>, vector<1x16xi32>,
    %get3A_168 = vector.shape_cast %get3A_167 : vector<1x16xi32> to vector<16xi32>
    %shift_right_logical3A_169 = arith.constant 16 : i32
    %shift_right_logical3A_170 = vector.broadcast %shift_right_logical3A_169 : i32 to vector<16xi32>
    %shift_right_logical3A_171 = arith.shrui %get3A_168, %shift_right_logical3A_170 : vector<16xi32>
    %swap3A_172 = arith.constant 16 : index
    %swap3A_173 = tpu.vector_load %arg6[%swap3A_172] {strides = array<i32>} : memref<80xi32, #tpu.memory_space<vmem>>, vector<16xi32>,
    %swap3A_174 = vector.shape_cast %swap3A_173 : vector<16xi32> to vector<16xi32>
    %swap3A_175 = vector.shape_cast %shift_right_logical3A_171 : vector<16xi32> to vector<16xi32>
    tpu.vector_store %arg6[%swap3A_172], %swap3A_175 {strides = array<i32>} : memref<80xi32, #tpu.memory_space<vmem>>, vector<16xi32>,
    %and3A_176 = arith.constant 65535 : i32
    %and3A_177 = vector.broadcast %and3A_176 : i32 to vector<16xi32>
    %and3A_178 = arith.andi %get3A_168, %and3A_177 : vector<16xi32>
    %swap3A_179 = arith.constant 16 : index
    %swap3A_180 = tpu.vector_load %arg9[%swap3A_179] {strides = array<i32>} : memref<80xi32, #tpu.memory_space<vmem>>, vector<16xi32>,
    %swap3A_181 = vector.shape_cast %swap3A_180 : vector<16xi32> to vector<16xi32>
    %swap3A_182 = vector.shape_cast %and3A_178 : vector<16xi32> to vector<16xi32>
    tpu.vector_store %arg9[%swap3A_179], %swap3A_182 {strides = array<i32>} : memref<80xi32, #tpu.memory_space<vmem>>, vector<16xi32>,
    %get3A_183 = arith.constant 0 : i32
    %get3A_184 = arith.index_cast %get3A_183 : i32 to index
    %get3A_185 = arith.constant 32 : index
    %get3A_186 = tpu.vector_load %arg5[%get3A_184, %get3A_185] {strides = array<i32>} : memref<125x80xi32, #tpu.memory_space<vmem>>, vector<1x16xi32>,
    %get3A_187 = vector.shape_cast %get3A_186 : vector<1x16xi32> to vector<16xi32>
    %shift_right_logical3A_188 = arith.constant 16 : i32
    %shift_right_logical3A_189 = vector.broadcast %shift_right_logical3A_188 : i32 to vector<16xi32>
    %shift_right_logical3A_190 = arith.shrui %get3A_187, %shift_right_logical3A_189 : vector<16xi32>
    %swap3A_191 = arith.constant 32 : index
    %swap3A_192 = tpu.vector_load %arg6[%swap3A_191] {strides = array<i32>} : memref<80xi32, #tpu.memory_space<vmem>>, vector<16xi32>,
    %swap3A_193 = vector.shape_cast %swap3A_192 : vector<16xi32> to vector<16xi32>
    %swap3A_194 = vector.shape_cast %shift_right_logical3A_190 : vector<16xi32> to vector<16xi32>
    tpu.vector_store %arg6[%swap3A_191], %swap3A_194 {strides = array<i32>} : memref<80xi32, #tpu.memory_space<vmem>>, vector<16xi32>,
    %and3A_195 = arith.constant 65535 : i32
    %and3A_196 = vector.broadcast %and3A_195 : i32 to vector<16xi32>
    %and3A_197 = arith.andi %get3A_187, %and3A_196 : vector<16xi32>
    %swap3A_198 = arith.constant 32 : index
    %swap3A_199 = tpu.vector_load %arg9[%swap3A_198] {strides = array<i32>} : memref<80xi32, #tpu.memory_space<vmem>>, vector<16xi32>,
    %swap3A_200 = vector.shape_cast %swap3A_199 : vector<16xi32> to vector<16xi32>
    %swap3A_201 = vector.shape_cast %and3A_197 : vector<16xi32> to vector<16xi32>
    tpu.vector_store %arg9[%swap3A_198], %swap3A_201 {strides = array<i32>} : memref<80xi32, #tpu.memory_space<vmem>>, vector<16xi32>,
    %get3A_202 = arith.constant 0 : i32
    %get3A_203 = arith.index_cast %get3A_202 : i32 to index
    %get3A_204 = arith.constant 48 : index
    %get3A_205 = tpu.vector_load %arg5[%get3A_203, %get3A_204] {strides = array<i32>} : memref<125x80xi32, #tpu.memory_space<vmem>>, vector<1x16xi32>,
    %get3A_206 = vector.shape_cast %get3A_205 : vector<1x16xi32> to vector<16xi32>
    %shift_right_logical3A_207 = arith.constant 16 : i32
    %shift_right_logical3A_208 = vector.broadcast %shift_right_logical3A_207 : i32 to vector<16xi32>
    %shift_right_logical3A_209 = arith.shrui %get3A_206, %shift_right_logical3A_208 : vector<16xi32>
    %swap3A_210 = arith.constant 48 : index
    %swap3A_211 = tpu.vector_load %arg6[%swap3A_210] {strides = array<i32>} : memref<80xi32, #tpu.memory_space<vmem>>, vector<16xi32>,
    %swap3A_212 = vector.shape_cast %swap3A_211 : vector<16xi32> to vector<16xi32>
    %swap3A_213 = vector.shape_cast %shift_right_logical3A_209 : vector<16xi32> to vector<16xi32>
    tpu.vector_store %arg6[%swap3A_210], %swap3A_213 {strides = array<i32>} : memref<80xi32, #tpu.memory_space<vmem>>, vector<16xi32>,
    %and3A_214 = arith.constant 65535 : i32
    %and3A_215 = vector.broadcast %and3A_214 : i32 to vector<16xi32>
    %and3A_216 = arith.andi %get3A_206, %and3A_215 : vector<16xi32>
    %swap3A_217 = arith.constant 48 : index
    %swap3A_218 = tpu.vector_load %arg9[%swap3A_217] {strides = array<i32>} : memref<80xi32, #tpu.memory_space<vmem>>, vector<16xi32>,
    %swap3A_219 = vector.shape_cast %swap3A_218 : vector<16xi32> to vector<16xi32>
    %swap3A_220 = vector.shape_cast %and3A_216 : vector<16xi32> to vector<16xi32>
    tpu.vector_store %arg9[%swap3A_217], %swap3A_220 {strides = array<i32>} : memref<80xi32, #tpu.memory_space<vmem>>, vector<16xi32>,
    %get3A_221 = arith.constant 0 : i32
    %get3A_222 = arith.index_cast %get3A_221 : i32 to index
    %get3A_223 = arith.constant 64 : index
    %get3A_224 = tpu.vector_load %arg5[%get3A_222, %get3A_223] {strides = array<i32>} : memref<125x80xi32, #tpu.memory_space<vmem>>, vector<1x16xi32>,
    %get3A_225 = vector.shape_cast %get3A_224 : vector<1x16xi32> to vector<16xi32>
    %shift_right_logical3A_226 = arith.constant 16 : i32
    %shift_right_logical3A_227 = vector.broadcast %shift_right_logical3A_226 : i32 to vector<16xi32>
    %shift_right_logical3A_228 = arith.shrui %get3A_225, %shift_right_logical3A_227 : vector<16xi32>
    %swap3A_229 = arith.constant 64 : index
    %swap3A_230 = tpu.vector_load %arg6[%swap3A_229] {strides = array<i32>} : memref<80xi32, #tpu.memory_space<vmem>>, vector<16xi32>,
    %swap3A_231 = vector.shape_cast %swap3A_230 : vector<16xi32> to vector<16xi32>
    %swap3A_232 = vector.shape_cast %shift_right_logical3A_228 : vector<16xi32> to vector<16xi32>
    tpu.vector_store %arg6[%swap3A_229], %swap3A_232 {strides = array<i32>} : memref<80xi32, #tpu.memory_space<vmem>>, vector<16xi32>,
    %and3A_233 = arith.constant 65535 : i32
    %and3A_234 = vector.broadcast %and3A_233 : i32 to vector<16xi32>
    %and3A_235 = arith.andi %get3A_225, %and3A_234 : vector<16xi32>
    %swap3A_236 = arith.constant 64 : index
    %swap3A_237 = tpu.vector_load %arg9[%swap3A_236] {strides = array<i32>} : memref<80xi32, #tpu.memory_space<vmem>>, vector<16xi32>,
    %swap3A_238 = vector.shape_cast %swap3A_237 : vector<16xi32> to vector<16xi32>
    %swap3A_239 = vector.shape_cast %and3A_235 : vector<16xi32> to vector<16xi32>
    tpu.vector_store %arg9[%swap3A_236], %swap3A_239 {strides = array<i32>} : memref<80xi32, #tpu.memory_space<vmem>>, vector<16xi32>,
    %dma_start3A_240 = arith.constant 0 : i32
    %dma_start3A_241 = arith.constant 0 : i32
    %dma_start3A_242 = tpu.memref_slice %arg2[%dma_start3A_240, %dma_start3A_241] : memref<10000x128xf32, #tpu.memory_space<hbm>> -> memref<10000x128xf32, #tpu.memory_space<hbm>>
    tpu.enqueue_indirect_dma source(%dma_start3A_242 : memref<10000x128xf32, #tpu.memory_space<hbm>>) target(%arg12 : memref<80x128xf32, #tpu.memory_space<vmem>>) offsets(%arg6 : memref<80xi32, #tpu.memory_space<vmem>>) semaphore(%arg16 : memref<!tpu.dma_semaphore, #tpu.memory_space<semaphore_mem>>)
    %get3A_243 = arith.constant 1 : i32
    %get3A_244 = arith.index_cast %get3A_243 : i32 to index
    %get3A_245 = arith.constant 0 : index
    %get3A_246 = tpu.vector_load %arg5[%get3A_244, %get3A_245] {strides = array<i32>} : memref<125x80xi32, #tpu.memory_space<vmem>>, vector<1x16xi32>,
    %get3A_247 = vector.shape_cast %get3A_246 : vector<1x16xi32> to vector<16xi32>
    %shift_right_logical3A_248 = arith.constant 16 : i32
    %shift_right_logical3A_249 = vector.broadcast %shift_right_logical3A_248 : i32 to vector<16xi32>
    %shift_right_logical3A_250 = arith.shrui %get3A_247, %shift_right_logical3A_249 : vector<16xi32>
    %swap3A_251 = arith.constant 0 : index
    %swap3A_252 = tpu.vector_load %arg7[%swap3A_251] {strides = array<i32>} : memref<80xi32, #tpu.memory_space<vmem>>, vector<16xi32>,
    %swap3A_253 = vector.shape_cast %swap3A_252 : vector<16xi32> to vector<16xi32>
    %swap3A_254 = vector.shape_cast %shift_right_logical3A_250 : vector<16xi32> to vector<16xi32>
    tpu.vector_store %arg7[%swap3A_251], %swap3A_254 {strides = array<i32>} : memref<80xi32, #tpu.memory_space<vmem>>, vector<16xi32>,
    %and3A_255 = arith.constant 65535 : i32
    %and3A_256 = vector.broadcast %and3A_255 : i32 to vector<16xi32>
    %and3A_257 = arith.andi %get3A_247, %and3A_256 : vector<16xi32>
    %swap3A_258 = arith.constant 0 : index
    %swap3A_259 = tpu.vector_load %arg10[%swap3A_258] {strides = array<i32>} : memref<80xi32, #tpu.memory_space<vmem>>, vector<16xi32>,
    %swap3A_260 = vector.shape_cast %swap3A_259 : vector<16xi32> to vector<16xi32>
    %swap3A_261 = vector.shape_cast %and3A_257 : vector<16xi32> to vector<16xi32>
    tpu.vector_store %arg10[%swap3A_258], %swap3A_261 {strides = array<i32>} : memref<80xi32, #tpu.memory_space<vmem>>, vector<16xi32>,
    %get3A_262 = arith.constant 1 : i32
    %get3A_263 = arith.index_cast %get3A_262 : i32 to index
    %get3A_264 = arith.constant 16 : index
    %get3A_265 = tpu.vector_load %arg5[%get3A_263, %get3A_264] {strides = array<i32>} : memref<125x80xi32, #tpu.memory_space<vmem>>, vector<1x16xi32>,
    %get3A_266 = vector.shape_cast %get3A_265 : vector<1x16xi32> to vector<16xi32>
    %shift_right_logical3A_267 = arith.constant 16 : i32
    %shift_right_logical3A_268 = vector.broadcast %shift_right_logical3A_267 : i32 to vector<16xi32>
    %shift_right_logical3A_269 = arith.shrui %get3A_266, %shift_right_logical3A_268 : vector<16xi32>
    %swap3A_270 = arith.constant 16 : index
    %swap3A_271 = tpu.vector_load %arg7[%swap3A_270] {strides = array<i32>} : memref<80xi32, #tpu.memory_space<vmem>>, vector<16xi32>,
    %swap3A_272 = vector.shape_cast %swap3A_271 : vector<16xi32> to vector<16xi32>
    %swap3A_273 = vector.shape_cast %shift_right_logical3A_269 : vector<16xi32> to vector<16xi32>
    tpu.vector_store %arg7[%swap3A_270], %swap3A_273 {strides = array<i32>} : memref<80xi32, #tpu.memory_space<vmem>>, vector<16xi32>,
    %and3A_274 = arith.constant 65535 : i32
    %and3A_275 = vector.broadcast %and3A_274 : i32 to vector<16xi32>
    %and3A_276 = arith.andi %get3A_266, %and3A_275 : vector<16xi32>
    %swap3A_277 = arith.constant 16 : index
    %swap3A_278 = tpu.vector_load %arg10[%swap3A_277] {strides = array<i32>} : memref<80xi32, #tpu.memory_space<vmem>>, vector<16xi32>,
    %swap3A_279 = vector.shape_cast %swap3A_278 : vector<16xi32> to vector<16xi32>
    %swap3A_280 = vector.shape_cast %and3A_276 : vector<16xi32> to vector<16xi32>
    tpu.vector_store %arg10[%swap3A_277], %swap3A_280 {strides = array<i32>} : memref<80xi32, #tpu.memory_space<vmem>>, vector<16xi32>,
    %get3A_281 = arith.constant 1 : i32
    %get3A_282 = arith.index_cast %get3A_281 : i32 to index
    %get3A_283 = arith.constant 32 : index
    %get3A_284 = tpu.vector_load %arg5[%get3A_282, %get3A_283] {strides = array<i32>} : memref<125x80xi32, #tpu.memory_space<vmem>>, vector<1x16xi32>,
    %get3A_285 = vector.shape_cast %get3A_284 : vector<1x16xi32> to vector<16xi32>
    %shift_right_logical3A_286 = arith.constant 16 : i32
    %shift_right_logical3A_287 = vector.broadcast %shift_right_logical3A_286 : i32 to vector<16xi32>
    %shift_right_logical3A_288 = arith.shrui %get3A_285, %shift_right_logical3A_287 : vector<16xi32>
    %swap3A_289 = arith.constant 32 : index
    %swap3A_290 = tpu.vector_load %arg7[%swap3A_289] {strides = array<i32>} : memref<80xi32, #tpu.memory_space<vmem>>, vector<16xi32>,
    %swap3A_291 = vector.shape_cast %swap3A_290 : vector<16xi32> to vector<16xi32>
    %swap3A_292 = vector.shape_cast %shift_right_logical3A_288 : vector<16xi32> to vector<16xi32>
    tpu.vector_store %arg7[%swap3A_289], %swap3A_292 {strides = array<i32>} : memref<80xi32, #tpu.memory_space<vmem>>, vector<16xi32>,
    %and3A_293 = arith.constant 65535 : i32
    %and3A_294 = vector.broadcast %and3A_293 : i32 to vector<16xi32>
    %and3A_295 = arith.andi %get3A_285, %and3A_294 : vector<16xi32>
    %swap3A_296 = arith.constant 32 : index
    %swap3A_297 = tpu.vector_load %arg10[%swap3A_296] {strides = array<i32>} : memref<80xi32, #tpu.memory_space<vmem>>, vector<16xi32>,
    %swap3A_298 = vector.shape_cast %swap3A_297 : vector<16xi32> to vector<16xi32>
    %swap3A_299 = vector.shape_cast %and3A_295 : vector<16xi32> to vector<16xi32>
    tpu.vector_store %arg10[%swap3A_296], %swap3A_299 {strides = array<i32>} : memref<80xi32, #tpu.memory_space<vmem>>, vector<16xi32>,
    %get3A_300 = arith.constant 1 : i32
    %get3A_301 = arith.index_cast %get3A_300 : i32 to index
    %get3A_302 = arith.constant 48 : index
    %get3A_303 = tpu.vector_load %arg5[%get3A_301, %get3A_302] {strides = array<i32>} : memref<125x80xi32, #tpu.memory_space<vmem>>, vector<1x16xi32>,
    %get3A_304 = vector.shape_cast %get3A_303 : vector<1x16xi32> to vector<16xi32>
    %shift_right_logical3A_305 = arith.constant 16 : i32
    %shift_right_logical3A_306 = vector.broadcast %shift_right_logical3A_305 : i32 to vector<16xi32>
    %shift_right_logical3A_307 = arith.shrui %get3A_304, %shift_right_logical3A_306 : vector<16xi32>
    %swap3A_308 = arith.constant 48 : index
    %swap3A_309 = tpu.vector_load %arg7[%swap3A_308] {strides = array<i32>} : memref<80xi32, #tpu.memory_space<vmem>>, vector<16xi32>,
    %swap3A_310 = vector.shape_cast %swap3A_309 : vector<16xi32> to vector<16xi32>
    %swap3A_311 = vector.shape_cast %shift_right_logical3A_307 : vector<16xi32> to vector<16xi32>
    tpu.vector_store %arg7[%swap3A_308], %swap3A_311 {strides = array<i32>} : memref<80xi32, #tpu.memory_space<vmem>>, vector<16xi32>,
    %and3A_312 = arith.constant 65535 : i32
    %and3A_313 = vector.broadcast %and3A_312 : i32 to vector<16xi32>
    %and3A_314 = arith.andi %get3A_304, %and3A_313 : vector<16xi32>
    %swap3A_315 = arith.constant 48 : index
    %swap3A_316 = tpu.vector_load %arg10[%swap3A_315] {strides = array<i32>} : memref<80xi32, #tpu.memory_space<vmem>>, vector<16xi32>,
    %swap3A_317 = vector.shape_cast %swap3A_316 : vector<16xi32> to vector<16xi32>
    %swap3A_318 = vector.shape_cast %and3A_314 : vector<16xi32> to vector<16xi32>
    tpu.vector_store %arg10[%swap3A_315], %swap3A_318 {strides = array<i32>} : memref<80xi32, #tpu.memory_space<vmem>>, vector<16xi32>,
    %get3A_319 = arith.constant 1 : i32
    %get3A_320 = arith.index_cast %get3A_319 : i32 to index
    %get3A_321 = arith.constant 64 : index
    %get3A_322 = tpu.vector_load %arg5[%get3A_320, %get3A_321] {strides = array<i32>} : memref<125x80xi32, #tpu.memory_space<vmem>>, vector<1x16xi32>,
    %get3A_323 = vector.shape_cast %get3A_322 : vector<1x16xi32> to vector<16xi32>
    %shift_right_logical3A_324 = arith.constant 16 : i32
    %shift_right_logical3A_325 = vector.broadcast %shift_right_logical3A_324 : i32 to vector<16xi32>
    %shift_right_logical3A_326 = arith.shrui %get3A_323, %shift_right_logical3A_325 : vector<16xi32>
    %swap3A_327 = arith.constant 64 : index
    %swap3A_328 = tpu.vector_load %arg7[%swap3A_327] {strides = array<i32>} : memref<80xi32, #tpu.memory_space<vmem>>, vector<16xi32>,
    %swap3A_329 = vector.shape_cast %swap3A_328 : vector<16xi32> to vector<16xi32>
    %swap3A_330 = vector.shape_cast %shift_right_logical3A_326 : vector<16xi32> to vector<16xi32>
    tpu.vector_store %arg7[%swap3A_327], %swap3A_330 {strides = array<i32>} : memref<80xi32, #tpu.memory_space<vmem>>, vector<16xi32>,
    %and3A_331 = arith.constant 65535 : i32
    %and3A_332 = vector.broadcast %and3A_331 : i32 to vector<16xi32>
    %and3A_333 = arith.andi %get3A_323, %and3A_332 : vector<16xi32>
    %swap3A_334 = arith.constant 64 : index
    %swap3A_335 = tpu.vector_load %arg10[%swap3A_334] {strides = array<i32>} : memref<80xi32, #tpu.memory_space<vmem>>, vector<16xi32>,
    %swap3A_336 = vector.shape_cast %swap3A_335 : vector<16xi32> to vector<16xi32>
    %swap3A_337 = vector.shape_cast %and3A_333 : vector<16xi32> to vector<16xi32>
    tpu.vector_store %arg10[%swap3A_334], %swap3A_337 {strides = array<i32>} : memref<80xi32, #tpu.memory_space<vmem>>, vector<16xi32>,
    %dma_start3A_338 = arith.constant 0 : i32
    %dma_start3A_339 = arith.constant 0 : i32
    %dma_start3A_340 = tpu.memref_slice %arg2[%dma_start3A_338, %dma_start3A_339] : memref<10000x128xf32, #tpu.memory_space<hbm>> -> memref<10000x128xf32, #tpu.memory_space<hbm>>
    tpu.enqueue_indirect_dma source(%dma_start3A_340 : memref<10000x128xf32, #tpu.memory_space<hbm>>) target(%arg13 : memref<80x128xf32, #tpu.memory_space<vmem>>) offsets(%arg7 : memref<80xi32, #tpu.memory_space<vmem>>) semaphore(%arg17 : memref<!tpu.dma_semaphore, #tpu.memory_space<semaphore_mem>>)
    %get3A_341 = arith.constant 2 : i32
    %get3A_342 = arith.index_cast %get3A_341 : i32 to index
    %get3A_343 = arith.constant 0 : index
    %get3A_344 = tpu.vector_load %arg5[%get3A_342, %get3A_343] {strides = array<i32>} : memref<125x80xi32, #tpu.memory_space<vmem>>, vector<1x16xi32>,
    %get3A_345 = vector.shape_cast %get3A_344 : vector<1x16xi32> to vector<16xi32>
    %shift_right_logical3A_346 = arith.constant 16 : i32
    %shift_right_logical3A_347 = vector.broadcast %shift_right_logical3A_346 : i32 to vector<16xi32>
    %shift_right_logical3A_348 = arith.shrui %get3A_345, %shift_right_logical3A_347 : vector<16xi32>
    %swap3A_349 = arith.constant 0 : index
    %swap3A_350 = tpu.vector_load %arg8[%swap3A_349] {strides = array<i32>} : memref<80xi32, #tpu.memory_space<vmem>>, vector<16xi32>,
    %swap3A_351 = vector.shape_cast %swap3A_350 : vector<16xi32> to vector<16xi32>
    %swap3A_352 = vector.shape_cast %shift_right_logical3A_348 : vector<16xi32> to vector<16xi32>
    tpu.vector_store %arg8[%swap3A_349], %swap3A_352 {strides = array<i32>} : memref<80xi32, #tpu.memory_space<vmem>>, vector<16xi32>,
    %and3A_353 = arith.constant 65535 : i32
    %and3A_354 = vector.broadcast %and3A_353 : i32 to vector<16xi32>
    %and3A_355 = arith.andi %get3A_345, %and3A_354 : vector<16xi32>
    %swap3A_356 = arith.constant 0 : index
    %swap3A_357 = tpu.vector_load %arg11[%swap3A_356] {strides = array<i32>} : memref<80xi32, #tpu.memory_space<vmem>>, vector<16xi32>,
    %swap3A_358 = vector.shape_cast %swap3A_357 : vector<16xi32> to vector<16xi32>
    %swap3A_359 = vector.shape_cast %and3A_355 : vector<16xi32> to vector<16xi32>
    tpu.vector_store %arg11[%swap3A_356], %swap3A_359 {strides = array<i32>} : memref<80xi32, #tpu.memory_space<vmem>>, vector<16xi32>,
    %get3A_360 = arith.constant 2 : i32
    %get3A_361 = arith.index_cast %get3A_360 : i32 to index
    %get3A_362 = arith.constant 16 : index
    %get3A_363 = tpu.vector_load %arg5[%get3A_361, %get3A_362] {strides = array<i32>} : memref<125x80xi32, #tpu.memory_space<vmem>>, vector<1x16xi32>,
    %get3A_364 = vector.shape_cast %get3A_363 : vector<1x16xi32> to vector<16xi32>
    %shift_right_logical3A_365 = arith.constant 16 : i32
    %shift_right_logical3A_366 = vector.broadcast %shift_right_logical3A_365 : i32 to vector<16xi32>
    %shift_right_logical3A_367 = arith.shrui %get3A_364, %shift_right_logical3A_366 : vector<16xi32>
    %swap3A_368 = arith.constant 16 : index
    %swap3A_369 = tpu.vector_load %arg8[%swap3A_368] {strides = array<i32>} : memref<80xi32, #tpu.memory_space<vmem>>, vector<16xi32>,
    %swap3A_370 = vector.shape_cast %swap3A_369 : vector<16xi32> to vector<16xi32>
    %swap3A_371 = vector.shape_cast %shift_right_logical3A_367 : vector<16xi32> to vector<16xi32>
    tpu.vector_store %arg8[%swap3A_368], %swap3A_371 {strides = array<i32>} : memref<80xi32, #tpu.memory_space<vmem>>, vector<16xi32>,
    %and3A_372 = arith.constant 65535 : i32
    %and3A_373 = vector.broadcast %and3A_372 : i32 to vector<16xi32>
    %and3A_374 = arith.andi %get3A_364, %and3A_373 : vector<16xi32>
    %swap3A_375 = arith.constant 16 : index
    %swap3A_376 = tpu.vector_load %arg11[%swap3A_375] {strides = array<i32>} : memref<80xi32, #tpu.memory_space<vmem>>, vector<16xi32>,
    %swap3A_377 = vector.shape_cast %swap3A_376 : vector<16xi32> to vector<16xi32>
    %swap3A_378 = vector.shape_cast %and3A_374 : vector<16xi32> to vector<16xi32>
    tpu.vector_store %arg11[%swap3A_375], %swap3A_378 {strides = array<i32>} : memref<80xi32, #tpu.memory_space<vmem>>, vector<16xi32>,
    %get3A_379 = arith.constant 2 : i32
    %get3A_380 = arith.index_cast %get3A_379 : i32 to index
    %get3A_381 = arith.constant 32 : index
    %get3A_382 = tpu.vector_load %arg5[%get3A_380, %get3A_381] {strides = array<i32>} : memref<125x80xi32, #tpu.memory_space<vmem>>, vector<1x16xi32>,
    %get3A_383 = vector.shape_cast %get3A_382 : vector<1x16xi32> to vector<16xi32>
    %shift_right_logical3A_384 = arith.constant 16 : i32
    %shift_right_logical3A_385 = vector.broadcast %shift_right_logical3A_384 : i32 to vector<16xi32>
    %shift_right_logical3A_386 = arith.shrui %get3A_383, %shift_right_logical3A_385 : vector<16xi32>
    %swap3A_387 = arith.constant 32 : index
    %swap3A_388 = tpu.vector_load %arg8[%swap3A_387] {strides = array<i32>} : memref<80xi32, #tpu.memory_space<vmem>>, vector<16xi32>,
    %swap3A_389 = vector.shape_cast %swap3A_388 : vector<16xi32> to vector<16xi32>
    %swap3A_390 = vector.shape_cast %shift_right_logical3A_386 : vector<16xi32> to vector<16xi32>
    tpu.vector_store %arg8[%swap3A_387], %swap3A_390 {strides = array<i32>} : memref<80xi32, #tpu.memory_space<vmem>>, vector<16xi32>,
    %and3A_391 = arith.constant 65535 : i32
    %and3A_392 = vector.broadcast %and3A_391 : i32 to vector<16xi32>
    %and3A_393 = arith.andi %get3A_383, %and3A_392 : vector<16xi32>
    %swap3A_394 = arith.constant 32 : index
    %swap3A_395 = tpu.vector_load %arg11[%swap3A_394] {strides = array<i32>} : memref<80xi32, #tpu.memory_space<vmem>>, vector<16xi32>,
    %swap3A_396 = vector.shape_cast %swap3A_395 : vector<16xi32> to vector<16xi32>
    %swap3A_397 = vector.shape_cast %and3A_393 : vector<16xi32> to vector<16xi32>
    tpu.vector_store %arg11[%swap3A_394], %swap3A_397 {strides = array<i32>} : memref<80xi32, #tpu.memory_space<vmem>>, vector<16xi32>,
    %get3A_398 = arith.constant 2 : i32
    %get3A_399 = arith.index_cast %get3A_398 : i32 to index
    %get3A_400 = arith.constant 48 : index
    %get3A_401 = tpu.vector_load %arg5[%get3A_399, %get3A_400] {strides = array<i32>} : memref<125x80xi32, #tpu.memory_space<vmem>>, vector<1x16xi32>,
    %get3A_402 = vector.shape_cast %get3A_401 : vector<1x16xi32> to vector<16xi32>
    %shift_right_logical3A_403 = arith.constant 16 : i32
    %shift_right_logical3A_404 = vector.broadcast %shift_right_logical3A_403 : i32 to vector<16xi32>
    %shift_right_logical3A_405 = arith.shrui %get3A_402, %shift_right_logical3A_404 : vector<16xi32>
    %swap3A_406 = arith.constant 48 : index
    %swap3A_407 = tpu.vector_load %arg8[%swap3A_406] {strides = array<i32>} : memref<80xi32, #tpu.memory_space<vmem>>, vector<16xi32>,
    %swap3A_408 = vector.shape_cast %swap3A_407 : vector<16xi32> to vector<16xi32>
    %swap3A_409 = vector.shape_cast %shift_right_logical3A_405 : vector<16xi32> to vector<16xi32>
    tpu.vector_store %arg8[%swap3A_406], %swap3A_409 {strides = array<i32>} : memref<80xi32, #tpu.memory_space<vmem>>, vector<16xi32>,
    %and3A_410 = arith.constant 65535 : i32
    %and3A_411 = vector.broadcast %and3A_410 : i32 to vector<16xi32>
    %and3A_412 = arith.andi %get3A_402, %and3A_411 : vector<16xi32>
    %swap3A_413 = arith.constant 48 : index
    %swap3A_414 = tpu.vector_load %arg11[%swap3A_413] {strides = array<i32>} : memref<80xi32, #tpu.memory_space<vmem>>, vector<16xi32>,
    %swap3A_415 = vector.shape_cast %swap3A_414 : vector<16xi32> to vector<16xi32>
    %swap3A_416 = vector.shape_cast %and3A_412 : vector<16xi32> to vector<16xi32>
    tpu.vector_store %arg11[%swap3A_413], %swap3A_416 {strides = array<i32>} : memref<80xi32, #tpu.memory_space<vmem>>, vector<16xi32>,
    %get3A_417 = arith.constant 2 : i32
    %get3A_418 = arith.index_cast %get3A_417 : i32 to index
    %get3A_419 = arith.constant 64 : index
    %get3A_420 = tpu.vector_load %arg5[%get3A_418, %get3A_419] {strides = array<i32>} : memref<125x80xi32, #tpu.memory_space<vmem>>, vector<1x16xi32>,
    %get3A_421 = vector.shape_cast %get3A_420 : vector<1x16xi32> to vector<16xi32>
    %shift_right_logical3A_422 = arith.constant 16 : i32
    %shift_right_logical3A_423 = vector.broadcast %shift_right_logical3A_422 : i32 to vector<16xi32>
    %shift_right_logical3A_424 = arith.shrui %get3A_421, %shift_right_logical3A_423 : vector<16xi32>
    %swap3A_425 = arith.constant 64 : index
    %swap3A_426 = tpu.vector_load %arg8[%swap3A_425] {strides = array<i32>} : memref<80xi32, #tpu.memory_space<vmem>>, vector<16xi32>,
    %swap3A_427 = vector.shape_cast %swap3A_426 : vector<16xi32> to vector<16xi32>
    %swap3A_428 = vector.shape_cast %shift_right_logical3A_424 : vector<16xi32> to vector<16xi32>
    tpu.vector_store %arg8[%swap3A_425], %swap3A_428 {strides = array<i32>} : memref<80xi32, #tpu.memory_space<vmem>>, vector<16xi32>,
    %and3A_429 = arith.constant 65535 : i32
    %and3A_430 = vector.broadcast %and3A_429 : i32 to vector<16xi32>
    %and3A_431 = arith.andi %get3A_421, %and3A_430 : vector<16xi32>
    %swap3A_432 = arith.constant 64 : index
    %swap3A_433 = tpu.vector_load %arg11[%swap3A_432] {strides = array<i32>} : memref<80xi32, #tpu.memory_space<vmem>>, vector<16xi32>,
    %swap3A_434 = vector.shape_cast %swap3A_433 : vector<16xi32> to vector<16xi32>
    %swap3A_435 = vector.shape_cast %and3A_431 : vector<16xi32> to vector<16xi32>
    tpu.vector_store %arg11[%swap3A_432], %swap3A_435 {strides = array<i32>} : memref<80xi32, #tpu.memory_space<vmem>>, vector<16xi32>,
    %dma_start3A_436 = arith.constant 0 : i32
    %dma_start3A_437 = arith.constant 0 : i32
    %dma_start3A_438 = tpu.memref_slice %arg2[%dma_start3A_436, %dma_start3A_437] : memref<10000x128xf32, #tpu.memory_space<hbm>> -> memref<10000x128xf32, #tpu.memory_space<hbm>>
    tpu.enqueue_indirect_dma source(%dma_start3A_438 : memref<10000x128xf32, #tpu.memory_space<hbm>>) target(%arg14 : memref<80x128xf32, #tpu.memory_space<vmem>>) offsets(%arg8 : memref<80xi32, #tpu.memory_space<vmem>>) semaphore(%arg18 : memref<!tpu.dma_semaphore, #tpu.memory_space<semaphore_mem>>)
    %barrier3A = arith.constant 0 : index
    tpu.barrier barrier_id(%barrier3A)
    %scan3A_439 = arith.constant 0 : i32
    %scan3A_440 = arith.constant 0 : i32
    %scan3A_441 = arith.constant 41 : i32
    %scan3A_442 = arith.addi %scan3A_440, %scan3A_441 : i32
    %scan3A_443 = arith.constant 1 : i32
    scf.for %scan3A_471 = %scan3A_440 to %scan3A_442 step %scan3A_443  : i32 {
      %mul3A_472 = arith.constant 3 : i32
      %mul3A_473 = arith.muli %scan3A_471, %mul3A_472 : i32
      %add3A_474 = arith.constant 0 : i32
      %add3A_475 = arith.addi %mul3A_473, %add3A_474 : i32
      %dma_wait3A_476 = arith.constant 0 : i32
      %dma_wait3A_477 = arith.constant 0 : i32
      %dma_wait3A_478 = tpu.memref_slice %arg2[%dma_wait3A_476, %dma_wait3A_477] : memref<10000x128xf32, #tpu.memory_space<hbm>> -> memref<10000x128xf32, #tpu.memory_space<hbm>>
      tpu.wait_indirect_dma semaphore(%arg16 : memref<!tpu.dma_semaphore, #tpu.memory_space<semaphore_mem>>) src(%dma_wait3A_478 : memref<10000x128xf32, #tpu.memory_space<hbm>>) dst(%arg12 : memref<80x128xf32, #tpu.memory_space<vmem>>)
      %dma_start3A_479 = arith.constant 0 : i32
      %dma_start3A_480 = arith.constant 0 : i32
      %dma_start3A_481 = tpu.memref_slice %arg15[%dma_start3A_479, %dma_start3A_480] : memref<10240x128xf32, #tpu.memory_space<vmem_shared>> -> memref<10240x128xf32, #tpu.memory_space<vmem_shared>>
      tpu.enqueue_indirect_dma source(%arg12 : memref<80x128xf32, #tpu.memory_space<vmem>>) target(%dma_start3A_481 : memref<10240x128xf32, #tpu.memory_space<vmem_shared>>) offsets(%arg9 : memref<80xi32, #tpu.memory_space<vmem>>) semaphore(%arg19 : memref<!tpu.dma_semaphore, #tpu.memory_space<semaphore_mem>>) {add = true}
      %ge3A = arith.constant 1 : i32
      %ge3A_482 = arith.cmpi sge, %add3A_475, %ge3A : i32
      %add3A_483 = arith.constant 3 : i32
      %add3A_484 = arith.addi %add3A_475, %add3A_483 : i32
      %sub3A = arith.constant 1 : i32
      %sub3A_485 = arith.subi %add3A_484, %sub3A : i32
      %lt3A = arith.constant 125 : i32
      %lt3A_486 = arith.cmpi slt, %sub3A_485, %lt3A : i32
      %and3A_487 = arith.andi %ge3A_482, %lt3A_486 : i1
      %convert_element_type3A = arith.extui %and3A_487 : i1 to i32
      %cond3A = arith.constant 0 : i32
      %cond3A_488 = arith.cmpi ne, %convert_element_type3A, %cond3A : i32
      scf.if %cond3A_488 {
        %dma_wait3A_533 = arith.constant 0 : i32
        %dma_wait3A_534 = arith.constant 0 : i32
        %dma_wait3A_535 = tpu.memref_slice %arg15[%dma_wait3A_533, %dma_wait3A_534] : memref<10240x128xf32, #tpu.memory_space<vmem_shared>> -> memref<10240x128xf32, #tpu.memory_space<vmem_shared>>
        tpu.wait_indirect_dma semaphore(%arg21 : memref<!tpu.dma_semaphore, #tpu.memory_space<semaphore_mem>>) src(%arg14 : memref<80x128xf32, #tpu.memory_space<vmem>>) dst(%dma_wait3A_535 : memref<10240x128xf32, #tpu.memory_space<vmem_shared>>)
        %add3A_536 = arith.constant 3 : i32
        %add3A_537 = arith.addi %add3A_475, %add3A_536 : i32
        %sub3A_538 = arith.constant 1 : i32
        %sub3A_539 = arith.subi %add3A_537, %sub3A_538 : i32
        %get3A_540 = arith.index_cast %sub3A_539 : i32 to index
        %get3A_541 = arith.constant 0 : index
        %get3A_542 = tpu.vector_load %arg5[%get3A_540, %get3A_541] {strides = array<i32>} : memref<125x80xi32, #tpu.memory_space<vmem>>, vector<1x16xi32>,
        %get3A_543 = vector.shape_cast %get3A_542 : vector<1x16xi32> to vector<16xi32>
        %shift_right_logical3A_544 = arith.constant 16 : i32
        %shift_right_logical3A_545 = vector.broadcast %shift_right_logical3A_544 : i32 to vector<16xi32>
        %shift_right_logical3A_546 = arith.shrui %get3A_543, %shift_right_logical3A_545 : vector<16xi32>
        %swap3A_547 = arith.constant 0 : index
        %swap3A_548 = tpu.vector_load %arg8[%swap3A_547] {strides = array<i32>} : memref<80xi32, #tpu.memory_space<vmem>>, vector<16xi32>,
        %swap3A_549 = vector.shape_cast %swap3A_548 : vector<16xi32> to vector<16xi32>
        %swap3A_550 = vector.shape_cast %shift_right_logical3A_546 : vector<16xi32> to vector<16xi32>
        tpu.vector_store %arg8[%swap3A_547], %swap3A_550 {strides = array<i32>} : memref<80xi32, #tpu.memory_space<vmem>>, vector<16xi32>,
        %and3A_551 = arith.constant 65535 : i32
        %and3A_552 = vector.broadcast %and3A_551 : i32 to vector<16xi32>
        %and3A_553 = arith.andi %get3A_543, %and3A_552 : vector<16xi32>
        %swap3A_554 = arith.constant 0 : index
        %swap3A_555 = tpu.vector_load %arg11[%swap3A_554] {strides = array<i32>} : memref<80xi32, #tpu.memory_space<vmem>>, vector<16xi32>,
        %swap3A_556 = vector.shape_cast %swap3A_555 : vector<16xi32> to vector<16xi32>
        %swap3A_557 = vector.shape_cast %and3A_553 : vector<16xi32> to vector<16xi32>
        tpu.vector_store %arg11[%swap3A_554], %swap3A_557 {strides = array<i32>} : memref<80xi32, #tpu.memory_space<vmem>>, vector<16xi32>,
        %get3A_558 = arith.index_cast %sub3A_539 : i32 to index
        %get3A_559 = arith.constant 16 : index
        %get3A_560 = tpu.vector_load %arg5[%get3A_558, %get3A_559] {strides = array<i32>} : memref<125x80xi32, #tpu.memory_space<vmem>>, vector<1x16xi32>,
        %get3A_561 = vector.shape_cast %get3A_560 : vector<1x16xi32> to vector<16xi32>
        %shift_right_logical3A_562 = arith.constant 16 : i32
        %shift_right_logical3A_563 = vector.broadcast %shift_right_logical3A_562 : i32 to vector<16xi32>
        %shift_right_logical3A_564 = arith.shrui %get3A_561, %shift_right_logical3A_563 : vector<16xi32>
        %swap3A_565 = arith.constant 16 : index
        %swap3A_566 = tpu.vector_load %arg8[%swap3A_565] {strides = array<i32>} : memref<80xi32, #tpu.memory_space<vmem>>, vector<16xi32>,
        %swap3A_567 = vector.shape_cast %swap3A_566 : vector<16xi32> to vector<16xi32>
        %swap3A_568 = vector.shape_cast %shift_right_logical3A_564 : vector<16xi32> to vector<16xi32>
        tpu.vector_store %arg8[%swap3A_565], %swap3A_568 {strides = array<i32>} : memref<80xi32, #tpu.memory_space<vmem>>, vector<16xi32>,
        %and3A_569 = arith.constant 65535 : i32
        %and3A_570 = vector.broadcast %and3A_569 : i32 to vector<16xi32>
        %and3A_571 = arith.andi %get3A_561, %and3A_570 : vector<16xi32>
        %swap3A_572 = arith.constant 16 : index
        %swap3A_573 = tpu.vector_load %arg11[%swap3A_572] {strides = array<i32>} : memref<80xi32, #tpu.memory_space<vmem>>, vector<16xi32>,
        %swap3A_574 = vector.shape_cast %swap3A_573 : vector<16xi32> to vector<16xi32>
        %swap3A_575 = vector.shape_cast %and3A_571 : vector<16xi32> to vector<16xi32>
        tpu.vector_store %arg11[%swap3A_572], %swap3A_575 {strides = array<i32>} : memref<80xi32, #tpu.memory_space<vmem>>, vector<16xi32>,
        %get3A_576 = arith.index_cast %sub3A_539 : i32 to index
        %get3A_577 = arith.constant 32 : index
        %get3A_578 = tpu.vector_load %arg5[%get3A_576, %get3A_577] {strides = array<i32>} : memref<125x80xi32, #tpu.memory_space<vmem>>, vector<1x16xi32>,
        %get3A_579 = vector.shape_cast %get3A_578 : vector<1x16xi32> to vector<16xi32>
        %shift_right_logical3A_580 = arith.constant 16 : i32
        %shift_right_logical3A_581 = vector.broadcast %shift_right_logical3A_580 : i32 to vector<16xi32>
        %shift_right_logical3A_582 = arith.shrui %get3A_579, %shift_right_logical3A_581 : vector<16xi32>
        %swap3A_583 = arith.constant 32 : index
        %swap3A_584 = tpu.vector_load %arg8[%swap3A_583] {strides = array<i32>} : memref<80xi32, #tpu.memory_space<vmem>>, vector<16xi32>,
        %swap3A_585 = vector.shape_cast %swap3A_584 : vector<16xi32> to vector<16xi32>
        %swap3A_586 = vector.shape_cast %shift_right_logical3A_582 : vector<16xi32> to vector<16xi32>
        tpu.vector_store %arg8[%swap3A_583], %swap3A_586 {strides = array<i32>} : memref<80xi32, #tpu.memory_space<vmem>>, vector<16xi32>,
        %and3A_587 = arith.constant 65535 : i32
        %and3A_588 = vector.broadcast %and3A_587 : i32 to vector<16xi32>
        %and3A_589 = arith.andi %get3A_579, %and3A_588 : vector<16xi32>
        %swap3A_590 = arith.constant 32 : index
        %swap3A_591 = tpu.vector_load %arg11[%swap3A_590] {strides = array<i32>} : memref<80xi32, #tpu.memory_space<vmem>>, vector<16xi32>,
        %swap3A_592 = vector.shape_cast %swap3A_591 : vector<16xi32> to vector<16xi32>
        %swap3A_593 = vector.shape_cast %and3A_589 : vector<16xi32> to vector<16xi32>
        tpu.vector_store %arg11[%swap3A_590], %swap3A_593 {strides = array<i32>} : memref<80xi32, #tpu.memory_space<vmem>>, vector<16xi32>,
        %get3A_594 = arith.index_cast %sub3A_539 : i32 to index
        %get3A_595 = arith.constant 48 : index
        %get3A_596 = tpu.vector_load %arg5[%get3A_594, %get3A_595] {strides = array<i32>} : memref<125x80xi32, #tpu.memory_space<vmem>>, vector<1x16xi32>,
        %get3A_597 = vector.shape_cast %get3A_596 : vector<1x16xi32> to vector<16xi32>
        %shift_right_logical3A_598 = arith.constant 16 : i32
        %shift_right_logical3A_599 = vector.broadcast %shift_right_logical3A_598 : i32 to vector<16xi32>
        %shift_right_logical3A_600 = arith.shrui %get3A_597, %shift_right_logical3A_599 : vector<16xi32>
        %swap3A_601 = arith.constant 48 : index
        %swap3A_602 = tpu.vector_load %arg8[%swap3A_601] {strides = array<i32>} : memref<80xi32, #tpu.memory_space<vmem>>, vector<16xi32>,
        %swap3A_603 = vector.shape_cast %swap3A_602 : vector<16xi32> to vector<16xi32>
        %swap3A_604 = vector.shape_cast %shift_right_logical3A_600 : vector<16xi32> to vector<16xi32>
        tpu.vector_store %arg8[%swap3A_601], %swap3A_604 {strides = array<i32>} : memref<80xi32, #tpu.memory_space<vmem>>, vector<16xi32>,
        %and3A_605 = arith.constant 65535 : i32
        %and3A_606 = vector.broadcast %and3A_605 : i32 to vector<16xi32>
        %and3A_607 = arith.andi %get3A_597, %and3A_606 : vector<16xi32>
        %swap3A_608 = arith.constant 48 : index
        %swap3A_609 = tpu.vector_load %arg11[%swap3A_608] {strides = array<i32>} : memref<80xi32, #tpu.memory_space<vmem>>, vector<16xi32>,
        %swap3A_610 = vector.shape_cast %swap3A_609 : vector<16xi32> to vector<16xi32>
        %swap3A_611 = vector.shape_cast %and3A_607 : vector<16xi32> to vector<16xi32>
        tpu.vector_store %arg11[%swap3A_608], %swap3A_611 {strides = array<i32>} : memref<80xi32, #tpu.memory_space<vmem>>, vector<16xi32>,
        %get3A_612 = arith.index_cast %sub3A_539 : i32 to index
        %get3A_613 = arith.constant 64 : index
        %get3A_614 = tpu.vector_load %arg5[%get3A_612, %get3A_613] {strides = array<i32>} : memref<125x80xi32, #tpu.memory_space<vmem>>, vector<1x16xi32>,
        %get3A_615 = vector.shape_cast %get3A_614 : vector<1x16xi32> to vector<16xi32>
        %shift_right_logical3A_616 = arith.constant 16 : i32
        %shift_right_logical3A_617 = vector.broadcast %shift_right_logical3A_616 : i32 to vector<16xi32>
        %shift_right_logical3A_618 = arith.shrui %get3A_615, %shift_right_logical3A_617 : vector<16xi32>
        %swap3A_619 = arith.constant 64 : index
        %swap3A_620 = tpu.vector_load %arg8[%swap3A_619] {strides = array<i32>} : memref<80xi32, #tpu.memory_space<vmem>>, vector<16xi32>,
        %swap3A_621 = vector.shape_cast %swap3A_620 : vector<16xi32> to vector<16xi32>
        %swap3A_622 = vector.shape_cast %shift_right_logical3A_618 : vector<16xi32> to vector<16xi32>
        tpu.vector_store %arg8[%swap3A_619], %swap3A_622 {strides = array<i32>} : memref<80xi32, #tpu.memory_space<vmem>>, vector<16xi32>,
        %and3A_623 = arith.constant 65535 : i32
        %and3A_624 = vector.broadcast %and3A_623 : i32 to vector<16xi32>
        %and3A_625 = arith.andi %get3A_615, %and3A_624 : vector<16xi32>
        %swap3A_626 = arith.constant 64 : index
        %swap3A_627 = tpu.vector_load %arg11[%swap3A_626] {strides = array<i32>} : memref<80xi32, #tpu.memory_space<vmem>>, vector<16xi32>,
        %swap3A_628 = vector.shape_cast %swap3A_627 : vector<16xi32> to vector<16xi32>
        %swap3A_629 = vector.shape_cast %and3A_625 : vector<16xi32> to vector<16xi32>
        tpu.vector_store %arg11[%swap3A_626], %swap3A_629 {strides = array<i32>} : memref<80xi32, #tpu.memory_space<vmem>>, vector<16xi32>,
        %dma_start3A_630 = arith.constant 0 : i32
        %dma_start3A_631 = arith.constant 0 : i32
        %dma_start3A_632 = tpu.memref_slice %arg2[%dma_start3A_630, %dma_start3A_631] : memref<10000x128xf32, #tpu.memory_space<hbm>> -> memref<10000x128xf32, #tpu.memory_space<hbm>>
        tpu.enqueue_indirect_dma source(%dma_start3A_632 : memref<10000x128xf32, #tpu.memory_space<hbm>>) target(%arg14 : memref<80x128xf32, #tpu.memory_space<vmem>>) offsets(%arg8 : memref<80xi32, #tpu.memory_space<vmem>>) semaphore(%arg18 : memref<!tpu.dma_semaphore, #tpu.memory_space<semaphore_mem>>)
      } else {
      }
      %mul3A_489 = arith.constant 3 : i32
      %mul3A_490 = arith.muli %scan3A_471, %mul3A_489 : i32
      %add3A_491 = arith.constant 1 : i32
      %add3A_492 = arith.addi %mul3A_490, %add3A_491 : i32
      %dma_wait3A_493 = arith.constant 0 : i32
      %dma_wait3A_494 = arith.constant 0 : i32
      %dma_wait3A_495 = tpu.memref_slice %arg2[%dma_wait3A_493, %dma_wait3A_494] : memref<10000x128xf32, #tpu.memory_space<hbm>> -> memref<10000x128xf32, #tpu.memory_space<hbm>>
      tpu.wait_indirect_dma semaphore(%arg17 : memref<!tpu.dma_semaphore, #tpu.memory_space<semaphore_mem>>) src(%dma_wait3A_495 : memref<10000x128xf32, #tpu.memory_space<hbm>>) dst(%arg13 : memref<80x128xf32, #tpu.memory_space<vmem>>)
      %dma_start3A_496 = arith.constant 0 : i32
      %dma_start3A_497 = arith.constant 0 : i32
      %dma_start3A_498 = tpu.memref_slice %arg15[%dma_start3A_496, %dma_start3A_497] : memref<10240x128xf32, #tpu.memory_space<vmem_shared>> -> memref<10240x128xf32, #tpu.memory_space<vmem_shared>>
      tpu.enqueue_indirect_dma source(%arg13 : memref<80x128xf32, #tpu.memory_space<vmem>>) target(%dma_start3A_498 : memref<10240x128xf32, #tpu.memory_space<vmem_shared>>) offsets(%arg10 : memref<80xi32, #tpu.memory_space<vmem>>) semaphore(%arg20 : memref<!tpu.dma_semaphore, #tpu.memory_space<semaphore_mem>>) {add = true}
      %ge3A_499 = arith.constant 1 : i32
      %ge3A_500 = arith.cmpi sge, %add3A_492, %ge3A_499 : i32
      %add3A_501 = arith.constant 3 : i32
      %add3A_502 = arith.addi %add3A_492, %add3A_501 : i32
      %sub3A_503 = arith.constant 1 : i32
      %sub3A_504 = arith.subi %add3A_502, %sub3A_503 : i32
      %lt3A_505 = arith.constant 125 : i32
      %lt3A_506 = arith.cmpi slt, %sub3A_504, %lt3A_505 : i32
      %and3A_507 = arith.andi %ge3A_500, %lt3A_506 : i1
      %convert_element_type3A_508 = arith.extui %and3A_507 : i1 to i32
      %cond3A_509 = arith.constant 0 : i32
      %cond3A_510 = arith.cmpi ne, %convert_element_type3A_508, %cond3A_509 : i32
      scf.if %cond3A_510 {
        %dma_wait3A_533 = arith.constant 0 : i32
        %dma_wait3A_534 = arith.constant 0 : i32
        %dma_wait3A_535 = tpu.memref_slice %arg15[%dma_wait3A_533, %dma_wait3A_534] : memref<10240x128xf32, #tpu.memory_space<vmem_shared>> -> memref<10240x128xf32, #tpu.memory_space<vmem_shared>>
        tpu.wait_indirect_dma semaphore(%arg19 : memref<!tpu.dma_semaphore, #tpu.memory_space<semaphore_mem>>) src(%arg12 : memref<80x128xf32, #tpu.memory_space<vmem>>) dst(%dma_wait3A_535 : memref<10240x128xf32, #tpu.memory_space<vmem_shared>>)
        %add3A_536 = arith.constant 3 : i32
        %add3A_537 = arith.addi %add3A_492, %add3A_536 : i32
        %sub3A_538 = arith.constant 1 : i32
        %sub3A_539 = arith.subi %add3A_537, %sub3A_538 : i32
        %get3A_540 = arith.index_cast %sub3A_539 : i32 to index
        %get3A_541 = arith.constant 0 : index
        %get3A_542 = tpu.vector_load %arg5[%get3A_540, %get3A_541] {strides = array<i32>} : memref<125x80xi32, #tpu.memory_space<vmem>>, vector<1x16xi32>,
        %get3A_543 = vector.shape_cast %get3A_542 : vector<1x16xi32> to vector<16xi32>
        %shift_right_logical3A_544 = arith.constant 16 : i32
        %shift_right_logical3A_545 = vector.broadcast %shift_right_logical3A_544 : i32 to vector<16xi32>
        %shift_right_logical3A_546 = arith.shrui %get3A_543, %shift_right_logical3A_545 : vector<16xi32>
        %swap3A_547 = arith.constant 0 : index
        %swap3A_548 = tpu.vector_load %arg6[%swap3A_547] {strides = array<i32>} : memref<80xi32, #tpu.memory_space<vmem>>, vector<16xi32>,
        %swap3A_549 = vector.shape_cast %swap3A_548 : vector<16xi32> to vector<16xi32>
        %swap3A_550 = vector.shape_cast %shift_right_logical3A_546 : vector<16xi32> to vector<16xi32>
        tpu.vector_store %arg6[%swap3A_547], %swap3A_550 {strides = array<i32>} : memref<80xi32, #tpu.memory_space<vmem>>, vector<16xi32>,
        %and3A_551 = arith.constant 65535 : i32
        %and3A_552 = vector.broadcast %and3A_551 : i32 to vector<16xi32>
        %and3A_553 = arith.andi %get3A_543, %and3A_552 : vector<16xi32>
        %swap3A_554 = arith.constant 0 : index
        %swap3A_555 = tpu.vector_load %arg9[%swap3A_554] {strides = array<i32>} : memref<80xi32, #tpu.memory_space<vmem>>, vector<16xi32>,
        %swap3A_556 = vector.shape_cast %swap3A_555 : vector<16xi32> to vector<16xi32>
        %swap3A_557 = vector.shape_cast %and3A_553 : vector<16xi32> to vector<16xi32>
        tpu.vector_store %arg9[%swap3A_554], %swap3A_557 {strides = array<i32>} : memref<80xi32, #tpu.memory_space<vmem>>, vector<16xi32>,
        %get3A_558 = arith.index_cast %sub3A_539 : i32 to index
        %get3A_559 = arith.constant 16 : index
        %get3A_560 = tpu.vector_load %arg5[%get3A_558, %get3A_559] {strides = array<i32>} : memref<125x80xi32, #tpu.memory_space<vmem>>, vector<1x16xi32>,
        %get3A_561 = vector.shape_cast %get3A_560 : vector<1x16xi32> to vector<16xi32>
        %shift_right_logical3A_562 = arith.constant 16 : i32
        %shift_right_logical3A_563 = vector.broadcast %shift_right_logical3A_562 : i32 to vector<16xi32>
        %shift_right_logical3A_564 = arith.shrui %get3A_561, %shift_right_logical3A_563 : vector<16xi32>
        %swap3A_565 = arith.constant 16 : index
        %swap3A_566 = tpu.vector_load %arg6[%swap3A_565] {strides = array<i32>} : memref<80xi32, #tpu.memory_space<vmem>>, vector<16xi32>,
        %swap3A_567 = vector.shape_cast %swap3A_566 : vector<16xi32> to vector<16xi32>
        %swap3A_568 = vector.shape_cast %shift_right_logical3A_564 : vector<16xi32> to vector<16xi32>
        tpu.vector_store %arg6[%swap3A_565], %swap3A_568 {strides = array<i32>} : memref<80xi32, #tpu.memory_space<vmem>>, vector<16xi32>,
        %and3A_569 = arith.constant 65535 : i32
        %and3A_570 = vector.broadcast %and3A_569 : i32 to vector<16xi32>
        %and3A_571 = arith.andi %get3A_561, %and3A_570 : vector<16xi32>
        %swap3A_572 = arith.constant 16 : index
        %swap3A_573 = tpu.vector_load %arg9[%swap3A_572] {strides = array<i32>} : memref<80xi32, #tpu.memory_space<vmem>>, vector<16xi32>,
        %swap3A_574 = vector.shape_cast %swap3A_573 : vector<16xi32> to vector<16xi32>
        %swap3A_575 = vector.shape_cast %and3A_571 : vector<16xi32> to vector<16xi32>
        tpu.vector_store %arg9[%swap3A_572], %swap3A_575 {strides = array<i32>} : memref<80xi32, #tpu.memory_space<vmem>>, vector<16xi32>,
        %get3A_576 = arith.index_cast %sub3A_539 : i32 to index
        %get3A_577 = arith.constant 32 : index
        %get3A_578 = tpu.vector_load %arg5[%get3A_576, %get3A_577] {strides = array<i32>} : memref<125x80xi32, #tpu.memory_space<vmem>>, vector<1x16xi32>,
        %get3A_579 = vector.shape_cast %get3A_578 : vector<1x16xi32> to vector<16xi32>
        %shift_right_logical3A_580 = arith.constant 16 : i32
        %shift_right_logical3A_581 = vector.broadcast %shift_right_logical3A_580 : i32 to vector<16xi32>
        %shift_right_logical3A_582 = arith.shrui %get3A_579, %shift_right_logical3A_581 : vector<16xi32>
        %swap3A_583 = arith.constant 32 : index
        %swap3A_584 = tpu.vector_load %arg6[%swap3A_583] {strides = array<i32>} : memref<80xi32, #tpu.memory_space<vmem>>, vector<16xi32>,
        %swap3A_585 = vector.shape_cast %swap3A_584 : vector<16xi32> to vector<16xi32>
        %swap3A_586 = vector.shape_cast %shift_right_logical3A_582 : vector<16xi32> to vector<16xi32>
        tpu.vector_store %arg6[%swap3A_583], %swap3A_586 {strides = array<i32>} : memref<80xi32, #tpu.memory_space<vmem>>, vector<16xi32>,
        %and3A_587 = arith.constant 65535 : i32
        %and3A_588 = vector.broadcast %and3A_587 : i32 to vector<16xi32>
        %and3A_589 = arith.andi %get3A_579, %and3A_588 : vector<16xi32>
        %swap3A_590 = arith.constant 32 : index
        %swap3A_591 = tpu.vector_load %arg9[%swap3A_590] {strides = array<i32>} : memref<80xi32, #tpu.memory_space<vmem>>, vector<16xi32>,
        %swap3A_592 = vector.shape_cast %swap3A_591 : vector<16xi32> to vector<16xi32>
        %swap3A_593 = vector.shape_cast %and3A_589 : vector<16xi32> to vector<16xi32>
        tpu.vector_store %arg9[%swap3A_590], %swap3A_593 {strides = array<i32>} : memref<80xi32, #tpu.memory_space<vmem>>, vector<16xi32>,
        %get3A_594 = arith.index_cast %sub3A_539 : i32 to index
        %get3A_595 = arith.constant 48 : index
        %get3A_596 = tpu.vector_load %arg5[%get3A_594, %get3A_595] {strides = array<i32>} : memref<125x80xi32, #tpu.memory_space<vmem>>, vector<1x16xi32>,
        %get3A_597 = vector.shape_cast %get3A_596 : vector<1x16xi32> to vector<16xi32>
        %shift_right_logical3A_598 = arith.constant 16 : i32
        %shift_right_logical3A_599 = vector.broadcast %shift_right_logical3A_598 : i32 to vector<16xi32>
        %shift_right_logical3A_600 = arith.shrui %get3A_597, %shift_right_logical3A_599 : vector<16xi32>
        %swap3A_601 = arith.constant 48 : index
        %swap3A_602 = tpu.vector_load %arg6[%swap3A_601] {strides = array<i32>} : memref<80xi32, #tpu.memory_space<vmem>>, vector<16xi32>,
        %swap3A_603 = vector.shape_cast %swap3A_602 : vector<16xi32> to vector<16xi32>
        %swap3A_604 = vector.shape_cast %shift_right_logical3A_600 : vector<16xi32> to vector<16xi32>
        tpu.vector_store %arg6[%swap3A_601], %swap3A_604 {strides = array<i32>} : memref<80xi32, #tpu.memory_space<vmem>>, vector<16xi32>,
        %and3A_605 = arith.constant 65535 : i32
        %and3A_606 = vector.broadcast %and3A_605 : i32 to vector<16xi32>
        %and3A_607 = arith.andi %get3A_597, %and3A_606 : vector<16xi32>
        %swap3A_608 = arith.constant 48 : index
        %swap3A_609 = tpu.vector_load %arg9[%swap3A_608] {strides = array<i32>} : memref<80xi32, #tpu.memory_space<vmem>>, vector<16xi32>,
        %swap3A_610 = vector.shape_cast %swap3A_609 : vector<16xi32> to vector<16xi32>
        %swap3A_611 = vector.shape_cast %and3A_607 : vector<16xi32> to vector<16xi32>
        tpu.vector_store %arg9[%swap3A_608], %swap3A_611 {strides = array<i32>} : memref<80xi32, #tpu.memory_space<vmem>>, vector<16xi32>,
        %get3A_612 = arith.index_cast %sub3A_539 : i32 to index
        %get3A_613 = arith.constant 64 : index
        %get3A_614 = tpu.vector_load %arg5[%get3A_612, %get3A_613] {strides = array<i32>} : memref<125x80xi32, #tpu.memory_space<vmem>>, vector<1x16xi32>,
        %get3A_615 = vector.shape_cast %get3A_614 : vector<1x16xi32> to vector<16xi32>
        %shift_right_logical3A_616 = arith.constant 16 : i32
        %shift_right_logical3A_617 = vector.broadcast %shift_right_logical3A_616 : i32 to vector<16xi32>
        %shift_right_logical3A_618 = arith.shrui %get3A_615, %shift_right_logical3A_617 : vector<16xi32>
        %swap3A_619 = arith.constant 64 : index
        %swap3A_620 = tpu.vector_load %arg6[%swap3A_619] {strides = array<i32>} : memref<80xi32, #tpu.memory_space<vmem>>, vector<16xi32>,
        %swap3A_621 = vector.shape_cast %swap3A_620 : vector<16xi32> to vector<16xi32>
        %swap3A_622 = vector.shape_cast %shift_right_logical3A_618 : vector<16xi32> to vector<16xi32>
        tpu.vector_store %arg6[%swap3A_619], %swap3A_622 {strides = array<i32>} : memref<80xi32, #tpu.memory_space<vmem>>, vector<16xi32>,
        %and3A_623 = arith.constant 65535 : i32
        %and3A_624 = vector.broadcast %and3A_623 : i32 to vector<16xi32>
        %and3A_625 = arith.andi %get3A_615, %and3A_624 : vector<16xi32>
        %swap3A_626 = arith.constant 64 : index
        %swap3A_627 = tpu.vector_load %arg9[%swap3A_626] {strides = array<i32>} : memref<80xi32, #tpu.memory_space<vmem>>, vector<16xi32>,
        %swap3A_628 = vector.shape_cast %swap3A_627 : vector<16xi32> to vector<16xi32>
        %swap3A_629 = vector.shape_cast %and3A_625 : vector<16xi32> to vector<16xi32>
        tpu.vector_store %arg9[%swap3A_626], %swap3A_629 {strides = array<i32>} : memref<80xi32, #tpu.memory_space<vmem>>, vector<16xi32>,
        %dma_start3A_630 = arith.constant 0 : i32
        %dma_start3A_631 = arith.constant 0 : i32
        %dma_start3A_632 = tpu.memref_slice %arg2[%dma_start3A_630, %dma_start3A_631] : memref<10000x128xf32, #tpu.memory_space<hbm>> -> memref<10000x128xf32, #tpu.memory_space<hbm>>
        tpu.enqueue_indirect_dma source(%dma_start3A_632 : memref<10000x128xf32, #tpu.memory_space<hbm>>) target(%arg12 : memref<80x128xf32, #tpu.memory_space<vmem>>) offsets(%arg6 : memref<80xi32, #tpu.memory_space<vmem>>) semaphore(%arg16 : memref<!tpu.dma_semaphore, #tpu.memory_space<semaphore_mem>>)
      } else {
      }
      %mul3A_511 = arith.constant 3 : i32
      %mul3A_512 = arith.muli %scan3A_471, %mul3A_511 : i32
      %add3A_513 = arith.constant 2 : i32
      %add3A_514 = arith.addi %mul3A_512, %add3A_513 : i32
      %dma_wait3A_515 = arith.constant 0 : i32
      %dma_wait3A_516 = arith.constant 0 : i32
      %dma_wait3A_517 = tpu.memref_slice %arg2[%dma_wait3A_515, %dma_wait3A_516] : memref<10000x128xf32, #tpu.memory_space<hbm>> -> memref<10000x128xf32, #tpu.memory_space<hbm>>
      tpu.wait_indirect_dma semaphore(%arg18 : memref<!tpu.dma_semaphore, #tpu.memory_space<semaphore_mem>>) src(%dma_wait3A_517 : memref<10000x128xf32, #tpu.memory_space<hbm>>) dst(%arg14 : memref<80x128xf32, #tpu.memory_space<vmem>>)
      %dma_start3A_518 = arith.constant 0 : i32
      %dma_start3A_519 = arith.constant 0 : i32
      %dma_start3A_520 = tpu.memref_slice %arg15[%dma_start3A_518, %dma_start3A_519] : memref<10240x128xf32, #tpu.memory_space<vmem_shared>> -> memref<10240x128xf32, #tpu.memory_space<vmem_shared>>
      tpu.enqueue_indirect_dma source(%arg14 : memref<80x128xf32, #tpu.memory_space<vmem>>) target(%dma_start3A_520 : memref<10240x128xf32, #tpu.memory_space<vmem_shared>>) offsets(%arg11 : memref<80xi32, #tpu.memory_space<vmem>>) semaphore(%arg21 : memref<!tpu.dma_semaphore, #tpu.memory_space<semaphore_mem>>) {add = true}
      %ge3A_521 = arith.constant 1 : i32
      %ge3A_522 = arith.cmpi sge, %add3A_514, %ge3A_521 : i32
      %add3A_523 = arith.constant 3 : i32
      %add3A_524 = arith.addi %add3A_514, %add3A_523 : i32
      %sub3A_525 = arith.constant 1 : i32
      %sub3A_526 = arith.subi %add3A_524, %sub3A_525 : i32
      %lt3A_527 = arith.constant 125 : i32
      %lt3A_528 = arith.cmpi slt, %sub3A_526, %lt3A_527 : i32
      %and3A_529 = arith.andi %ge3A_522, %lt3A_528 : i1
      %convert_element_type3A_530 = arith.extui %and3A_529 : i1 to i32
      %cond3A_531 = arith.constant 0 : i32
      %cond3A_532 = arith.cmpi ne, %convert_element_type3A_530, %cond3A_531 : i32
      scf.if %cond3A_532 {
        %dma_wait3A_533 = arith.constant 0 : i32
        %dma_wait3A_534 = arith.constant 0 : i32
        %dma_wait3A_535 = tpu.memref_slice %arg15[%dma_wait3A_533, %dma_wait3A_534] : memref<10240x128xf32, #tpu.memory_space<vmem_shared>> -> memref<10240x128xf32, #tpu.memory_space<vmem_shared>>
        tpu.wait_indirect_dma semaphore(%arg20 : memref<!tpu.dma_semaphore, #tpu.memory_space<semaphore_mem>>) src(%arg13 : memref<80x128xf32, #tpu.memory_space<vmem>>) dst(%dma_wait3A_535 : memref<10240x128xf32, #tpu.memory_space<vmem_shared>>)
        %add3A_536 = arith.constant 3 : i32
        %add3A_537 = arith.addi %add3A_514, %add3A_536 : i32
        %sub3A_538 = arith.constant 1 : i32
        %sub3A_539 = arith.subi %add3A_537, %sub3A_538 : i32
        %get3A_540 = arith.index_cast %sub3A_539 : i32 to index
        %get3A_541 = arith.constant 0 : index
        %get3A_542 = tpu.vector_load %arg5[%get3A_540, %get3A_541] {strides = array<i32>} : memref<125x80xi32, #tpu.memory_space<vmem>>, vector<1x16xi32>,
        %get3A_543 = vector.shape_cast %get3A_542 : vector<1x16xi32> to vector<16xi32>
        %shift_right_logical3A_544 = arith.constant 16 : i32
        %shift_right_logical3A_545 = vector.broadcast %shift_right_logical3A_544 : i32 to vector<16xi32>
        %shift_right_logical3A_546 = arith.shrui %get3A_543, %shift_right_logical3A_545 : vector<16xi32>
        %swap3A_547 = arith.constant 0 : index
        %swap3A_548 = tpu.vector_load %arg7[%swap3A_547] {strides = array<i32>} : memref<80xi32, #tpu.memory_space<vmem>>, vector<16xi32>,
        %swap3A_549 = vector.shape_cast %swap3A_548 : vector<16xi32> to vector<16xi32>
        %swap3A_550 = vector.shape_cast %shift_right_logical3A_546 : vector<16xi32> to vector<16xi32>
        tpu.vector_store %arg7[%swap3A_547], %swap3A_550 {strides = array<i32>} : memref<80xi32, #tpu.memory_space<vmem>>, vector<16xi32>,
        %and3A_551 = arith.constant 65535 : i32
        %and3A_552 = vector.broadcast %and3A_551 : i32 to vector<16xi32>
        %and3A_553 = arith.andi %get3A_543, %and3A_552 : vector<16xi32>
        %swap3A_554 = arith.constant 0 : index
        %swap3A_555 = tpu.vector_load %arg10[%swap3A_554] {strides = array<i32>} : memref<80xi32, #tpu.memory_space<vmem>>, vector<16xi32>,
        %swap3A_556 = vector.shape_cast %swap3A_555 : vector<16xi32> to vector<16xi32>
        %swap3A_557 = vector.shape_cast %and3A_553 : vector<16xi32> to vector<16xi32>
        tpu.vector_store %arg10[%swap3A_554], %swap3A_557 {strides = array<i32>} : memref<80xi32, #tpu.memory_space<vmem>>, vector<16xi32>,
        %get3A_558 = arith.index_cast %sub3A_539 : i32 to index
        %get3A_559 = arith.constant 16 : index
        %get3A_560 = tpu.vector_load %arg5[%get3A_558, %get3A_559] {strides = array<i32>} : memref<125x80xi32, #tpu.memory_space<vmem>>, vector<1x16xi32>,
        %get3A_561 = vector.shape_cast %get3A_560 : vector<1x16xi32> to vector<16xi32>
        %shift_right_logical3A_562 = arith.constant 16 : i32
        %shift_right_logical3A_563 = vector.broadcast %shift_right_logical3A_562 : i32 to vector<16xi32>
        %shift_right_logical3A_564 = arith.shrui %get3A_561, %shift_right_logical3A_563 : vector<16xi32>
        %swap3A_565 = arith.constant 16 : index
        %swap3A_566 = tpu.vector_load %arg7[%swap3A_565] {strides = array<i32>} : memref<80xi32, #tpu.memory_space<vmem>>, vector<16xi32>,
        %swap3A_567 = vector.shape_cast %swap3A_566 : vector<16xi32> to vector<16xi32>
        %swap3A_568 = vector.shape_cast %shift_right_logical3A_564 : vector<16xi32> to vector<16xi32>
        tpu.vector_store %arg7[%swap3A_565], %swap3A_568 {strides = array<i32>} : memref<80xi32, #tpu.memory_space<vmem>>, vector<16xi32>,
        %and3A_569 = arith.constant 65535 : i32
        %and3A_570 = vector.broadcast %and3A_569 : i32 to vector<16xi32>
        %and3A_571 = arith.andi %get3A_561, %and3A_570 : vector<16xi32>
        %swap3A_572 = arith.constant 16 : index
        %swap3A_573 = tpu.vector_load %arg10[%swap3A_572] {strides = array<i32>} : memref<80xi32, #tpu.memory_space<vmem>>, vector<16xi32>,
        %swap3A_574 = vector.shape_cast %swap3A_573 : vector<16xi32> to vector<16xi32>
        %swap3A_575 = vector.shape_cast %and3A_571 : vector<16xi32> to vector<16xi32>
        tpu.vector_store %arg10[%swap3A_572], %swap3A_575 {strides = array<i32>} : memref<80xi32, #tpu.memory_space<vmem>>, vector<16xi32>,
        %get3A_576 = arith.index_cast %sub3A_539 : i32 to index
        %get3A_577 = arith.constant 32 : index
        %get3A_578 = tpu.vector_load %arg5[%get3A_576, %get3A_577] {strides = array<i32>} : memref<125x80xi32, #tpu.memory_space<vmem>>, vector<1x16xi32>,
        %get3A_579 = vector.shape_cast %get3A_578 : vector<1x16xi32> to vector<16xi32>
        %shift_right_logical3A_580 = arith.constant 16 : i32
        %shift_right_logical3A_581 = vector.broadcast %shift_right_logical3A_580 : i32 to vector<16xi32>
        %shift_right_logical3A_582 = arith.shrui %get3A_579, %shift_right_logical3A_581 : vector<16xi32>
        %swap3A_583 = arith.constant 32 : index
        %swap3A_584 = tpu.vector_load %arg7[%swap3A_583] {strides = array<i32>} : memref<80xi32, #tpu.memory_space<vmem>>, vector<16xi32>,
        %swap3A_585 = vector.shape_cast %swap3A_584 : vector<16xi32> to vector<16xi32>
        %swap3A_586 = vector.shape_cast %shift_right_logical3A_582 : vector<16xi32> to vector<16xi32>
        tpu.vector_store %arg7[%swap3A_583], %swap3A_586 {strides = array<i32>} : memref<80xi32, #tpu.memory_space<vmem>>, vector<16xi32>,
        %and3A_587 = arith.constant 65535 : i32
        %and3A_588 = vector.broadcast %and3A_587 : i32 to vector<16xi32>
        %and3A_589 = arith.andi %get3A_579, %and3A_588 : vector<16xi32>
        %swap3A_590 = arith.constant 32 : index
        %swap3A_591 = tpu.vector_load %arg10[%swap3A_590] {strides = array<i32>} : memref<80xi32, #tpu.memory_space<vmem>>, vector<16xi32>,
        %swap3A_592 = vector.shape_cast %swap3A_591 : vector<16xi32> to vector<16xi32>
        %swap3A_593 = vector.shape_cast %and3A_589 : vector<16xi32> to vector<16xi32>
        tpu.vector_store %arg10[%swap3A_590], %swap3A_593 {strides = array<i32>} : memref<80xi32, #tpu.memory_space<vmem>>, vector<16xi32>,
        %get3A_594 = arith.index_cast %sub3A_539 : i32 to index
        %get3A_595 = arith.constant 48 : index
        %get3A_596 = tpu.vector_load %arg5[%get3A_594, %get3A_595] {strides = array<i32>} : memref<125x80xi32, #tpu.memory_space<vmem>>, vector<1x16xi32>,
        %get3A_597 = vector.shape_cast %get3A_596 : vector<1x16xi32> to vector<16xi32>
        %shift_right_logical3A_598 = arith.constant 16 : i32
        %shift_right_logical3A_599 = vector.broadcast %shift_right_logical3A_598 : i32 to vector<16xi32>
        %shift_right_logical3A_600 = arith.shrui %get3A_597, %shift_right_logical3A_599 : vector<16xi32>
        %swap3A_601 = arith.constant 48 : index
        %swap3A_602 = tpu.vector_load %arg7[%swap3A_601] {strides = array<i32>} : memref<80xi32, #tpu.memory_space<vmem>>, vector<16xi32>,
        %swap3A_603 = vector.shape_cast %swap3A_602 : vector<16xi32> to vector<16xi32>
        %swap3A_604 = vector.shape_cast %shift_right_logical3A_600 : vector<16xi32> to vector<16xi32>
        tpu.vector_store %arg7[%swap3A_601], %swap3A_604 {strides = array<i32>} : memref<80xi32, #tpu.memory_space<vmem>>, vector<16xi32>,
        %and3A_605 = arith.constant 65535 : i32
        %and3A_606 = vector.broadcast %and3A_605 : i32 to vector<16xi32>
        %and3A_607 = arith.andi %get3A_597, %and3A_606 : vector<16xi32>
        %swap3A_608 = arith.constant 48 : index
        %swap3A_609 = tpu.vector_load %arg10[%swap3A_608] {strides = array<i32>} : memref<80xi32, #tpu.memory_space<vmem>>, vector<16xi32>,
        %swap3A_610 = vector.shape_cast %swap3A_609 : vector<16xi32> to vector<16xi32>
        %swap3A_611 = vector.shape_cast %and3A_607 : vector<16xi32> to vector<16xi32>
        tpu.vector_store %arg10[%swap3A_608], %swap3A_611 {strides = array<i32>} : memref<80xi32, #tpu.memory_space<vmem>>, vector<16xi32>,
        %get3A_612 = arith.index_cast %sub3A_539 : i32 to index
        %get3A_613 = arith.constant 64 : index
        %get3A_614 = tpu.vector_load %arg5[%get3A_612, %get3A_613] {strides = array<i32>} : memref<125x80xi32, #tpu.memory_space<vmem>>, vector<1x16xi32>,
        %get3A_615 = vector.shape_cast %get3A_614 : vector<1x16xi32> to vector<16xi32>
        %shift_right_logical3A_616 = arith.constant 16 : i32
        %shift_right_logical3A_617 = vector.broadcast %shift_right_logical3A_616 : i32 to vector<16xi32>
        %shift_right_logical3A_618 = arith.shrui %get3A_615, %shift_right_logical3A_617 : vector<16xi32>
        %swap3A_619 = arith.constant 64 : index
        %swap3A_620 = tpu.vector_load %arg7[%swap3A_619] {strides = array<i32>} : memref<80xi32, #tpu.memory_space<vmem>>, vector<16xi32>,
        %swap3A_621 = vector.shape_cast %swap3A_620 : vector<16xi32> to vector<16xi32>
        %swap3A_622 = vector.shape_cast %shift_right_logical3A_618 : vector<16xi32> to vector<16xi32>
        tpu.vector_store %arg7[%swap3A_619], %swap3A_622 {strides = array<i32>} : memref<80xi32, #tpu.memory_space<vmem>>, vector<16xi32>,
        %and3A_623 = arith.constant 65535 : i32
        %and3A_624 = vector.broadcast %and3A_623 : i32 to vector<16xi32>
        %and3A_625 = arith.andi %get3A_615, %and3A_624 : vector<16xi32>
        %swap3A_626 = arith.constant 64 : index
        %swap3A_627 = tpu.vector_load %arg10[%swap3A_626] {strides = array<i32>} : memref<80xi32, #tpu.memory_space<vmem>>, vector<16xi32>,
        %swap3A_628 = vector.shape_cast %swap3A_627 : vector<16xi32> to vector<16xi32>
        %swap3A_629 = vector.shape_cast %and3A_625 : vector<16xi32> to vector<16xi32>
        tpu.vector_store %arg10[%swap3A_626], %swap3A_629 {strides = array<i32>} : memref<80xi32, #tpu.memory_space<vmem>>, vector<16xi32>,
        %dma_start3A_630 = arith.constant 0 : i32
        %dma_start3A_631 = arith.constant 0 : i32
        %dma_start3A_632 = tpu.memref_slice %arg2[%dma_start3A_630, %dma_start3A_631] : memref<10000x128xf32, #tpu.memory_space<hbm>> -> memref<10000x128xf32, #tpu.memory_space<hbm>>
        tpu.enqueue_indirect_dma source(%dma_start3A_632 : memref<10000x128xf32, #tpu.memory_space<hbm>>) target(%arg13 : memref<80x128xf32, #tpu.memory_space<vmem>>) offsets(%arg7 : memref<80xi32, #tpu.memory_space<vmem>>) semaphore(%arg17 : memref<!tpu.dma_semaphore, #tpu.memory_space<semaphore_mem>>)
      } else {
      }
    }
    %scan3A_444 = arith.constant 41 : i32
    %dma_wait3A_445 = arith.constant 0 : i32
    %dma_wait3A_446 = arith.constant 0 : i32
    %dma_wait3A_447 = tpu.memref_slice %arg2[%dma_wait3A_445, %dma_wait3A_446] : memref<10000x128xf32, #tpu.memory_space<hbm>> -> memref<10000x128xf32, #tpu.memory_space<hbm>>
    tpu.wait_indirect_dma semaphore(%arg16 : memref<!tpu.dma_semaphore, #tpu.memory_space<semaphore_mem>>) src(%dma_wait3A_447 : memref<10000x128xf32, #tpu.memory_space<hbm>>) dst(%arg12 : memref<80x128xf32, #tpu.memory_space<vmem>>)
    %dma_start3A_448 = arith.constant 0 : i32
    %dma_start3A_449 = arith.constant 0 : i32
    %dma_start3A_450 = tpu.memref_slice %arg15[%dma_start3A_448, %dma_start3A_449] : memref<10240x128xf32, #tpu.memory_space<vmem_shared>> -> memref<10240x128xf32, #tpu.memory_space<vmem_shared>>
    tpu.enqueue_indirect_dma source(%arg12 : memref<80x128xf32, #tpu.memory_space<vmem>>) target(%dma_start3A_450 : memref<10240x128xf32, #tpu.memory_space<vmem_shared>>) offsets(%arg9 : memref<80xi32, #tpu.memory_space<vmem>>) semaphore(%arg19 : memref<!tpu.dma_semaphore, #tpu.memory_space<semaphore_mem>>) {add = true}
    %dma_wait3A_451 = arith.constant 0 : i32
    %dma_wait3A_452 = arith.constant 0 : i32
    %dma_wait3A_453 = tpu.memref_slice %arg2[%dma_wait3A_451, %dma_wait3A_452] : memref<10000x128xf32, #tpu.memory_space<hbm>> -> memref<10000x128xf32, #tpu.memory_space<hbm>>
    tpu.wait_indirect_dma semaphore(%arg17 : memref<!tpu.dma_semaphore, #tpu.memory_space<semaphore_mem>>) src(%dma_wait3A_453 : memref<10000x128xf32, #tpu.memory_space<hbm>>) dst(%arg13 : memref<80x128xf32, #tpu.memory_space<vmem>>)
    %dma_start3A_454 = arith.constant 0 : i32
    %dma_start3A_455 = arith.constant 0 : i32
    %dma_start3A_456 = tpu.memref_slice %arg15[%dma_start3A_454, %dma_start3A_455] : memref<10240x128xf32, #tpu.memory_space<vmem_shared>> -> memref<10240x128xf32, #tpu.memory_space<vmem_shared>>
    tpu.enqueue_indirect_dma source(%arg13 : memref<80x128xf32, #tpu.memory_space<vmem>>) target(%dma_start3A_456 : memref<10240x128xf32, #tpu.memory_space<vmem_shared>>) offsets(%arg10 : memref<80xi32, #tpu.memory_space<vmem>>) semaphore(%arg20 : memref<!tpu.dma_semaphore, #tpu.memory_space<semaphore_mem>>) {add = true}
    %dma_wait3A_457 = arith.constant 0 : i32
    %dma_wait3A_458 = arith.constant 0 : i32
    %dma_wait3A_459 = tpu.memref_slice %arg15[%dma_wait3A_457, %dma_wait3A_458] : memref<10240x128xf32, #tpu.memory_space<vmem_shared>> -> memref<10240x128xf32, #tpu.memory_space<vmem_shared>>
    tpu.wait_indirect_dma semaphore(%arg19 : memref<!tpu.dma_semaphore, #tpu.memory_space<semaphore_mem>>) src(%arg12 : memref<80x128xf32, #tpu.memory_space<vmem>>) dst(%dma_wait3A_459 : memref<10240x128xf32, #tpu.memory_space<vmem_shared>>)
    %dma_wait3A_460 = arith.constant 0 : i32
    %dma_wait3A_461 = arith.constant 0 : i32
    %dma_wait3A_462 = tpu.memref_slice %arg15[%dma_wait3A_460, %dma_wait3A_461] : memref<10240x128xf32, #tpu.memory_space<vmem_shared>> -> memref<10240x128xf32, #tpu.memory_space<vmem_shared>>
    tpu.wait_indirect_dma semaphore(%arg20 : memref<!tpu.dma_semaphore, #tpu.memory_space<semaphore_mem>>) src(%arg13 : memref<80x128xf32, #tpu.memory_space<vmem>>) dst(%dma_wait3A_462 : memref<10240x128xf32, #tpu.memory_space<vmem_shared>>)
    %dma_wait3A_463 = arith.constant 0 : i32
    %dma_wait3A_464 = arith.constant 0 : i32
    %dma_wait3A_465 = tpu.memref_slice %arg15[%dma_wait3A_463, %dma_wait3A_464] : memref<10240x128xf32, #tpu.memory_space<vmem_shared>> -> memref<10240x128xf32, #tpu.memory_space<vmem_shared>>
    tpu.wait_indirect_dma semaphore(%arg21 : memref<!tpu.dma_semaphore, #tpu.memory_space<semaphore_mem>>) src(%arg14 : memref<80x128xf32, #tpu.memory_space<vmem>>) dst(%dma_wait3A_465 : memref<10240x128xf32, #tpu.memory_space<vmem_shared>>)
    %barrier3A_466 = arith.constant 0 : index
    tpu.barrier barrier_id(%barrier3A_466)
    %mul3A_467 = arith.constant 640 : i32
    %mul3A_468 = arith.muli %arg1, %mul3A_467 : i32
    %mul3A_469 = arith.constant 640 : i32
    %mul3A_470 = arith.muli %arg1, %mul3A_469 : i32
    "tpu.region"() ({
      %run_scoped3A = tpu.sem_alloc : memref<!tpu.dma_semaphore, #tpu.memory_space<semaphore_mem>>
      %dma_start3A_471 = arith.constant 0 : i32
      %dma_start3A_472 = arith.constant 0 : i32
      %dma_start3A_473 = tpu.memref_slice %arg4[%arg0, %dma_start3A_471, %dma_start3A_472] : memref<2x10240x128xf32, #tpu.memory_space<hbm>> -> memref<1x10240x128xf32, #tpu.memory_space<hbm>>
      %dma_start3A_474 = tpu.memref_squeeze %dma_start3A_473 : memref<1x10240x128xf32, #tpu.memory_space<hbm>> -> memref<10240x128xf32, #tpu.memory_space<hbm>>
      %dma_start3A_475 = arith.constant 0 : i32
      %dma_start3A_476 = tpu.memref_slice %dma_start3A_474[%mul3A_470, %dma_start3A_475] : memref<10240x128xf32, #tpu.memory_space<hbm>> -> memref<640x128xf32, #tpu.memory_space<hbm>>
      %dma_start3A_477 = arith.constant 0 : i32
      %dma_start3A_478 = tpu.memref_slice %arg15[%mul3A_468, %dma_start3A_477] : memref<10240x128xf32, #tpu.memory_space<vmem_shared>> -> memref<640x128xf32, #tpu.memory_space<vmem_shared>>
      tpu.enqueue_dma source(%dma_start3A_478 : memref<640x128xf32, #tpu.memory_space<vmem_shared>>) target(%dma_start3A_476 : memref<640x128xf32, #tpu.memory_space<hbm>>) target_semaphore(%run_scoped3A : memref<!tpu.dma_semaphore, #tpu.memory_space<semaphore_mem>>)
      %dma_wait3A_479 = arith.constant 0 : i32
      %dma_wait3A_480 = arith.constant 0 : i32
      %dma_wait3A_481 = tpu.memref_slice %arg4[%arg0, %dma_wait3A_479, %dma_wait3A_480] : memref<2x10240x128xf32, #tpu.memory_space<hbm>> -> memref<1x10240x128xf32, #tpu.memory_space<hbm>>
      %dma_wait3A_482 = tpu.memref_squeeze %dma_wait3A_481 : memref<1x10240x128xf32, #tpu.memory_space<hbm>> -> memref<10240x128xf32, #tpu.memory_space<hbm>>
      %dma_wait3A_483 = arith.constant 0 : i32
      %dma_wait3A_484 = tpu.memref_slice %dma_wait3A_482[%mul3A_470, %dma_wait3A_483] : memref<10240x128xf32, #tpu.memory_space<hbm>> -> memref<640x128xf32, #tpu.memory_space<hbm>>
      %dma_wait3A_485 = arith.constant 0 : i32
      %dma_wait3A_486 = tpu.memref_slice %arg15[%mul3A_468, %dma_wait3A_485] : memref<10240x128xf32, #tpu.memory_space<vmem_shared>> -> memref<640x128xf32, #tpu.memory_space<vmem_shared>>
      tpu.wait_dma2 semaphore(%run_scoped3A : memref<!tpu.dma_semaphore, #tpu.memory_space<semaphore_mem>>) src(%dma_wait3A_486 : memref<640x128xf32, #tpu.memory_space<vmem_shared>>) dst(%dma_wait3A_484 : memref<640x128xf32, #tpu.memory_space<hbm>>)
      tpu.yield
    }) : () -> ()
    return
  }
}

#map = affine_map<(d0, d1) -> (0, 0)>
#map1 = affine_map<(d0, d1) -> (0, 0, 0)>
module attributes {stable_mosaic.version = 14 : i64} {
  func.func @_sc_segment_sum(%arg0: i32, %arg1: i32, %arg2: memref<10000x128xf32, #tpu.memory_space<hbm>>, %arg3: memref<32x125x80xi32, #tpu.memory_space<hbm>>, %arg4: memref<2x10240x128xf32, #tpu.memory_space<hbm>>, %arg5: memref<125x80xi32, #tpu.memory_space<vmem>>, %arg6: memref<80xi32, #tpu.memory_space<vmem>>, %arg7: memref<80xi32, #tpu.memory_space<vmem>>, %arg8: memref<80xi32, #tpu.memory_space<vmem>>, %arg9: memref<80xi32, #tpu.memory_space<vmem>>, %arg10: memref<80xi32, #tpu.memory_space<vmem>>, %arg11: memref<80xi32, #tpu.memory_space<vmem>>, %arg12: memref<80x128xf32, #tpu.memory_space<vmem>>, %arg13: memref<80x128xf32, #tpu.memory_space<vmem>>, %arg14: memref<80x128xf32, #tpu.memory_space<vmem>>, %arg15: memref<10240x128xf32, #tpu.memory_space<vmem_shared>>, %arg16: memref<!tpu.dma_semaphore, #tpu.memory_space<semaphore_mem>>, %arg17: memref<!tpu.dma_semaphore, #tpu.memory_space<semaphore_mem>>, %arg18: memref<!tpu.dma_semaphore, #tpu.memory_space<semaphore_mem>>, %arg19: memref<!tpu.dma_semaphore, #tpu.memory_space<semaphore_mem>>, %arg20: memref<!tpu.dma_semaphore, #tpu.memory_space<semaphore_mem>>, %arg21: memref<!tpu.dma_semaphore, #tpu.memory_space<semaphore_mem>>, %arg22: memref<!tpu.dma_semaphore, #tpu.memory_space<semaphore_mem>>, %arg23: memref<!tpu.dma_semaphore, #tpu.memory_space<semaphore_mem>>) attributes {dimension_semantics = [#tpu.dimension_semantics<core_parallel>, #tpu.dimension_semantics<subcore_parallel>], iteration_bounds = array<i64: 2, 16>, scalar_prefetch = 0 : i64, scratch_operands = 19 : i64, tpu.core_type = #tpu.core_type<sc_vector_subcore>, window_params = [{transform_indices = #map}, {transform_indices = #map1}, {transform_indices = #map1}]} {
    %mul3A = arith.constant 2 : i32
    %mul3A_0 = arith.muli %arg1, %mul3A : i32
    %add3A = arith.addi %mul3A_0, %arg0 : i32
    %dma_start3A = arith.constant 0 : i32
    %dma_start3A_1 = arith.constant 0 : i32
    %dma_start3A_2 = tpu.memref_slice %arg3[%add3A, %dma_start3A, %dma_start3A_1] : memref<32x125x80xi32, #tpu.memory_space<hbm>> -> memref<1x125x80xi32, #tpu.memory_space<hbm>>
    %dma_start3A_3 = tpu.memref_squeeze %dma_start3A_2 : memref<1x125x80xi32, #tpu.memory_space<hbm>> -> memref<125x80xi32, #tpu.memory_space<hbm>>
    %dma_start3A_4 = arith.constant 0 : i32
    %dma_start3A_5 = arith.constant 0 : i32
    %dma_start3A_6 = tpu.memref_slice %arg3[%add3A, %dma_start3A_4, %dma_start3A_5] : memref<32x125x80xi32, #tpu.memory_space<hbm>> -> memref<1x125x80xi32, #tpu.memory_space<hbm>>
    %dma_start3A_7 = tpu.memref_squeeze %dma_start3A_6 : memref<1x125x80xi32, #tpu.memory_space<hbm>> -> memref<125x80xi32, #tpu.memory_space<hbm>>
    tpu.enqueue_dma source(%dma_start3A_7 : memref<125x80xi32, #tpu.memory_space<hbm>>) target(%arg5 : memref<125x80xi32, #tpu.memory_space<vmem>>) target_semaphore(%arg22 : memref<!tpu.dma_semaphore, #tpu.memory_space<semaphore_mem>>)
    %broadcast_in_dim3A = arith.constant 0.000000e+00 : f32
    %broadcast_in_dim3A_8 = vector.broadcast %broadcast_in_dim3A : f32 to vector<16xf32>
    %scan3A = arith.constant 0 : i32
    %scan3A_9 = arith.constant 0 : i32
    %scan3A_10 = arith.constant 80 : i32
    %scan3A_11 = arith.addi %scan3A_9, %scan3A_10 : i32
    %scan3A_12 = arith.constant 1 : i32
    scf.for %scan3A_471 = %scan3A_9 to %scan3A_11 step %scan3A_12  : i32 {
      %swap3A_472 = arith.index_cast %scan3A_471 : i32 to index
      %swap3A_473 = arith.constant 0 : index
      %swap3A_474 = tpu.vector_load %arg12[%swap3A_472, %swap3A_473] {strides = array<i32>} : memref<80x128xf32, #tpu.memory_space<vmem>>, vector<1x16xf32>,
      %swap3A_475 = vector.shape_cast %swap3A_474 : vector<1x16xf32> to vector<16xf32>
      %swap3A_476 = vector.shape_cast %broadcast_in_dim3A_8 : vector<16xf32> to vector<1x16xf32>
      tpu.vector_store %arg12[%swap3A_472, %swap3A_473], %swap3A_476 {strides = array<i32>} : memref<80x128xf32, #tpu.memory_space<vmem>>, vector<1x16xf32>,
      %swap3A_477 = arith.index_cast %scan3A_471 : i32 to index
      %swap3A_478 = arith.constant 16 : index
      %swap3A_479 = tpu.vector_load %arg12[%swap3A_477, %swap3A_478] {strides = array<i32>} : memref<80x128xf32, #tpu.memory_space<vmem>>, vector<1x16xf32>,
      %swap3A_480 = vector.shape_cast %swap3A_479 : vector<1x16xf32> to vector<16xf32>
      %swap3A_481 = vector.shape_cast %broadcast_in_dim3A_8 : vector<16xf32> to vector<1x16xf32>
      tpu.vector_store %arg12[%swap3A_477, %swap3A_478], %swap3A_481 {strides = array<i32>} : memref<80x128xf32, #tpu.memory_space<vmem>>, vector<1x16xf32>,
      %swap3A_482 = arith.index_cast %scan3A_471 : i32 to index
      %swap3A_483 = arith.constant 32 : index
      %swap3A_484 = tpu.vector_load %arg12[%swap3A_482, %swap3A_483] {strides = array<i32>} : memref<80x128xf32, #tpu.memory_space<vmem>>, vector<1x16xf32>,
      %swap3A_485 = vector.shape_cast %swap3A_484 : vector<1x16xf32> to vector<16xf32>
      %swap3A_486 = vector.shape_cast %broadcast_in_dim3A_8 : vector<16xf32> to vector<1x16xf32>
      tpu.vector_store %arg12[%swap3A_482, %swap3A_483], %swap3A_486 {strides = array<i32>} : memref<80x128xf32, #tpu.memory_space<vmem>>, vector<1x16xf32>,
      %swap3A_487 = arith.index_cast %scan3A_471 : i32 to index
      %swap3A_488 = arith.constant 48 : index
      %swap3A_489 = tpu.vector_load %arg12[%swap3A_487, %swap3A_488] {strides = array<i32>} : memref<80x128xf32, #tpu.memory_space<vmem>>, vector<1x16xf32>,
      %swap3A_490 = vector.shape_cast %swap3A_489 : vector<1x16xf32> to vector<16xf32>
      %swap3A_491 = vector.shape_cast %broadcast_in_dim3A_8 : vector<16xf32> to vector<1x16xf32>
      tpu.vector_store %arg12[%swap3A_487, %swap3A_488], %swap3A_491 {strides = array<i32>} : memref<80x128xf32, #tpu.memory_space<vmem>>, vector<1x16xf32>,
      %swap3A_492 = arith.index_cast %scan3A_471 : i32 to index
      %swap3A_493 = arith.constant 64 : index
      %swap3A_494 = tpu.vector_load %arg12[%swap3A_492, %swap3A_493] {strides = array<i32>} : memref<80x128xf32, #tpu.memory_space<vmem>>, vector<1x16xf32>,
      %swap3A_495 = vector.shape_cast %swap3A_494 : vector<1x16xf32> to vector<16xf32>
      %swap3A_496 = vector.shape_cast %broadcast_in_dim3A_8 : vector<16xf32> to vector<1x16xf32>
      tpu.vector_store %arg12[%swap3A_492, %swap3A_493], %swap3A_496 {strides = array<i32>} : memref<80x128xf32, #tpu.memory_space<vmem>>, vector<1x16xf32>,
      %swap3A_497 = arith.index_cast %scan3A_471 : i32 to index
      %swap3A_498 = arith.constant 80 : index
      %swap3A_499 = tpu.vector_load %arg12[%swap3A_497, %swap3A_498] {strides = array<i32>} : memref<80x128xf32, #tpu.memory_space<vmem>>, vector<1x16xf32>,
      %swap3A_500 = vector.shape_cast %swap3A_499 : vector<1x16xf32> to vector<16xf32>
      %swap3A_501 = vector.shape_cast %broadcast_in_dim3A_8 : vector<16xf32> to vector<1x16xf32>
      tpu.vector_store %arg12[%swap3A_497, %swap3A_498], %swap3A_501 {strides = array<i32>} : memref<80x128xf32, #tpu.memory_space<vmem>>, vector<1x16xf32>,
      %swap3A_502 = arith.index_cast %scan3A_471 : i32 to index
      %swap3A_503 = arith.constant 96 : index
      %swap3A_504 = tpu.vector_load %arg12[%swap3A_502, %swap3A_503] {strides = array<i32>} : memref<80x128xf32, #tpu.memory_space<vmem>>, vector<1x16xf32>,
      %swap3A_505 = vector.shape_cast %swap3A_504 : vector<1x16xf32> to vector<16xf32>
      %swap3A_506 = vector.shape_cast %broadcast_in_dim3A_8 : vector<16xf32> to vector<1x16xf32>
      tpu.vector_store %arg12[%swap3A_502, %swap3A_503], %swap3A_506 {strides = array<i32>} : memref<80x128xf32, #tpu.memory_space<vmem>>, vector<1x16xf32>,
      %swap3A_507 = arith.index_cast %scan3A_471 : i32 to index
      %swap3A_508 = arith.constant 112 : index
      %swap3A_509 = tpu.vector_load %arg12[%swap3A_507, %swap3A_508] {strides = array<i32>} : memref<80x128xf32, #tpu.memory_space<vmem>>, vector<1x16xf32>,
      %swap3A_510 = vector.shape_cast %swap3A_509 : vector<1x16xf32> to vector<16xf32>
      %swap3A_511 = vector.shape_cast %broadcast_in_dim3A_8 : vector<16xf32> to vector<1x16xf32>
      tpu.vector_store %arg12[%swap3A_507, %swap3A_508], %swap3A_511 {strides = array<i32>} : memref<80x128xf32, #tpu.memory_space<vmem>>, vector<1x16xf32>,
    }
    %scan3A_13 = arith.constant 80 : i32
    %mul3A_14 = arith.constant 640 : i32
    %mul3A_15 = arith.muli %arg1, %mul3A_14 : i32
    %add3A_16 = arith.constant 0 : i32
    %add3A_17 = arith.addi %mul3A_15, %add3A_16 : i32
    %dma_start3A_18 = arith.constant 0 : i32
    %dma_start3A_19 = tpu.memref_slice %arg15[%add3A_17, %dma_start3A_18] : memref<10240x128xf32, #tpu.memory_space<vmem_shared>> -> memref<80x128xf32, #tpu.memory_space<vmem_shared>>
    %dma_start3A_20 = arith.constant 0 : i32
    %dma_start3A_21 = tpu.memref_slice %arg15[%add3A_17, %dma_start3A_20] : memref<10240x128xf32, #tpu.memory_space<vmem_shared>> -> memref<80x128xf32, #tpu.memory_space<vmem_shared>>
    tpu.enqueue_dma source(%arg12 : memref<80x128xf32, #tpu.memory_space<vmem>>) target(%dma_start3A_21 : memref<80x128xf32, #tpu.memory_space<vmem_shared>>) target_semaphore(%arg23 : memref<!tpu.dma_semaphore, #tpu.memory_space<semaphore_mem>>)
    %mul3A_22 = arith.constant 640 : i32
    %mul3A_23 = arith.muli %arg1, %mul3A_22 : i32
    %add3A_24 = arith.constant 80 : i32
    %add3A_25 = arith.addi %mul3A_23, %add3A_24 : i32
    %dma_start3A_26 = arith.constant 0 : i32
    %dma_start3A_27 = tpu.memref_slice %arg15[%add3A_25, %dma_start3A_26] : memref<10240x128xf32, #tpu.memory_space<vmem_shared>> -> memref<80x128xf32, #tpu.memory_space<vmem_shared>>
    %dma_start3A_28 = arith.constant 0 : i32
    %dma_start3A_29 = tpu.memref_slice %arg15[%add3A_25, %dma_start3A_28] : memref<10240x128xf32, #tpu.memory_space<vmem_shared>> -> memref<80x128xf32, #tpu.memory_space<vmem_shared>>
    tpu.enqueue_dma source(%arg12 : memref<80x128xf32, #tpu.memory_space<vmem>>) target(%dma_start3A_29 : memref<80x128xf32, #tpu.memory_space<vmem_shared>>) target_semaphore(%arg23 : memref<!tpu.dma_semaphore, #tpu.memory_space<semaphore_mem>>)
    %mul3A_30 = arith.constant 640 : i32
    %mul3A_31 = arith.muli %arg1, %mul3A_30 : i32
    %add3A_32 = arith.constant 160 : i32
    %add3A_33 = arith.addi %mul3A_31, %add3A_32 : i32
    %dma_start3A_34 = arith.constant 0 : i32
    %dma_start3A_35 = tpu.memref_slice %arg15[%add3A_33, %dma_start3A_34] : memref<10240x128xf32, #tpu.memory_space<vmem_shared>> -> memref<80x128xf32, #tpu.memory_space<vmem_shared>>
    %dma_start3A_36 = arith.constant 0 : i32
    %dma_start3A_37 = tpu.memref_slice %arg15[%add3A_33, %dma_start3A_36] : memref<10240x128xf32, #tpu.memory_space<vmem_shared>> -> memref<80x128xf32, #tpu.memory_space<vmem_shared>>
    tpu.enqueue_dma source(%arg12 : memref<80x128xf32, #tpu.memory_space<vmem>>) target(%dma_start3A_37 : memref<80x128xf32, #tpu.memory_space<vmem_shared>>) target_semaphore(%arg23 : memref<!tpu.dma_semaphore, #tpu.memory_space<semaphore_mem>>)
    %mul3A_38 = arith.constant 640 : i32
    %mul3A_39 = arith.muli %arg1, %mul3A_38 : i32
    %add3A_40 = arith.constant 240 : i32
    %add3A_41 = arith.addi %mul3A_39, %add3A_40 : i32
    %dma_start3A_42 = arith.constant 0 : i32
    %dma_start3A_43 = tpu.memref_slice %arg15[%add3A_41, %dma_start3A_42] : memref<10240x128xf32, #tpu.memory_space<vmem_shared>> -> memref<80x128xf32, #tpu.memory_space<vmem_shared>>
    %dma_start3A_44 = arith.constant 0 : i32
    %dma_start3A_45 = tpu.memref_slice %arg15[%add3A_41, %dma_start3A_44] : memref<10240x128xf32, #tpu.memory_space<vmem_shared>> -> memref<80x128xf32, #tpu.memory_space<vmem_shared>>
    tpu.enqueue_dma source(%arg12 : memref<80x128xf32, #tpu.memory_space<vmem>>) target(%dma_start3A_45 : memref<80x128xf32, #tpu.memory_space<vmem_shared>>) target_semaphore(%arg23 : memref<!tpu.dma_semaphore, #tpu.memory_space<semaphore_mem>>)
    %mul3A_46 = arith.constant 640 : i32
    %mul3A_47 = arith.muli %arg1, %mul3A_46 : i32
    %add3A_48 = arith.constant 320 : i32
    %add3A_49 = arith.addi %mul3A_47, %add3A_48 : i32
    %dma_start3A_50 = arith.constant 0 : i32
    %dma_start3A_51 = tpu.memref_slice %arg15[%add3A_49, %dma_start3A_50] : memref<10240x128xf32, #tpu.memory_space<vmem_shared>> -> memref<80x128xf32, #tpu.memory_space<vmem_shared>>
    %dma_start3A_52 = arith.constant 0 : i32
    %dma_start3A_53 = tpu.memref_slice %arg15[%add3A_49, %dma_start3A_52] : memref<10240x128xf32, #tpu.memory_space<vmem_shared>> -> memref<80x128xf32, #tpu.memory_space<vmem_shared>>
    tpu.enqueue_dma source(%arg12 : memref<80x128xf32, #tpu.memory_space<vmem>>) target(%dma_start3A_53 : memref<80x128xf32, #tpu.memory_space<vmem_shared>>) target_semaphore(%arg23 : memref<!tpu.dma_semaphore, #tpu.memory_space<semaphore_mem>>)
    %mul3A_54 = arith.constant 640 : i32
    %mul3A_55 = arith.muli %arg1, %mul3A_54 : i32
    %add3A_56 = arith.constant 400 : i32
    %add3A_57 = arith.addi %mul3A_55, %add3A_56 : i32
    %dma_start3A_58 = arith.constant 0 : i32
    %dma_start3A_59 = tpu.memref_slice %arg15[%add3A_57, %dma_start3A_58] : memref<10240x128xf32, #tpu.memory_space<vmem_shared>> -> memref<80x128xf32, #tpu.memory_space<vmem_shared>>
    %dma_start3A_60 = arith.constant 0 : i32
    %dma_start3A_61 = tpu.memref_slice %arg15[%add3A_57, %dma_start3A_60] : memref<10240x128xf32, #tpu.memory_space<vmem_shared>> -> memref<80x128xf32, #tpu.memory_space<vmem_shared>>
    tpu.enqueue_dma source(%arg12 : memref<80x128xf32, #tpu.memory_space<vmem>>) target(%dma_start3A_61 : memref<80x128xf32, #tpu.memory_space<vmem_shared>>) target_semaphore(%arg23 : memref<!tpu.dma_semaphore, #tpu.memory_space<semaphore_mem>>)
    %mul3A_62 = arith.constant 640 : i32
    %mul3A_63 = arith.muli %arg1, %mul3A_62 : i32
    %add3A_64 = arith.constant 480 : i32
    %add3A_65 = arith.addi %mul3A_63, %add3A_64 : i32
    %dma_start3A_66 = arith.constant 0 : i32
    %dma_start3A_67 = tpu.memref_slice %arg15[%add3A_65, %dma_start3A_66] : memref<10240x128xf32, #tpu.memory_space<vmem_shared>> -> memref<80x128xf32, #tpu.memory_space<vmem_shared>>
    %dma_start3A_68 = arith.constant 0 : i32
    %dma_start3A_69 = tpu.memref_slice %arg15[%add3A_65, %dma_start3A_68] : memref<10240x128xf32, #tpu.memory_space<vmem_shared>> -> memref<80x128xf32, #tpu.memory_space<vmem_shared>>
    tpu.enqueue_dma source(%arg12 : memref<80x128xf32, #tpu.memory_space<vmem>>) target(%dma_start3A_69 : memref<80x128xf32, #tpu.memory_space<vmem_shared>>) target_semaphore(%arg23 : memref<!tpu.dma_semaphore, #tpu.memory_space<semaphore_mem>>)
    %mul3A_70 = arith.constant 640 : i32
    %mul3A_71 = arith.muli %arg1, %mul3A_70 : i32
    %add3A_72 = arith.constant 560 : i32
    %add3A_73 = arith.addi %mul3A_71, %add3A_72 : i32
    %dma_start3A_74 = arith.constant 0 : i32
    %dma_start3A_75 = tpu.memref_slice %arg15[%add3A_73, %dma_start3A_74] : memref<10240x128xf32, #tpu.memory_space<vmem_shared>> -> memref<80x128xf32, #tpu.memory_space<vmem_shared>>
    %dma_start3A_76 = arith.constant 0 : i32
    %dma_start3A_77 = tpu.memref_slice %arg15[%add3A_73, %dma_start3A_76] : memref<10240x128xf32, #tpu.memory_space<vmem_shared>> -> memref<80x128xf32, #tpu.memory_space<vmem_shared>>
    tpu.enqueue_dma source(%arg12 : memref<80x128xf32, #tpu.memory_space<vmem>>) target(%dma_start3A_77 : memref<80x128xf32, #tpu.memory_space<vmem_shared>>) target_semaphore(%arg23 : memref<!tpu.dma_semaphore, #tpu.memory_space<semaphore_mem>>)
    %dma_wait3A = arith.constant 0 : i32
    %dma_wait3A_78 = arith.constant 0 : i32
    %dma_wait3A_79 = tpu.memref_slice %arg3[%add3A, %dma_wait3A, %dma_wait3A_78] : memref<32x125x80xi32, #tpu.memory_space<hbm>> -> memref<1x125x80xi32, #tpu.memory_space<hbm>>
    %dma_wait3A_80 = tpu.memref_squeeze %dma_wait3A_79 : memref<1x125x80xi32, #tpu.memory_space<hbm>> -> memref<125x80xi32, #tpu.memory_space<hbm>>
    %dma_wait3A_81 = arith.constant 0 : i32
    %dma_wait3A_82 = arith.constant 0 : i32
    %dma_wait3A_83 = tpu.memref_slice %arg3[%add3A, %dma_wait3A_81, %dma_wait3A_82] : memref<32x125x80xi32, #tpu.memory_space<hbm>> -> memref<1x125x80xi32, #tpu.memory_space<hbm>>
    %dma_wait3A_84 = tpu.memref_squeeze %dma_wait3A_83 : memref<1x125x80xi32, #tpu.memory_space<hbm>> -> memref<125x80xi32, #tpu.memory_space<hbm>>
    tpu.wait_dma2 semaphore(%arg22 : memref<!tpu.dma_semaphore, #tpu.memory_space<semaphore_mem>>) src(%dma_wait3A_84 : memref<125x80xi32, #tpu.memory_space<hbm>>) dst(%arg5 : memref<125x80xi32, #tpu.memory_space<vmem>>)
    %mul3A_85 = arith.constant 640 : i32
    %mul3A_86 = arith.muli %arg1, %mul3A_85 : i32
    %add3A_87 = arith.constant 0 : i32
    %add3A_88 = arith.addi %mul3A_86, %add3A_87 : i32
    %dma_wait3A_89 = arith.constant 0 : i32
    %dma_wait3A_90 = tpu.memref_slice %arg15[%add3A_88, %dma_wait3A_89] : memref<10240x128xf32, #tpu.memory_space<vmem_shared>> -> memref<80x128xf32, #tpu.memory_space<vmem_shared>>
    %dma_wait3A_91 = arith.constant 0 : i32
    %dma_wait3A_92 = tpu.memref_slice %arg15[%add3A_88, %dma_wait3A_91] : memref<10240x128xf32, #tpu.memory_space<vmem_shared>> -> memref<80x128xf32, #tpu.memory_space<vmem_shared>>
    tpu.wait_dma2 semaphore(%arg23 : memref<!tpu.dma_semaphore, #tpu.memory_space<semaphore_mem>>) src(%arg12 : memref<80x128xf32, #tpu.memory_space<vmem>>) dst(%dma_wait3A_92 : memref<80x128xf32, #tpu.memory_space<vmem_shared>>)
    %mul3A_93 = arith.constant 640 : i32
    %mul3A_94 = arith.muli %arg1, %mul3A_93 : i32
    %add3A_95 = arith.constant 80 : i32
    %add3A_96 = arith.addi %mul3A_94, %add3A_95 : i32
    %dma_wait3A_97 = arith.constant 0 : i32
    %dma_wait3A_98 = tpu.memref_slice %arg15[%add3A_96, %dma_wait3A_97] : memref<10240x128xf32, #tpu.memory_space<vmem_shared>> -> memref<80x128xf32, #tpu.memory_space<vmem_shared>>
    %dma_wait3A_99 = arith.constant 0 : i32
    %dma_wait3A_100 = tpu.memref_slice %arg15[%add3A_96, %dma_wait3A_99] : memref<10240x128xf32, #tpu.memory_space<vmem_shared>> -> memref<80x128xf32, #tpu.memory_space<vmem_shared>>
    tpu.wait_dma2 semaphore(%arg23 : memref<!tpu.dma_semaphore, #tpu.memory_space<semaphore_mem>>) src(%arg12 : memref<80x128xf32, #tpu.memory_space<vmem>>) dst(%dma_wait3A_100 : memref<80x128xf32, #tpu.memory_space<vmem_shared>>)
    %mul3A_101 = arith.constant 640 : i32
    %mul3A_102 = arith.muli %arg1, %mul3A_101 : i32
    %add3A_103 = arith.constant 160 : i32
    %add3A_104 = arith.addi %mul3A_102, %add3A_103 : i32
    %dma_wait3A_105 = arith.constant 0 : i32
    %dma_wait3A_106 = tpu.memref_slice %arg15[%add3A_104, %dma_wait3A_105] : memref<10240x128xf32, #tpu.memory_space<vmem_shared>> -> memref<80x128xf32, #tpu.memory_space<vmem_shared>>
    %dma_wait3A_107 = arith.constant 0 : i32
    %dma_wait3A_108 = tpu.memref_slice %arg15[%add3A_104, %dma_wait3A_107] : memref<10240x128xf32, #tpu.memory_space<vmem_shared>> -> memref<80x128xf32, #tpu.memory_space<vmem_shared>>
    tpu.wait_dma2 semaphore(%arg23 : memref<!tpu.dma_semaphore, #tpu.memory_space<semaphore_mem>>) src(%arg12 : memref<80x128xf32, #tpu.memory_space<vmem>>) dst(%dma_wait3A_108 : memref<80x128xf32, #tpu.memory_space<vmem_shared>>)
    %mul3A_109 = arith.constant 640 : i32
    %mul3A_110 = arith.muli %arg1, %mul3A_109 : i32
    %add3A_111 = arith.constant 240 : i32
    %add3A_112 = arith.addi %mul3A_110, %add3A_111 : i32
    %dma_wait3A_113 = arith.constant 0 : i32
    %dma_wait3A_114 = tpu.memref_slice %arg15[%add3A_112, %dma_wait3A_113] : memref<10240x128xf32, #tpu.memory_space<vmem_shared>> -> memref<80x128xf32, #tpu.memory_space<vmem_shared>>
    %dma_wait3A_115 = arith.constant 0 : i32
    %dma_wait3A_116 = tpu.memref_slice %arg15[%add3A_112, %dma_wait3A_115] : memref<10240x128xf32, #tpu.memory_space<vmem_shared>> -> memref<80x128xf32, #tpu.memory_space<vmem_shared>>
    tpu.wait_dma2 semaphore(%arg23 : memref<!tpu.dma_semaphore, #tpu.memory_space<semaphore_mem>>) src(%arg12 : memref<80x128xf32, #tpu.memory_space<vmem>>) dst(%dma_wait3A_116 : memref<80x128xf32, #tpu.memory_space<vmem_shared>>)
    %mul3A_117 = arith.constant 640 : i32
    %mul3A_118 = arith.muli %arg1, %mul3A_117 : i32
    %add3A_119 = arith.constant 320 : i32
    %add3A_120 = arith.addi %mul3A_118, %add3A_119 : i32
    %dma_wait3A_121 = arith.constant 0 : i32
    %dma_wait3A_122 = tpu.memref_slice %arg15[%add3A_120, %dma_wait3A_121] : memref<10240x128xf32, #tpu.memory_space<vmem_shared>> -> memref<80x128xf32, #tpu.memory_space<vmem_shared>>
    %dma_wait3A_123 = arith.constant 0 : i32
    %dma_wait3A_124 = tpu.memref_slice %arg15[%add3A_120, %dma_wait3A_123] : memref<10240x128xf32, #tpu.memory_space<vmem_shared>> -> memref<80x128xf32, #tpu.memory_space<vmem_shared>>
    tpu.wait_dma2 semaphore(%arg23 : memref<!tpu.dma_semaphore, #tpu.memory_space<semaphore_mem>>) src(%arg12 : memref<80x128xf32, #tpu.memory_space<vmem>>) dst(%dma_wait3A_124 : memref<80x128xf32, #tpu.memory_space<vmem_shared>>)
    %mul3A_125 = arith.constant 640 : i32
    %mul3A_126 = arith.muli %arg1, %mul3A_125 : i32
    %add3A_127 = arith.constant 400 : i32
    %add3A_128 = arith.addi %mul3A_126, %add3A_127 : i32
    %dma_wait3A_129 = arith.constant 0 : i32
    %dma_wait3A_130 = tpu.memref_slice %arg15[%add3A_128, %dma_wait3A_129] : memref<10240x128xf32, #tpu.memory_space<vmem_shared>> -> memref<80x128xf32, #tpu.memory_space<vmem_shared>>
    %dma_wait3A_131 = arith.constant 0 : i32
    %dma_wait3A_132 = tpu.memref_slice %arg15[%add3A_128, %dma_wait3A_131] : memref<10240x128xf32, #tpu.memory_space<vmem_shared>> -> memref<80x128xf32, #tpu.memory_space<vmem_shared>>
    tpu.wait_dma2 semaphore(%arg23 : memref<!tpu.dma_semaphore, #tpu.memory_space<semaphore_mem>>) src(%arg12 : memref<80x128xf32, #tpu.memory_space<vmem>>) dst(%dma_wait3A_132 : memref<80x128xf32, #tpu.memory_space<vmem_shared>>)
    %mul3A_133 = arith.constant 640 : i32
    %mul3A_134 = arith.muli %arg1, %mul3A_133 : i32
    %add3A_135 = arith.constant 480 : i32
    %add3A_136 = arith.addi %mul3A_134, %add3A_135 : i32
    %dma_wait3A_137 = arith.constant 0 : i32
    %dma_wait3A_138 = tpu.memref_slice %arg15[%add3A_136, %dma_wait3A_137] : memref<10240x128xf32, #tpu.memory_space<vmem_shared>> -> memref<80x128xf32, #tpu.memory_space<vmem_shared>>
    %dma_wait3A_139 = arith.constant 0 : i32
    %dma_wait3A_140 = tpu.memref_slice %arg15[%add3A_136, %dma_wait3A_139] : memref<10240x128xf32, #tpu.memory_space<vmem_shared>> -> memref<80x128xf32, #tpu.memory_space<vmem_shared>>
    tpu.wait_dma2 semaphore(%arg23 : memref<!tpu.dma_semaphore, #tpu.memory_space<semaphore_mem>>) src(%arg12 : memref<80x128xf32, #tpu.memory_space<vmem>>) dst(%dma_wait3A_140 : memref<80x128xf32, #tpu.memory_space<vmem_shared>>)
    %mul3A_141 = arith.constant 640 : i32
    %mul3A_142 = arith.muli %arg1, %mul3A_141 : i32
    %add3A_143 = arith.constant 560 : i32
    %add3A_144 = arith.addi %mul3A_142, %add3A_143 : i32
    %dma_wait3A_145 = arith.constant 0 : i32
    %dma_wait3A_146 = tpu.memref_slice %arg15[%add3A_144, %dma_wait3A_145] : memref<10240x128xf32, #tpu.memory_space<vmem_shared>> -> memref<80x128xf32, #tpu.memory_space<vmem_shared>>
    %dma_wait3A_147 = arith.constant 0 : i32
    %dma_wait3A_148 = tpu.memref_slice %arg15[%add3A_144, %dma_wait3A_147] : memref<10240x128xf32, #tpu.memory_space<vmem_shared>> -> memref<80x128xf32, #tpu.memory_space<vmem_shared>>
    tpu.wait_dma2 semaphore(%arg23 : memref<!tpu.dma_semaphore, #tpu.memory_space<semaphore_mem>>) src(%arg12 : memref<80x128xf32, #tpu.memory_space<vmem>>) dst(%dma_wait3A_148 : memref<80x128xf32, #tpu.memory_space<vmem_shared>>)
    %get3A = arith.constant 0 : i32
    %get3A_149 = arith.index_cast %get3A : i32 to index
    %get3A_150 = arith.constant 0 : index
    %get3A_151 = tpu.vector_load %arg5[%get3A_149, %get3A_150] {strides = array<i32>} : memref<125x80xi32, #tpu.memory_space<vmem>>, vector<1x16xi32>,
    %get3A_152 = vector.shape_cast %get3A_151 : vector<1x16xi32> to vector<16xi32>
    %shift_right_logical3A = arith.constant 16 : i32
    %shift_right_logical3A_153 = vector.broadcast %shift_right_logical3A : i32 to vector<16xi32>
    %shift_right_logical3A_154 = arith.shrui %get3A_152, %shift_right_logical3A_153 : vector<16xi32>
    %swap3A = arith.constant 0 : index
    %swap3A_155 = tpu.vector_load %arg6[%swap3A] {strides = array<i32>} : memref<80xi32, #tpu.memory_space<vmem>>, vector<16xi32>,
    %swap3A_156 = vector.shape_cast %swap3A_155 : vector<16xi32> to vector<16xi32>
    %swap3A_157 = vector.shape_cast %shift_right_logical3A_154 : vector<16xi32> to vector<16xi32>
    tpu.vector_store %arg6[%swap3A], %swap3A_157 {strides = array<i32>} : memref<80xi32, #tpu.memory_space<vmem>>, vector<16xi32>,
    %and3A = arith.constant 65535 : i32
    %and3A_158 = vector.broadcast %and3A : i32 to vector<16xi32>
    %and3A_159 = arith.andi %get3A_152, %and3A_158 : vector<16xi32>
    %swap3A_160 = arith.constant 0 : index
    %swap3A_161 = tpu.vector_load %arg9[%swap3A_160] {strides = array<i32>} : memref<80xi32, #tpu.memory_space<vmem>>, vector<16xi32>,
    %swap3A_162 = vector.shape_cast %swap3A_161 : vector<16xi32> to vector<16xi32>
    %swap3A_163 = vector.shape_cast %and3A_159 : vector<16xi32> to vector<16xi32>
    tpu.vector_store %arg9[%swap3A_160], %swap3A_163 {strides = array<i32>} : memref<80xi32, #tpu.memory_space<vmem>>, vector<16xi32>,
    %get3A_164 = arith.constant 0 : i32
    %get3A_165 = arith.index_cast %get3A_164 : i32 to index
    %get3A_166 = arith.constant 16 : index
    %get3A_167 = tpu.vector_load %arg5[%get3A_165, %get3A_166] {strides = array<i32>} : memref<125x80xi32, #tpu.memory_space<vmem>>, vector<1x16xi32>,
    %get3A_168 = vector.shape_cast %get3A_167 : vector<1x16xi32> to vector<16xi32>
    %shift_right_logical3A_169 = arith.constant 16 : i32
    %shift_right_logical3A_170 = vector.broadcast %shift_right_logical3A_169 : i32 to vector<16xi32>
    %shift_right_logical3A_171 = arith.shrui %get3A_168, %shift_right_logical3A_170 : vector<16xi32>
    %swap3A_172 = arith.constant 16 : index
    %swap3A_173 = tpu.vector_load %arg6[%swap3A_172] {strides = array<i32>} : memref<80xi32, #tpu.memory_space<vmem>>, vector<16xi32>,
    %swap3A_174 = vector.shape_cast %swap3A_173 : vector<16xi32> to vector<16xi32>
    %swap3A_175 = vector.shape_cast %shift_right_logical3A_171 : vector<16xi32> to vector<16xi32>
    tpu.vector_store %arg6[%swap3A_172], %swap3A_175 {strides = array<i32>} : memref<80xi32, #tpu.memory_space<vmem>>, vector<16xi32>,
    %and3A_176 = arith.constant 65535 : i32
    %and3A_177 = vector.broadcast %and3A_176 : i32 to vector<16xi32>
    %and3A_178 = arith.andi %get3A_168, %and3A_177 : vector<16xi32>
    %swap3A_179 = arith.constant 16 : index
    %swap3A_180 = tpu.vector_load %arg9[%swap3A_179] {strides = array<i32>} : memref<80xi32, #tpu.memory_space<vmem>>, vector<16xi32>,
    %swap3A_181 = vector.shape_cast %swap3A_180 : vector<16xi32> to vector<16xi32>
    %swap3A_182 = vector.shape_cast %and3A_178 : vector<16xi32> to vector<16xi32>
    tpu.vector_store %arg9[%swap3A_179], %swap3A_182 {strides = array<i32>} : memref<80xi32, #tpu.memory_space<vmem>>, vector<16xi32>,
    %get3A_183 = arith.constant 0 : i32
    %get3A_184 = arith.index_cast %get3A_183 : i32 to index
    %get3A_185 = arith.constant 32 : index
    %get3A_186 = tpu.vector_load %arg5[%get3A_184, %get3A_185] {strides = array<i32>} : memref<125x80xi32, #tpu.memory_space<vmem>>, vector<1x16xi32>,
    %get3A_187 = vector.shape_cast %get3A_186 : vector<1x16xi32> to vector<16xi32>
    %shift_right_logical3A_188 = arith.constant 16 : i32
    %shift_right_logical3A_189 = vector.broadcast %shift_right_logical3A_188 : i32 to vector<16xi32>
    %shift_right_logical3A_190 = arith.shrui %get3A_187, %shift_right_logical3A_189 : vector<16xi32>
    %swap3A_191 = arith.constant 32 : index
    %swap3A_192 = tpu.vector_load %arg6[%swap3A_191] {strides = array<i32>} : memref<80xi32, #tpu.memory_space<vmem>>, vector<16xi32>,
    %swap3A_193 = vector.shape_cast %swap3A_192 : vector<16xi32> to vector<16xi32>
    %swap3A_194 = vector.shape_cast %shift_right_logical3A_190 : vector<16xi32> to vector<16xi32>
    tpu.vector_store %arg6[%swap3A_191], %swap3A_194 {strides = array<i32>} : memref<80xi32, #tpu.memory_space<vmem>>, vector<16xi32>,
    %and3A_195 = arith.constant 65535 : i32
    %and3A_196 = vector.broadcast %and3A_195 : i32 to vector<16xi32>
    %and3A_197 = arith.andi %get3A_187, %and3A_196 : vector<16xi32>
    %swap3A_198 = arith.constant 32 : index
    %swap3A_199 = tpu.vector_load %arg9[%swap3A_198] {strides = array<i32>} : memref<80xi32, #tpu.memory_space<vmem>>, vector<16xi32>,
    %swap3A_200 = vector.shape_cast %swap3A_199 : vector<16xi32> to vector<16xi32>
    %swap3A_201 = vector.shape_cast %and3A_197 : vector<16xi32> to vector<16xi32>
    tpu.vector_store %arg9[%swap3A_198], %swap3A_201 {strides = array<i32>} : memref<80xi32, #tpu.memory_space<vmem>>, vector<16xi32>,
    %get3A_202 = arith.constant 0 : i32
    %get3A_203 = arith.index_cast %get3A_202 : i32 to index
    %get3A_204 = arith.constant 48 : index
    %get3A_205 = tpu.vector_load %arg5[%get3A_203, %get3A_204] {strides = array<i32>} : memref<125x80xi32, #tpu.memory_space<vmem>>, vector<1x16xi32>,
    %get3A_206 = vector.shape_cast %get3A_205 : vector<1x16xi32> to vector<16xi32>
    %shift_right_logical3A_207 = arith.constant 16 : i32
    %shift_right_logical3A_208 = vector.broadcast %shift_right_logical3A_207 : i32 to vector<16xi32>
    %shift_right_logical3A_209 = arith.shrui %get3A_206, %shift_right_logical3A_208 : vector<16xi32>
    %swap3A_210 = arith.constant 48 : index
    %swap3A_211 = tpu.vector_load %arg6[%swap3A_210] {strides = array<i32>} : memref<80xi32, #tpu.memory_space<vmem>>, vector<16xi32>,
    %swap3A_212 = vector.shape_cast %swap3A_211 : vector<16xi32> to vector<16xi32>
    %swap3A_213 = vector.shape_cast %shift_right_logical3A_209 : vector<16xi32> to vector<16xi32>
    tpu.vector_store %arg6[%swap3A_210], %swap3A_213 {strides = array<i32>} : memref<80xi32, #tpu.memory_space<vmem>>, vector<16xi32>,
    %and3A_214 = arith.constant 65535 : i32
    %and3A_215 = vector.broadcast %and3A_214 : i32 to vector<16xi32>
    %and3A_216 = arith.andi %get3A_206, %and3A_215 : vector<16xi32>
    %swap3A_217 = arith.constant 48 : index
    %swap3A_218 = tpu.vector_load %arg9[%swap3A_217] {strides = array<i32>} : memref<80xi32, #tpu.memory_space<vmem>>, vector<16xi32>,
    %swap3A_219 = vector.shape_cast %swap3A_218 : vector<16xi32> to vector<16xi32>
    %swap3A_220 = vector.shape_cast %and3A_216 : vector<16xi32> to vector<16xi32>
    tpu.vector_store %arg9[%swap3A_217], %swap3A_220 {strides = array<i32>} : memref<80xi32, #tpu.memory_space<vmem>>, vector<16xi32>,
    %get3A_221 = arith.constant 0 : i32
    %get3A_222 = arith.index_cast %get3A_221 : i32 to index
    %get3A_223 = arith.constant 64 : index
    %get3A_224 = tpu.vector_load %arg5[%get3A_222, %get3A_223] {strides = array<i32>} : memref<125x80xi32, #tpu.memory_space<vmem>>, vector<1x16xi32>,
    %get3A_225 = vector.shape_cast %get3A_224 : vector<1x16xi32> to vector<16xi32>
    %shift_right_logical3A_226 = arith.constant 16 : i32
    %shift_right_logical3A_227 = vector.broadcast %shift_right_logical3A_226 : i32 to vector<16xi32>
    %shift_right_logical3A_228 = arith.shrui %get3A_225, %shift_right_logical3A_227 : vector<16xi32>
    %swap3A_229 = arith.constant 64 : index
    %swap3A_230 = tpu.vector_load %arg6[%swap3A_229] {strides = array<i32>} : memref<80xi32, #tpu.memory_space<vmem>>, vector<16xi32>,
    %swap3A_231 = vector.shape_cast %swap3A_230 : vector<16xi32> to vector<16xi32>
    %swap3A_232 = vector.shape_cast %shift_right_logical3A_228 : vector<16xi32> to vector<16xi32>
    tpu.vector_store %arg6[%swap3A_229], %swap3A_232 {strides = array<i32>} : memref<80xi32, #tpu.memory_space<vmem>>, vector<16xi32>,
    %and3A_233 = arith.constant 65535 : i32
    %and3A_234 = vector.broadcast %and3A_233 : i32 to vector<16xi32>
    %and3A_235 = arith.andi %get3A_225, %and3A_234 : vector<16xi32>
    %swap3A_236 = arith.constant 64 : index
    %swap3A_237 = tpu.vector_load %arg9[%swap3A_236] {strides = array<i32>} : memref<80xi32, #tpu.memory_space<vmem>>, vector<16xi32>,
    %swap3A_238 = vector.shape_cast %swap3A_237 : vector<16xi32> to vector<16xi32>
    %swap3A_239 = vector.shape_cast %and3A_235 : vector<16xi32> to vector<16xi32>
    tpu.vector_store %arg9[%swap3A_236], %swap3A_239 {strides = array<i32>} : memref<80xi32, #tpu.memory_space<vmem>>, vector<16xi32>,
    %dma_start3A_240 = arith.constant 0 : i32
    %dma_start3A_241 = arith.constant 0 : i32
    %dma_start3A_242 = tpu.memref_slice %arg2[%dma_start3A_240, %dma_start3A_241] : memref<10000x128xf32, #tpu.memory_space<hbm>> -> memref<10000x128xf32, #tpu.memory_space<hbm>>
    tpu.enqueue_indirect_dma source(%dma_start3A_242 : memref<10000x128xf32, #tpu.memory_space<hbm>>) target(%arg12 : memref<80x128xf32, #tpu.memory_space<vmem>>) offsets(%arg6 : memref<80xi32, #tpu.memory_space<vmem>>) semaphore(%arg16 : memref<!tpu.dma_semaphore, #tpu.memory_space<semaphore_mem>>)
    %get3A_243 = arith.constant 1 : i32
    %get3A_244 = arith.index_cast %get3A_243 : i32 to index
    %get3A_245 = arith.constant 0 : index
    %get3A_246 = tpu.vector_load %arg5[%get3A_244, %get3A_245] {strides = array<i32>} : memref<125x80xi32, #tpu.memory_space<vmem>>, vector<1x16xi32>,
    %get3A_247 = vector.shape_cast %get3A_246 : vector<1x16xi32> to vector<16xi32>
    %shift_right_logical3A_248 = arith.constant 16 : i32
    %shift_right_logical3A_249 = vector.broadcast %shift_right_logical3A_248 : i32 to vector<16xi32>
    %shift_right_logical3A_250 = arith.shrui %get3A_247, %shift_right_logical3A_249 : vector<16xi32>
    %swap3A_251 = arith.constant 0 : index
    %swap3A_252 = tpu.vector_load %arg7[%swap3A_251] {strides = array<i32>} : memref<80xi32, #tpu.memory_space<vmem>>, vector<16xi32>,
    %swap3A_253 = vector.shape_cast %swap3A_252 : vector<16xi32> to vector<16xi32>
    %swap3A_254 = vector.shape_cast %shift_right_logical3A_250 : vector<16xi32> to vector<16xi32>
    tpu.vector_store %arg7[%swap3A_251], %swap3A_254 {strides = array<i32>} : memref<80xi32, #tpu.memory_space<vmem>>, vector<16xi32>,
    %and3A_255 = arith.constant 65535 : i32
    %and3A_256 = vector.broadcast %and3A_255 : i32 to vector<16xi32>
    %and3A_257 = arith.andi %get3A_247, %and3A_256 : vector<16xi32>
    %swap3A_258 = arith.constant 0 : index
    %swap3A_259 = tpu.vector_load %arg10[%swap3A_258] {strides = array<i32>} : memref<80xi32, #tpu.memory_space<vmem>>, vector<16xi32>,
    %swap3A_260 = vector.shape_cast %swap3A_259 : vector<16xi32> to vector<16xi32>
    %swap3A_261 = vector.shape_cast %and3A_257 : vector<16xi32> to vector<16xi32>
    tpu.vector_store %arg10[%swap3A_258], %swap3A_261 {strides = array<i32>} : memref<80xi32, #tpu.memory_space<vmem>>, vector<16xi32>,
    %get3A_262 = arith.constant 1 : i32
    %get3A_263 = arith.index_cast %get3A_262 : i32 to index
    %get3A_264 = arith.constant 16 : index
    %get3A_265 = tpu.vector_load %arg5[%get3A_263, %get3A_264] {strides = array<i32>} : memref<125x80xi32, #tpu.memory_space<vmem>>, vector<1x16xi32>,
    %get3A_266 = vector.shape_cast %get3A_265 : vector<1x16xi32> to vector<16xi32>
    %shift_right_logical3A_267 = arith.constant 16 : i32
    %shift_right_logical3A_268 = vector.broadcast %shift_right_logical3A_267 : i32 to vector<16xi32>
    %shift_right_logical3A_269 = arith.shrui %get3A_266, %shift_right_logical3A_268 : vector<16xi32>
    %swap3A_270 = arith.constant 16 : index
    %swap3A_271 = tpu.vector_load %arg7[%swap3A_270] {strides = array<i32>} : memref<80xi32, #tpu.memory_space<vmem>>, vector<16xi32>,
    %swap3A_272 = vector.shape_cast %swap3A_271 : vector<16xi32> to vector<16xi32>
    %swap3A_273 = vector.shape_cast %shift_right_logical3A_269 : vector<16xi32> to vector<16xi32>
    tpu.vector_store %arg7[%swap3A_270], %swap3A_273 {strides = array<i32>} : memref<80xi32, #tpu.memory_space<vmem>>, vector<16xi32>,
    %and3A_274 = arith.constant 65535 : i32
    %and3A_275 = vector.broadcast %and3A_274 : i32 to vector<16xi32>
    %and3A_276 = arith.andi %get3A_266, %and3A_275 : vector<16xi32>
    %swap3A_277 = arith.constant 16 : index
    %swap3A_278 = tpu.vector_load %arg10[%swap3A_277] {strides = array<i32>} : memref<80xi32, #tpu.memory_space<vmem>>, vector<16xi32>,
    %swap3A_279 = vector.shape_cast %swap3A_278 : vector<16xi32> to vector<16xi32>
    %swap3A_280 = vector.shape_cast %and3A_276 : vector<16xi32> to vector<16xi32>
    tpu.vector_store %arg10[%swap3A_277], %swap3A_280 {strides = array<i32>} : memref<80xi32, #tpu.memory_space<vmem>>, vector<16xi32>,
    %get3A_281 = arith.constant 1 : i32
    %get3A_282 = arith.index_cast %get3A_281 : i32 to index
    %get3A_283 = arith.constant 32 : index
    %get3A_284 = tpu.vector_load %arg5[%get3A_282, %get3A_283] {strides = array<i32>} : memref<125x80xi32, #tpu.memory_space<vmem>>, vector<1x16xi32>,
    %get3A_285 = vector.shape_cast %get3A_284 : vector<1x16xi32> to vector<16xi32>
    %shift_right_logical3A_286 = arith.constant 16 : i32
    %shift_right_logical3A_287 = vector.broadcast %shift_right_logical3A_286 : i32 to vector<16xi32>
    %shift_right_logical3A_288 = arith.shrui %get3A_285, %shift_right_logical3A_287 : vector<16xi32>
    %swap3A_289 = arith.constant 32 : index
    %swap3A_290 = tpu.vector_load %arg7[%swap3A_289] {strides = array<i32>} : memref<80xi32, #tpu.memory_space<vmem>>, vector<16xi32>,
    %swap3A_291 = vector.shape_cast %swap3A_290 : vector<16xi32> to vector<16xi32>
    %swap3A_292 = vector.shape_cast %shift_right_logical3A_288 : vector<16xi32> to vector<16xi32>
    tpu.vector_store %arg7[%swap3A_289], %swap3A_292 {strides = array<i32>} : memref<80xi32, #tpu.memory_space<vmem>>, vector<16xi32>,
    %and3A_293 = arith.constant 65535 : i32
    %and3A_294 = vector.broadcast %and3A_293 : i32 to vector<16xi32>
    %and3A_295 = arith.andi %get3A_285, %and3A_294 : vector<16xi32>
    %swap3A_296 = arith.constant 32 : index
    %swap3A_297 = tpu.vector_load %arg10[%swap3A_296] {strides = array<i32>} : memref<80xi32, #tpu.memory_space<vmem>>, vector<16xi32>,
    %swap3A_298 = vector.shape_cast %swap3A_297 : vector<16xi32> to vector<16xi32>
    %swap3A_299 = vector.shape_cast %and3A_295 : vector<16xi32> to vector<16xi32>
    tpu.vector_store %arg10[%swap3A_296], %swap3A_299 {strides = array<i32>} : memref<80xi32, #tpu.memory_space<vmem>>, vector<16xi32>,
    %get3A_300 = arith.constant 1 : i32
    %get3A_301 = arith.index_cast %get3A_300 : i32 to index
    %get3A_302 = arith.constant 48 : index
    %get3A_303 = tpu.vector_load %arg5[%get3A_301, %get3A_302] {strides = array<i32>} : memref<125x80xi32, #tpu.memory_space<vmem>>, vector<1x16xi32>,
    %get3A_304 = vector.shape_cast %get3A_303 : vector<1x16xi32> to vector<16xi32>
    %shift_right_logical3A_305 = arith.constant 16 : i32
    %shift_right_logical3A_306 = vector.broadcast %shift_right_logical3A_305 : i32 to vector<16xi32>
    %shift_right_logical3A_307 = arith.shrui %get3A_304, %shift_right_logical3A_306 : vector<16xi32>
    %swap3A_308 = arith.constant 48 : index
    %swap3A_309 = tpu.vector_load %arg7[%swap3A_308] {strides = array<i32>} : memref<80xi32, #tpu.memory_space<vmem>>, vector<16xi32>,
    %swap3A_310 = vector.shape_cast %swap3A_309 : vector<16xi32> to vector<16xi32>
    %swap3A_311 = vector.shape_cast %shift_right_logical3A_307 : vector<16xi32> to vector<16xi32>
    tpu.vector_store %arg7[%swap3A_308], %swap3A_311 {strides = array<i32>} : memref<80xi32, #tpu.memory_space<vmem>>, vector<16xi32>,
    %and3A_312 = arith.constant 65535 : i32
    %and3A_313 = vector.broadcast %and3A_312 : i32 to vector<16xi32>
    %and3A_314 = arith.andi %get3A_304, %and3A_313 : vector<16xi32>
    %swap3A_315 = arith.constant 48 : index
    %swap3A_316 = tpu.vector_load %arg10[%swap3A_315] {strides = array<i32>} : memref<80xi32, #tpu.memory_space<vmem>>, vector<16xi32>,
    %swap3A_317 = vector.shape_cast %swap3A_316 : vector<16xi32> to vector<16xi32>
    %swap3A_318 = vector.shape_cast %and3A_314 : vector<16xi32> to vector<16xi32>
    tpu.vector_store %arg10[%swap3A_315], %swap3A_318 {strides = array<i32>} : memref<80xi32, #tpu.memory_space<vmem>>, vector<16xi32>,
    %get3A_319 = arith.constant 1 : i32
    %get3A_320 = arith.index_cast %get3A_319 : i32 to index
    %get3A_321 = arith.constant 64 : index
    %get3A_322 = tpu.vector_load %arg5[%get3A_320, %get3A_321] {strides = array<i32>} : memref<125x80xi32, #tpu.memory_space<vmem>>, vector<1x16xi32>,
    %get3A_323 = vector.shape_cast %get3A_322 : vector<1x16xi32> to vector<16xi32>
    %shift_right_logical3A_324 = arith.constant 16 : i32
    %shift_right_logical3A_325 = vector.broadcast %shift_right_logical3A_324 : i32 to vector<16xi32>
    %shift_right_logical3A_326 = arith.shrui %get3A_323, %shift_right_logical3A_325 : vector<16xi32>
    %swap3A_327 = arith.constant 64 : index
    %swap3A_328 = tpu.vector_load %arg7[%swap3A_327] {strides = array<i32>} : memref<80xi32, #tpu.memory_space<vmem>>, vector<16xi32>,
    %swap3A_329 = vector.shape_cast %swap3A_328 : vector<16xi32> to vector<16xi32>
    %swap3A_330 = vector.shape_cast %shift_right_logical3A_326 : vector<16xi32> to vector<16xi32>
    tpu.vector_store %arg7[%swap3A_327], %swap3A_330 {strides = array<i32>} : memref<80xi32, #tpu.memory_space<vmem>>, vector<16xi32>,
    %and3A_331 = arith.constant 65535 : i32
    %and3A_332 = vector.broadcast %and3A_331 : i32 to vector<16xi32>
    %and3A_333 = arith.andi %get3A_323, %and3A_332 : vector<16xi32>
    %swap3A_334 = arith.constant 64 : index
    %swap3A_335 = tpu.vector_load %arg10[%swap3A_334] {strides = array<i32>} : memref<80xi32, #tpu.memory_space<vmem>>, vector<16xi32>,
    %swap3A_336 = vector.shape_cast %swap3A_335 : vector<16xi32> to vector<16xi32>
    %swap3A_337 = vector.shape_cast %and3A_333 : vector<16xi32> to vector<16xi32>
    tpu.vector_store %arg10[%swap3A_334], %swap3A_337 {strides = array<i32>} : memref<80xi32, #tpu.memory_space<vmem>>, vector<16xi32>,
    %dma_start3A_338 = arith.constant 0 : i32
    %dma_start3A_339 = arith.constant 0 : i32
    %dma_start3A_340 = tpu.memref_slice %arg2[%dma_start3A_338, %dma_start3A_339] : memref<10000x128xf32, #tpu.memory_space<hbm>> -> memref<10000x128xf32, #tpu.memory_space<hbm>>
    tpu.enqueue_indirect_dma source(%dma_start3A_340 : memref<10000x128xf32, #tpu.memory_space<hbm>>) target(%arg13 : memref<80x128xf32, #tpu.memory_space<vmem>>) offsets(%arg7 : memref<80xi32, #tpu.memory_space<vmem>>) semaphore(%arg17 : memref<!tpu.dma_semaphore, #tpu.memory_space<semaphore_mem>>)
    %get3A_341 = arith.constant 2 : i32
    %get3A_342 = arith.index_cast %get3A_341 : i32 to index
    %get3A_343 = arith.constant 0 : index
    %get3A_344 = tpu.vector_load %arg5[%get3A_342, %get3A_343] {strides = array<i32>} : memref<125x80xi32, #tpu.memory_space<vmem>>, vector<1x16xi32>,
    %get3A_345 = vector.shape_cast %get3A_344 : vector<1x16xi32> to vector<16xi32>
    %shift_right_logical3A_346 = arith.constant 16 : i32
    %shift_right_logical3A_347 = vector.broadcast %shift_right_logical3A_346 : i32 to vector<16xi32>
    %shift_right_logical3A_348 = arith.shrui %get3A_345, %shift_right_logical3A_347 : vector<16xi32>
    %swap3A_349 = arith.constant 0 : index
    %swap3A_350 = tpu.vector_load %arg8[%swap3A_349] {strides = array<i32>} : memref<80xi32, #tpu.memory_space<vmem>>, vector<16xi32>,
    %swap3A_351 = vector.shape_cast %swap3A_350 : vector<16xi32> to vector<16xi32>
    %swap3A_352 = vector.shape_cast %shift_right_logical3A_348 : vector<16xi32> to vector<16xi32>
    tpu.vector_store %arg8[%swap3A_349], %swap3A_352 {strides = array<i32>} : memref<80xi32, #tpu.memory_space<vmem>>, vector<16xi32>,
    %and3A_353 = arith.constant 65535 : i32
    %and3A_354 = vector.broadcast %and3A_353 : i32 to vector<16xi32>
    %and3A_355 = arith.andi %get3A_345, %and3A_354 : vector<16xi32>
    %swap3A_356 = arith.constant 0 : index
    %swap3A_357 = tpu.vector_load %arg11[%swap3A_356] {strides = array<i32>} : memref<80xi32, #tpu.memory_space<vmem>>, vector<16xi32>,
    %swap3A_358 = vector.shape_cast %swap3A_357 : vector<16xi32> to vector<16xi32>
    %swap3A_359 = vector.shape_cast %and3A_355 : vector<16xi32> to vector<16xi32>
    tpu.vector_store %arg11[%swap3A_356], %swap3A_359 {strides = array<i32>} : memref<80xi32, #tpu.memory_space<vmem>>, vector<16xi32>,
    %get3A_360 = arith.constant 2 : i32
    %get3A_361 = arith.index_cast %get3A_360 : i32 to index
    %get3A_362 = arith.constant 16 : index
    %get3A_363 = tpu.vector_load %arg5[%get3A_361, %get3A_362] {strides = array<i32>} : memref<125x80xi32, #tpu.memory_space<vmem>>, vector<1x16xi32>,
    %get3A_364 = vector.shape_cast %get3A_363 : vector<1x16xi32> to vector<16xi32>
    %shift_right_logical3A_365 = arith.constant 16 : i32
    %shift_right_logical3A_366 = vector.broadcast %shift_right_logical3A_365 : i32 to vector<16xi32>
    %shift_right_logical3A_367 = arith.shrui %get3A_364, %shift_right_logical3A_366 : vector<16xi32>
    %swap3A_368 = arith.constant 16 : index
    %swap3A_369 = tpu.vector_load %arg8[%swap3A_368] {strides = array<i32>} : memref<80xi32, #tpu.memory_space<vmem>>, vector<16xi32>,
    %swap3A_370 = vector.shape_cast %swap3A_369 : vector<16xi32> to vector<16xi32>
    %swap3A_371 = vector.shape_cast %shift_right_logical3A_367 : vector<16xi32> to vector<16xi32>
    tpu.vector_store %arg8[%swap3A_368], %swap3A_371 {strides = array<i32>} : memref<80xi32, #tpu.memory_space<vmem>>, vector<16xi32>,
    %and3A_372 = arith.constant 65535 : i32
    %and3A_373 = vector.broadcast %and3A_372 : i32 to vector<16xi32>
    %and3A_374 = arith.andi %get3A_364, %and3A_373 : vector<16xi32>
    %swap3A_375 = arith.constant 16 : index
    %swap3A_376 = tpu.vector_load %arg11[%swap3A_375] {strides = array<i32>} : memref<80xi32, #tpu.memory_space<vmem>>, vector<16xi32>,
    %swap3A_377 = vector.shape_cast %swap3A_376 : vector<16xi32> to vector<16xi32>
    %swap3A_378 = vector.shape_cast %and3A_374 : vector<16xi32> to vector<16xi32>
    tpu.vector_store %arg11[%swap3A_375], %swap3A_378 {strides = array<i32>} : memref<80xi32, #tpu.memory_space<vmem>>, vector<16xi32>,
    %get3A_379 = arith.constant 2 : i32
    %get3A_380 = arith.index_cast %get3A_379 : i32 to index
    %get3A_381 = arith.constant 32 : index
    %get3A_382 = tpu.vector_load %arg5[%get3A_380, %get3A_381] {strides = array<i32>} : memref<125x80xi32, #tpu.memory_space<vmem>>, vector<1x16xi32>,
    %get3A_383 = vector.shape_cast %get3A_382 : vector<1x16xi32> to vector<16xi32>
    %shift_right_logical3A_384 = arith.constant 16 : i32
    %shift_right_logical3A_385 = vector.broadcast %shift_right_logical3A_384 : i32 to vector<16xi32>
    %shift_right_logical3A_386 = arith.shrui %get3A_383, %shift_right_logical3A_385 : vector<16xi32>
    %swap3A_387 = arith.constant 32 : index
    %swap3A_388 = tpu.vector_load %arg8[%swap3A_387] {strides = array<i32>} : memref<80xi32, #tpu.memory_space<vmem>>, vector<16xi32>,
    %swap3A_389 = vector.shape_cast %swap3A_388 : vector<16xi32> to vector<16xi32>
    %swap3A_390 = vector.shape_cast %shift_right_logical3A_386 : vector<16xi32> to vector<16xi32>
    tpu.vector_store %arg8[%swap3A_387], %swap3A_390 {strides = array<i32>} : memref<80xi32, #tpu.memory_space<vmem>>, vector<16xi32>,
    %and3A_391 = arith.constant 65535 : i32
    %and3A_392 = vector.broadcast %and3A_391 : i32 to vector<16xi32>
    %and3A_393 = arith.andi %get3A_383, %and3A_392 : vector<16xi32>
    %swap3A_394 = arith.constant 32 : index
    %swap3A_395 = tpu.vector_load %arg11[%swap3A_394] {strides = array<i32>} : memref<80xi32, #tpu.memory_space<vmem>>, vector<16xi32>,
    %swap3A_396 = vector.shape_cast %swap3A_395 : vector<16xi32> to vector<16xi32>
    %swap3A_397 = vector.shape_cast %and3A_393 : vector<16xi32> to vector<16xi32>
    tpu.vector_store %arg11[%swap3A_394], %swap3A_397 {strides = array<i32>} : memref<80xi32, #tpu.memory_space<vmem>>, vector<16xi32>,
    %get3A_398 = arith.constant 2 : i32
    %get3A_399 = arith.index_cast %get3A_398 : i32 to index
    %get3A_400 = arith.constant 48 : index
    %get3A_401 = tpu.vector_load %arg5[%get3A_399, %get3A_400] {strides = array<i32>} : memref<125x80xi32, #tpu.memory_space<vmem>>, vector<1x16xi32>,
    %get3A_402 = vector.shape_cast %get3A_401 : vector<1x16xi32> to vector<16xi32>
    %shift_right_logical3A_403 = arith.constant 16 : i32
    %shift_right_logical3A_404 = vector.broadcast %shift_right_logical3A_403 : i32 to vector<16xi32>
    %shift_right_logical3A_405 = arith.shrui %get3A_402, %shift_right_logical3A_404 : vector<16xi32>
    %swap3A_406 = arith.constant 48 : index
    %swap3A_407 = tpu.vector_load %arg8[%swap3A_406] {strides = array<i32>} : memref<80xi32, #tpu.memory_space<vmem>>, vector<16xi32>,
    %swap3A_408 = vector.shape_cast %swap3A_407 : vector<16xi32> to vector<16xi32>
    %swap3A_409 = vector.shape_cast %shift_right_logical3A_405 : vector<16xi32> to vector<16xi32>
    tpu.vector_store %arg8[%swap3A_406], %swap3A_409 {strides = array<i32>} : memref<80xi32, #tpu.memory_space<vmem>>, vector<16xi32>,
    %and3A_410 = arith.constant 65535 : i32
    %and3A_411 = vector.broadcast %and3A_410 : i32 to vector<16xi32>
    %and3A_412 = arith.andi %get3A_402, %and3A_411 : vector<16xi32>
    %swap3A_413 = arith.constant 48 : index
    %swap3A_414 = tpu.vector_load %arg11[%swap3A_413] {strides = array<i32>} : memref<80xi32, #tpu.memory_space<vmem>>, vector<16xi32>,
    %swap3A_415 = vector.shape_cast %swap3A_414 : vector<16xi32> to vector<16xi32>
    %swap3A_416 = vector.shape_cast %and3A_412 : vector<16xi32> to vector<16xi32>
    tpu.vector_store %arg11[%swap3A_413], %swap3A_416 {strides = array<i32>} : memref<80xi32, #tpu.memory_space<vmem>>, vector<16xi32>,
    %get3A_417 = arith.constant 2 : i32
    %get3A_418 = arith.index_cast %get3A_417 : i32 to index
    %get3A_419 = arith.constant 64 : index
    %get3A_420 = tpu.vector_load %arg5[%get3A_418, %get3A_419] {strides = array<i32>} : memref<125x80xi32, #tpu.memory_space<vmem>>, vector<1x16xi32>,
    %get3A_421 = vector.shape_cast %get3A_420 : vector<1x16xi32> to vector<16xi32>
    %shift_right_logical3A_422 = arith.constant 16 : i32
    %shift_right_logical3A_423 = vector.broadcast %shift_right_logical3A_422 : i32 to vector<16xi32>
    %shift_right_logical3A_424 = arith.shrui %get3A_421, %shift_right_logical3A_423 : vector<16xi32>
    %swap3A_425 = arith.constant 64 : index
    %swap3A_426 = tpu.vector_load %arg8[%swap3A_425] {strides = array<i32>} : memref<80xi32, #tpu.memory_space<vmem>>, vector<16xi32>,
    %swap3A_427 = vector.shape_cast %swap3A_426 : vector<16xi32> to vector<16xi32>
    %swap3A_428 = vector.shape_cast %shift_right_logical3A_424 : vector<16xi32> to vector<16xi32>
    tpu.vector_store %arg8[%swap3A_425], %swap3A_428 {strides = array<i32>} : memref<80xi32, #tpu.memory_space<vmem>>, vector<16xi32>,
    %and3A_429 = arith.constant 65535 : i32
    %and3A_430 = vector.broadcast %and3A_429 : i32 to vector<16xi32>
    %and3A_431 = arith.andi %get3A_421, %and3A_430 : vector<16xi32>
    %swap3A_432 = arith.constant 64 : index
    %swap3A_433 = tpu.vector_load %arg11[%swap3A_432] {strides = array<i32>} : memref<80xi32, #tpu.memory_space<vmem>>, vector<16xi32>,
    %swap3A_434 = vector.shape_cast %swap3A_433 : vector<16xi32> to vector<16xi32>
    %swap3A_435 = vector.shape_cast %and3A_431 : vector<16xi32> to vector<16xi32>
    tpu.vector_store %arg11[%swap3A_432], %swap3A_435 {strides = array<i32>} : memref<80xi32, #tpu.memory_space<vmem>>, vector<16xi32>,
    %dma_start3A_436 = arith.constant 0 : i32
    %dma_start3A_437 = arith.constant 0 : i32
    %dma_start3A_438 = tpu.memref_slice %arg2[%dma_start3A_436, %dma_start3A_437] : memref<10000x128xf32, #tpu.memory_space<hbm>> -> memref<10000x128xf32, #tpu.memory_space<hbm>>
    tpu.enqueue_indirect_dma source(%dma_start3A_438 : memref<10000x128xf32, #tpu.memory_space<hbm>>) target(%arg14 : memref<80x128xf32, #tpu.memory_space<vmem>>) offsets(%arg8 : memref<80xi32, #tpu.memory_space<vmem>>) semaphore(%arg18 : memref<!tpu.dma_semaphore, #tpu.memory_space<semaphore_mem>>)
    %barrier3A = arith.constant 0 : index
    tpu.barrier barrier_id(%barrier3A)
    %scan3A_439 = arith.constant 0 : i32
    %scan3A_440 = arith.constant 0 : i32
    %scan3A_441 = arith.constant 41 : i32
    %scan3A_442 = arith.addi %scan3A_440, %scan3A_441 : i32
    %scan3A_443 = arith.constant 1 : i32
    scf.for %scan3A_471 = %scan3A_440 to %scan3A_442 step %scan3A_443  : i32 {
      %mul3A_472 = arith.constant 3 : i32
      %mul3A_473 = arith.muli %scan3A_471, %mul3A_472 : i32
      %add3A_474 = arith.constant 0 : i32
      %add3A_475 = arith.addi %mul3A_473, %add3A_474 : i32
      %dma_wait3A_476 = arith.constant 0 : i32
      %dma_wait3A_477 = arith.constant 0 : i32
      %dma_wait3A_478 = tpu.memref_slice %arg2[%dma_wait3A_476, %dma_wait3A_477] : memref<10000x128xf32, #tpu.memory_space<hbm>> -> memref<10000x128xf32, #tpu.memory_space<hbm>>
      tpu.wait_indirect_dma semaphore(%arg16 : memref<!tpu.dma_semaphore, #tpu.memory_space<semaphore_mem>>) src(%dma_wait3A_478 : memref<10000x128xf32, #tpu.memory_space<hbm>>) dst(%arg12 : memref<80x128xf32, #tpu.memory_space<vmem>>)
      %dma_start3A_479 = arith.constant 0 : i32
      %dma_start3A_480 = arith.constant 0 : i32
      %dma_start3A_481 = tpu.memref_slice %arg15[%dma_start3A_479, %dma_start3A_480] : memref<10240x128xf32, #tpu.memory_space<vmem_shared>> -> memref<10240x128xf32, #tpu.memory_space<vmem_shared>>
      tpu.enqueue_indirect_dma source(%arg12 : memref<80x128xf32, #tpu.memory_space<vmem>>) target(%dma_start3A_481 : memref<10240x128xf32, #tpu.memory_space<vmem_shared>>) offsets(%arg9 : memref<80xi32, #tpu.memory_space<vmem>>) semaphore(%arg19 : memref<!tpu.dma_semaphore, #tpu.memory_space<semaphore_mem>>) {add = true}
      %ge3A = arith.constant 1 : i32
      %ge3A_482 = arith.cmpi sge, %add3A_475, %ge3A : i32
      %add3A_483 = arith.constant 3 : i32
      %add3A_484 = arith.addi %add3A_475, %add3A_483 : i32
      %sub3A = arith.constant 1 : i32
      %sub3A_485 = arith.subi %add3A_484, %sub3A : i32
      %lt3A = arith.constant 125 : i32
      %lt3A_486 = arith.cmpi slt, %sub3A_485, %lt3A : i32
      %and3A_487 = arith.andi %ge3A_482, %lt3A_486 : i1
      %convert_element_type3A = arith.extui %and3A_487 : i1 to i32
      %cond3A = arith.constant 0 : i32
      %cond3A_488 = arith.cmpi ne, %convert_element_type3A, %cond3A : i32
      scf.if %cond3A_488 {
        %dma_wait3A_533 = arith.constant 0 : i32
        %dma_wait3A_534 = arith.constant 0 : i32
        %dma_wait3A_535 = tpu.memref_slice %arg15[%dma_wait3A_533, %dma_wait3A_534] : memref<10240x128xf32, #tpu.memory_space<vmem_shared>> -> memref<10240x128xf32, #tpu.memory_space<vmem_shared>>
        tpu.wait_indirect_dma semaphore(%arg21 : memref<!tpu.dma_semaphore, #tpu.memory_space<semaphore_mem>>) src(%arg14 : memref<80x128xf32, #tpu.memory_space<vmem>>) dst(%dma_wait3A_535 : memref<10240x128xf32, #tpu.memory_space<vmem_shared>>)
        %add3A_536 = arith.constant 3 : i32
        %add3A_537 = arith.addi %add3A_475, %add3A_536 : i32
        %sub3A_538 = arith.constant 1 : i32
        %sub3A_539 = arith.subi %add3A_537, %sub3A_538 : i32
        %get3A_540 = arith.index_cast %sub3A_539 : i32 to index
        %get3A_541 = arith.constant 0 : index
        %get3A_542 = tpu.vector_load %arg5[%get3A_540, %get3A_541] {strides = array<i32>} : memref<125x80xi32, #tpu.memory_space<vmem>>, vector<1x16xi32>,
        %get3A_543 = vector.shape_cast %get3A_542 : vector<1x16xi32> to vector<16xi32>
        %shift_right_logical3A_544 = arith.constant 16 : i32
        %shift_right_logical3A_545 = vector.broadcast %shift_right_logical3A_544 : i32 to vector<16xi32>
        %shift_right_logical3A_546 = arith.shrui %get3A_543, %shift_right_logical3A_545 : vector<16xi32>
        %swap3A_547 = arith.constant 0 : index
        %swap3A_548 = tpu.vector_load %arg8[%swap3A_547] {strides = array<i32>} : memref<80xi32, #tpu.memory_space<vmem>>, vector<16xi32>,
        %swap3A_549 = vector.shape_cast %swap3A_548 : vector<16xi32> to vector<16xi32>
        %swap3A_550 = vector.shape_cast %shift_right_logical3A_546 : vector<16xi32> to vector<16xi32>
        tpu.vector_store %arg8[%swap3A_547], %swap3A_550 {strides = array<i32>} : memref<80xi32, #tpu.memory_space<vmem>>, vector<16xi32>,
        %and3A_551 = arith.constant 65535 : i32
        %and3A_552 = vector.broadcast %and3A_551 : i32 to vector<16xi32>
        %and3A_553 = arith.andi %get3A_543, %and3A_552 : vector<16xi32>
        %swap3A_554 = arith.constant 0 : index
        %swap3A_555 = tpu.vector_load %arg11[%swap3A_554] {strides = array<i32>} : memref<80xi32, #tpu.memory_space<vmem>>, vector<16xi32>,
        %swap3A_556 = vector.shape_cast %swap3A_555 : vector<16xi32> to vector<16xi32>
        %swap3A_557 = vector.shape_cast %and3A_553 : vector<16xi32> to vector<16xi32>
        tpu.vector_store %arg11[%swap3A_554], %swap3A_557 {strides = array<i32>} : memref<80xi32, #tpu.memory_space<vmem>>, vector<16xi32>,
        %get3A_558 = arith.index_cast %sub3A_539 : i32 to index
        %get3A_559 = arith.constant 16 : index
        %get3A_560 = tpu.vector_load %arg5[%get3A_558, %get3A_559] {strides = array<i32>} : memref<125x80xi32, #tpu.memory_space<vmem>>, vector<1x16xi32>,
        %get3A_561 = vector.shape_cast %get3A_560 : vector<1x16xi32> to vector<16xi32>
        %shift_right_logical3A_562 = arith.constant 16 : i32
        %shift_right_logical3A_563 = vector.broadcast %shift_right_logical3A_562 : i32 to vector<16xi32>
        %shift_right_logical3A_564 = arith.shrui %get3A_561, %shift_right_logical3A_563 : vector<16xi32>
        %swap3A_565 = arith.constant 16 : index
        %swap3A_566 = tpu.vector_load %arg8[%swap3A_565] {strides = array<i32>} : memref<80xi32, #tpu.memory_space<vmem>>, vector<16xi32>,
        %swap3A_567 = vector.shape_cast %swap3A_566 : vector<16xi32> to vector<16xi32>
        %swap3A_568 = vector.shape_cast %shift_right_logical3A_564 : vector<16xi32> to vector<16xi32>
        tpu.vector_store %arg8[%swap3A_565], %swap3A_568 {strides = array<i32>} : memref<80xi32, #tpu.memory_space<vmem>>, vector<16xi32>,
        %and3A_569 = arith.constant 65535 : i32
        %and3A_570 = vector.broadcast %and3A_569 : i32 to vector<16xi32>
        %and3A_571 = arith.andi %get3A_561, %and3A_570 : vector<16xi32>
        %swap3A_572 = arith.constant 16 : index
        %swap3A_573 = tpu.vector_load %arg11[%swap3A_572] {strides = array<i32>} : memref<80xi32, #tpu.memory_space<vmem>>, vector<16xi32>,
        %swap3A_574 = vector.shape_cast %swap3A_573 : vector<16xi32> to vector<16xi32>
        %swap3A_575 = vector.shape_cast %and3A_571 : vector<16xi32> to vector<16xi32>
        tpu.vector_store %arg11[%swap3A_572], %swap3A_575 {strides = array<i32>} : memref<80xi32, #tpu.memory_space<vmem>>, vector<16xi32>,
        %get3A_576 = arith.index_cast %sub3A_539 : i32 to index
        %get3A_577 = arith.constant 32 : index
        %get3A_578 = tpu.vector_load %arg5[%get3A_576, %get3A_577] {strides = array<i32>} : memref<125x80xi32, #tpu.memory_space<vmem>>, vector<1x16xi32>,
        %get3A_579 = vector.shape_cast %get3A_578 : vector<1x16xi32> to vector<16xi32>
        %shift_right_logical3A_580 = arith.constant 16 : i32
        %shift_right_logical3A_581 = vector.broadcast %shift_right_logical3A_580 : i32 to vector<16xi32>
        %shift_right_logical3A_582 = arith.shrui %get3A_579, %shift_right_logical3A_581 : vector<16xi32>
        %swap3A_583 = arith.constant 32 : index
        %swap3A_584 = tpu.vector_load %arg8[%swap3A_583] {strides = array<i32>} : memref<80xi32, #tpu.memory_space<vmem>>, vector<16xi32>,
        %swap3A_585 = vector.shape_cast %swap3A_584 : vector<16xi32> to vector<16xi32>
        %swap3A_586 = vector.shape_cast %shift_right_logical3A_582 : vector<16xi32> to vector<16xi32>
        tpu.vector_store %arg8[%swap3A_583], %swap3A_586 {strides = array<i32>} : memref<80xi32, #tpu.memory_space<vmem>>, vector<16xi32>,
        %and3A_587 = arith.constant 65535 : i32
        %and3A_588 = vector.broadcast %and3A_587 : i32 to vector<16xi32>
        %and3A_589 = arith.andi %get3A_579, %and3A_588 : vector<16xi32>
        %swap3A_590 = arith.constant 32 : index
        %swap3A_591 = tpu.vector_load %arg11[%swap3A_590] {strides = array<i32>} : memref<80xi32, #tpu.memory_space<vmem>>, vector<16xi32>,
        %swap3A_592 = vector.shape_cast %swap3A_591 : vector<16xi32> to vector<16xi32>
        %swap3A_593 = vector.shape_cast %and3A_589 : vector<16xi32> to vector<16xi32>
        tpu.vector_store %arg11[%swap3A_590], %swap3A_593 {strides = array<i32>} : memref<80xi32, #tpu.memory_space<vmem>>, vector<16xi32>,
        %get3A_594 = arith.index_cast %sub3A_539 : i32 to index
        %get3A_595 = arith.constant 48 : index
        %get3A_596 = tpu.vector_load %arg5[%get3A_594, %get3A_595] {strides = array<i32>} : memref<125x80xi32, #tpu.memory_space<vmem>>, vector<1x16xi32>,
        %get3A_597 = vector.shape_cast %get3A_596 : vector<1x16xi32> to vector<16xi32>
        %shift_right_logical3A_598 = arith.constant 16 : i32
        %shift_right_logical3A_599 = vector.broadcast %shift_right_logical3A_598 : i32 to vector<16xi32>
        %shift_right_logical3A_600 = arith.shrui %get3A_597, %shift_right_logical3A_599 : vector<16xi32>
        %swap3A_601 = arith.constant 48 : index
        %swap3A_602 = tpu.vector_load %arg8[%swap3A_601] {strides = array<i32>} : memref<80xi32, #tpu.memory_space<vmem>>, vector<16xi32>,
        %swap3A_603 = vector.shape_cast %swap3A_602 : vector<16xi32> to vector<16xi32>
        %swap3A_604 = vector.shape_cast %shift_right_logical3A_600 : vector<16xi32> to vector<16xi32>
        tpu.vector_store %arg8[%swap3A_601], %swap3A_604 {strides = array<i32>} : memref<80xi32, #tpu.memory_space<vmem>>, vector<16xi32>,
        %and3A_605 = arith.constant 65535 : i32
        %and3A_606 = vector.broadcast %and3A_605 : i32 to vector<16xi32>
        %and3A_607 = arith.andi %get3A_597, %and3A_606 : vector<16xi32>
        %swap3A_608 = arith.constant 48 : index
        %swap3A_609 = tpu.vector_load %arg11[%swap3A_608] {strides = array<i32>} : memref<80xi32, #tpu.memory_space<vmem>>, vector<16xi32>,
        %swap3A_610 = vector.shape_cast %swap3A_609 : vector<16xi32> to vector<16xi32>
        %swap3A_611 = vector.shape_cast %and3A_607 : vector<16xi32> to vector<16xi32>
        tpu.vector_store %arg11[%swap3A_608], %swap3A_611 {strides = array<i32>} : memref<80xi32, #tpu.memory_space<vmem>>, vector<16xi32>,
        %get3A_612 = arith.index_cast %sub3A_539 : i32 to index
        %get3A_613 = arith.constant 64 : index
        %get3A_614 = tpu.vector_load %arg5[%get3A_612, %get3A_613] {strides = array<i32>} : memref<125x80xi32, #tpu.memory_space<vmem>>, vector<1x16xi32>,
        %get3A_615 = vector.shape_cast %get3A_614 : vector<1x16xi32> to vector<16xi32>
        %shift_right_logical3A_616 = arith.constant 16 : i32
        %shift_right_logical3A_617 = vector.broadcast %shift_right_logical3A_616 : i32 to vector<16xi32>
        %shift_right_logical3A_618 = arith.shrui %get3A_615, %shift_right_logical3A_617 : vector<16xi32>
        %swap3A_619 = arith.constant 64 : index
        %swap3A_620 = tpu.vector_load %arg8[%swap3A_619] {strides = array<i32>} : memref<80xi32, #tpu.memory_space<vmem>>, vector<16xi32>,
        %swap3A_621 = vector.shape_cast %swap3A_620 : vector<16xi32> to vector<16xi32>
        %swap3A_622 = vector.shape_cast %shift_right_logical3A_618 : vector<16xi32> to vector<16xi32>
        tpu.vector_store %arg8[%swap3A_619], %swap3A_622 {strides = array<i32>} : memref<80xi32, #tpu.memory_space<vmem>>, vector<16xi32>,
        %and3A_623 = arith.constant 65535 : i32
        %and3A_624 = vector.broadcast %and3A_623 : i32 to vector<16xi32>
        %and3A_625 = arith.andi %get3A_615, %and3A_624 : vector<16xi32>
        %swap3A_626 = arith.constant 64 : index
        %swap3A_627 = tpu.vector_load %arg11[%swap3A_626] {strides = array<i32>} : memref<80xi32, #tpu.memory_space<vmem>>, vector<16xi32>,
        %swap3A_628 = vector.shape_cast %swap3A_627 : vector<16xi32> to vector<16xi32>
        %swap3A_629 = vector.shape_cast %and3A_625 : vector<16xi32> to vector<16xi32>
        tpu.vector_store %arg11[%swap3A_626], %swap3A_629 {strides = array<i32>} : memref<80xi32, #tpu.memory_space<vmem>>, vector<16xi32>,
        %dma_start3A_630 = arith.constant 0 : i32
        %dma_start3A_631 = arith.constant 0 : i32
        %dma_start3A_632 = tpu.memref_slice %arg2[%dma_start3A_630, %dma_start3A_631] : memref<10000x128xf32, #tpu.memory_space<hbm>> -> memref<10000x128xf32, #tpu.memory_space<hbm>>
        tpu.enqueue_indirect_dma source(%dma_start3A_632 : memref<10000x128xf32, #tpu.memory_space<hbm>>) target(%arg14 : memref<80x128xf32, #tpu.memory_space<vmem>>) offsets(%arg8 : memref<80xi32, #tpu.memory_space<vmem>>) semaphore(%arg18 : memref<!tpu.dma_semaphore, #tpu.memory_space<semaphore_mem>>)
      } else {
      }
      %mul3A_489 = arith.constant 3 : i32
      %mul3A_490 = arith.muli %scan3A_471, %mul3A_489 : i32
      %add3A_491 = arith.constant 1 : i32
      %add3A_492 = arith.addi %mul3A_490, %add3A_491 : i32
      %dma_wait3A_493 = arith.constant 0 : i32
      %dma_wait3A_494 = arith.constant 0 : i32
      %dma_wait3A_495 = tpu.memref_slice %arg2[%dma_wait3A_493, %dma_wait3A_494] : memref<10000x128xf32, #tpu.memory_space<hbm>> -> memref<10000x128xf32, #tpu.memory_space<hbm>>
      tpu.wait_indirect_dma semaphore(%arg17 : memref<!tpu.dma_semaphore, #tpu.memory_space<semaphore_mem>>) src(%dma_wait3A_495 : memref<10000x128xf32, #tpu.memory_space<hbm>>) dst(%arg13 : memref<80x128xf32, #tpu.memory_space<vmem>>)
      %dma_start3A_496 = arith.constant 0 : i32
      %dma_start3A_497 = arith.constant 0 : i32
      %dma_start3A_498 = tpu.memref_slice %arg15[%dma_start3A_496, %dma_start3A_497] : memref<10240x128xf32, #tpu.memory_space<vmem_shared>> -> memref<10240x128xf32, #tpu.memory_space<vmem_shared>>
      tpu.enqueue_indirect_dma source(%arg13 : memref<80x128xf32, #tpu.memory_space<vmem>>) target(%dma_start3A_498 : memref<10240x128xf32, #tpu.memory_space<vmem_shared>>) offsets(%arg10 : memref<80xi32, #tpu.memory_space<vmem>>) semaphore(%arg20 : memref<!tpu.dma_semaphore, #tpu.memory_space<semaphore_mem>>) {add = true}
      %ge3A_499 = arith.constant 1 : i32
      %ge3A_500 = arith.cmpi sge, %add3A_492, %ge3A_499 : i32
      %add3A_501 = arith.constant 3 : i32
      %add3A_502 = arith.addi %add3A_492, %add3A_501 : i32
      %sub3A_503 = arith.constant 1 : i32
      %sub3A_504 = arith.subi %add3A_502, %sub3A_503 : i32
      %lt3A_505 = arith.constant 125 : i32
      %lt3A_506 = arith.cmpi slt, %sub3A_504, %lt3A_505 : i32
      %and3A_507 = arith.andi %ge3A_500, %lt3A_506 : i1
      %convert_element_type3A_508 = arith.extui %and3A_507 : i1 to i32
      %cond3A_509 = arith.constant 0 : i32
      %cond3A_510 = arith.cmpi ne, %convert_element_type3A_508, %cond3A_509 : i32
      scf.if %cond3A_510 {
        %dma_wait3A_533 = arith.constant 0 : i32
        %dma_wait3A_534 = arith.constant 0 : i32
        %dma_wait3A_535 = tpu.memref_slice %arg15[%dma_wait3A_533, %dma_wait3A_534] : memref<10240x128xf32, #tpu.memory_space<vmem_shared>> -> memref<10240x128xf32, #tpu.memory_space<vmem_shared>>
        tpu.wait_indirect_dma semaphore(%arg19 : memref<!tpu.dma_semaphore, #tpu.memory_space<semaphore_mem>>) src(%arg12 : memref<80x128xf32, #tpu.memory_space<vmem>>) dst(%dma_wait3A_535 : memref<10240x128xf32, #tpu.memory_space<vmem_shared>>)
        %add3A_536 = arith.constant 3 : i32
        %add3A_537 = arith.addi %add3A_492, %add3A_536 : i32
        %sub3A_538 = arith.constant 1 : i32
        %sub3A_539 = arith.subi %add3A_537, %sub3A_538 : i32
        %get3A_540 = arith.index_cast %sub3A_539 : i32 to index
        %get3A_541 = arith.constant 0 : index
        %get3A_542 = tpu.vector_load %arg5[%get3A_540, %get3A_541] {strides = array<i32>} : memref<125x80xi32, #tpu.memory_space<vmem>>, vector<1x16xi32>,
        %get3A_543 = vector.shape_cast %get3A_542 : vector<1x16xi32> to vector<16xi32>
        %shift_right_logical3A_544 = arith.constant 16 : i32
        %shift_right_logical3A_545 = vector.broadcast %shift_right_logical3A_544 : i32 to vector<16xi32>
        %shift_right_logical3A_546 = arith.shrui %get3A_543, %shift_right_logical3A_545 : vector<16xi32>
        %swap3A_547 = arith.constant 0 : index
        %swap3A_548 = tpu.vector_load %arg6[%swap3A_547] {strides = array<i32>} : memref<80xi32, #tpu.memory_space<vmem>>, vector<16xi32>,
        %swap3A_549 = vector.shape_cast %swap3A_548 : vector<16xi32> to vector<16xi32>
        %swap3A_550 = vector.shape_cast %shift_right_logical3A_546 : vector<16xi32> to vector<16xi32>
        tpu.vector_store %arg6[%swap3A_547], %swap3A_550 {strides = array<i32>} : memref<80xi32, #tpu.memory_space<vmem>>, vector<16xi32>,
        %and3A_551 = arith.constant 65535 : i32
        %and3A_552 = vector.broadcast %and3A_551 : i32 to vector<16xi32>
        %and3A_553 = arith.andi %get3A_543, %and3A_552 : vector<16xi32>
        %swap3A_554 = arith.constant 0 : index
        %swap3A_555 = tpu.vector_load %arg9[%swap3A_554] {strides = array<i32>} : memref<80xi32, #tpu.memory_space<vmem>>, vector<16xi32>,
        %swap3A_556 = vector.shape_cast %swap3A_555 : vector<16xi32> to vector<16xi32>
        %swap3A_557 = vector.shape_cast %and3A_553 : vector<16xi32> to vector<16xi32>
        tpu.vector_store %arg9[%swap3A_554], %swap3A_557 {strides = array<i32>} : memref<80xi32, #tpu.memory_space<vmem>>, vector<16xi32>,
        %get3A_558 = arith.index_cast %sub3A_539 : i32 to index
        %get3A_559 = arith.constant 16 : index
        %get3A_560 = tpu.vector_load %arg5[%get3A_558, %get3A_559] {strides = array<i32>} : memref<125x80xi32, #tpu.memory_space<vmem>>, vector<1x16xi32>,
        %get3A_561 = vector.shape_cast %get3A_560 : vector<1x16xi32> to vector<16xi32>
        %shift_right_logical3A_562 = arith.constant 16 : i32
        %shift_right_logical3A_563 = vector.broadcast %shift_right_logical3A_562 : i32 to vector<16xi32>
        %shift_right_logical3A_564 = arith.shrui %get3A_561, %shift_right_logical3A_563 : vector<16xi32>
        %swap3A_565 = arith.constant 16 : index
        %swap3A_566 = tpu.vector_load %arg6[%swap3A_565] {strides = array<i32>} : memref<80xi32, #tpu.memory_space<vmem>>, vector<16xi32>,
        %swap3A_567 = vector.shape_cast %swap3A_566 : vector<16xi32> to vector<16xi32>
        %swap3A_568 = vector.shape_cast %shift_right_logical3A_564 : vector<16xi32> to vector<16xi32>
        tpu.vector_store %arg6[%swap3A_565], %swap3A_568 {strides = array<i32>} : memref<80xi32, #tpu.memory_space<vmem>>, vector<16xi32>,
        %and3A_569 = arith.constant 65535 : i32
        %and3A_570 = vector.broadcast %and3A_569 : i32 to vector<16xi32>
        %and3A_571 = arith.andi %get3A_561, %and3A_570 : vector<16xi32>
        %swap3A_572 = arith.constant 16 : index
        %swap3A_573 = tpu.vector_load %arg9[%swap3A_572] {strides = array<i32>} : memref<80xi32, #tpu.memory_space<vmem>>, vector<16xi32>,
        %swap3A_574 = vector.shape_cast %swap3A_573 : vector<16xi32> to vector<16xi32>
        %swap3A_575 = vector.shape_cast %and3A_571 : vector<16xi32> to vector<16xi32>
        tpu.vector_store %arg9[%swap3A_572], %swap3A_575 {strides = array<i32>} : memref<80xi32, #tpu.memory_space<vmem>>, vector<16xi32>,
        %get3A_576 = arith.index_cast %sub3A_539 : i32 to index
        %get3A_577 = arith.constant 32 : index
        %get3A_578 = tpu.vector_load %arg5[%get3A_576, %get3A_577] {strides = array<i32>} : memref<125x80xi32, #tpu.memory_space<vmem>>, vector<1x16xi32>,
        %get3A_579 = vector.shape_cast %get3A_578 : vector<1x16xi32> to vector<16xi32>
        %shift_right_logical3A_580 = arith.constant 16 : i32
        %shift_right_logical3A_581 = vector.broadcast %shift_right_logical3A_580 : i32 to vector<16xi32>
        %shift_right_logical3A_582 = arith.shrui %get3A_579, %shift_right_logical3A_581 : vector<16xi32>
        %swap3A_583 = arith.constant 32 : index
        %swap3A_584 = tpu.vector_load %arg6[%swap3A_583] {strides = array<i32>} : memref<80xi32, #tpu.memory_space<vmem>>, vector<16xi32>,
        %swap3A_585 = vector.shape_cast %swap3A_584 : vector<16xi32> to vector<16xi32>
        %swap3A_586 = vector.shape_cast %shift_right_logical3A_582 : vector<16xi32> to vector<16xi32>
        tpu.vector_store %arg6[%swap3A_583], %swap3A_586 {strides = array<i32>} : memref<80xi32, #tpu.memory_space<vmem>>, vector<16xi32>,
        %and3A_587 = arith.constant 65535 : i32
        %and3A_588 = vector.broadcast %and3A_587 : i32 to vector<16xi32>
        %and3A_589 = arith.andi %get3A_579, %and3A_588 : vector<16xi32>
        %swap3A_590 = arith.constant 32 : index
        %swap3A_591 = tpu.vector_load %arg9[%swap3A_590] {strides = array<i32>} : memref<80xi32, #tpu.memory_space<vmem>>, vector<16xi32>,
        %swap3A_592 = vector.shape_cast %swap3A_591 : vector<16xi32> to vector<16xi32>
        %swap3A_593 = vector.shape_cast %and3A_589 : vector<16xi32> to vector<16xi32>
        tpu.vector_store %arg9[%swap3A_590], %swap3A_593 {strides = array<i32>} : memref<80xi32, #tpu.memory_space<vmem>>, vector<16xi32>,
        %get3A_594 = arith.index_cast %sub3A_539 : i32 to index
        %get3A_595 = arith.constant 48 : index
        %get3A_596 = tpu.vector_load %arg5[%get3A_594, %get3A_595] {strides = array<i32>} : memref<125x80xi32, #tpu.memory_space<vmem>>, vector<1x16xi32>,
        %get3A_597 = vector.shape_cast %get3A_596 : vector<1x16xi32> to vector<16xi32>
        %shift_right_logical3A_598 = arith.constant 16 : i32
        %shift_right_logical3A_599 = vector.broadcast %shift_right_logical3A_598 : i32 to vector<16xi32>
        %shift_right_logical3A_600 = arith.shrui %get3A_597, %shift_right_logical3A_599 : vector<16xi32>
        %swap3A_601 = arith.constant 48 : index
        %swap3A_602 = tpu.vector_load %arg6[%swap3A_601] {strides = array<i32>} : memref<80xi32, #tpu.memory_space<vmem>>, vector<16xi32>,
        %swap3A_603 = vector.shape_cast %swap3A_602 : vector<16xi32> to vector<16xi32>
        %swap3A_604 = vector.shape_cast %shift_right_logical3A_600 : vector<16xi32> to vector<16xi32>
        tpu.vector_store %arg6[%swap3A_601], %swap3A_604 {strides = array<i32>} : memref<80xi32, #tpu.memory_space<vmem>>, vector<16xi32>,
        %and3A_605 = arith.constant 65535 : i32
        %and3A_606 = vector.broadcast %and3A_605 : i32 to vector<16xi32>
        %and3A_607 = arith.andi %get3A_597, %and3A_606 : vector<16xi32>
        %swap3A_608 = arith.constant 48 : index
        %swap3A_609 = tpu.vector_load %arg9[%swap3A_608] {strides = array<i32>} : memref<80xi32, #tpu.memory_space<vmem>>, vector<16xi32>,
        %swap3A_610 = vector.shape_cast %swap3A_609 : vector<16xi32> to vector<16xi32>
        %swap3A_611 = vector.shape_cast %and3A_607 : vector<16xi32> to vector<16xi32>
        tpu.vector_store %arg9[%swap3A_608], %swap3A_611 {strides = array<i32>} : memref<80xi32, #tpu.memory_space<vmem>>, vector<16xi32>,
        %get3A_612 = arith.index_cast %sub3A_539 : i32 to index
        %get3A_613 = arith.constant 64 : index
        %get3A_614 = tpu.vector_load %arg5[%get3A_612, %get3A_613] {strides = array<i32>} : memref<125x80xi32, #tpu.memory_space<vmem>>, vector<1x16xi32>,
        %get3A_615 = vector.shape_cast %get3A_614 : vector<1x16xi32> to vector<16xi32>
        %shift_right_logical3A_616 = arith.constant 16 : i32
        %shift_right_logical3A_617 = vector.broadcast %shift_right_logical3A_616 : i32 to vector<16xi32>
        %shift_right_logical3A_618 = arith.shrui %get3A_615, %shift_right_logical3A_617 : vector<16xi32>
        %swap3A_619 = arith.constant 64 : index
        %swap3A_620 = tpu.vector_load %arg6[%swap3A_619] {strides = array<i32>} : memref<80xi32, #tpu.memory_space<vmem>>, vector<16xi32>,
        %swap3A_621 = vector.shape_cast %swap3A_620 : vector<16xi32> to vector<16xi32>
        %swap3A_622 = vector.shape_cast %shift_right_logical3A_618 : vector<16xi32> to vector<16xi32>
        tpu.vector_store %arg6[%swap3A_619], %swap3A_622 {strides = array<i32>} : memref<80xi32, #tpu.memory_space<vmem>>, vector<16xi32>,
        %and3A_623 = arith.constant 65535 : i32
        %and3A_624 = vector.broadcast %and3A_623 : i32 to vector<16xi32>
        %and3A_625 = arith.andi %get3A_615, %and3A_624 : vector<16xi32>
        %swap3A_626 = arith.constant 64 : index
        %swap3A_627 = tpu.vector_load %arg9[%swap3A_626] {strides = array<i32>} : memref<80xi32, #tpu.memory_space<vmem>>, vector<16xi32>,
        %swap3A_628 = vector.shape_cast %swap3A_627 : vector<16xi32> to vector<16xi32>
        %swap3A_629 = vector.shape_cast %and3A_625 : vector<16xi32> to vector<16xi32>
        tpu.vector_store %arg9[%swap3A_626], %swap3A_629 {strides = array<i32>} : memref<80xi32, #tpu.memory_space<vmem>>, vector<16xi32>,
        %dma_start3A_630 = arith.constant 0 : i32
        %dma_start3A_631 = arith.constant 0 : i32
        %dma_start3A_632 = tpu.memref_slice %arg2[%dma_start3A_630, %dma_start3A_631] : memref<10000x128xf32, #tpu.memory_space<hbm>> -> memref<10000x128xf32, #tpu.memory_space<hbm>>
        tpu.enqueue_indirect_dma source(%dma_start3A_632 : memref<10000x128xf32, #tpu.memory_space<hbm>>) target(%arg12 : memref<80x128xf32, #tpu.memory_space<vmem>>) offsets(%arg6 : memref<80xi32, #tpu.memory_space<vmem>>) semaphore(%arg16 : memref<!tpu.dma_semaphore, #tpu.memory_space<semaphore_mem>>)
      } else {
      }
      %mul3A_511 = arith.constant 3 : i32
      %mul3A_512 = arith.muli %scan3A_471, %mul3A_511 : i32
      %add3A_513 = arith.constant 2 : i32
      %add3A_514 = arith.addi %mul3A_512, %add3A_513 : i32
      %dma_wait3A_515 = arith.constant 0 : i32
      %dma_wait3A_516 = arith.constant 0 : i32
      %dma_wait3A_517 = tpu.memref_slice %arg2[%dma_wait3A_515, %dma_wait3A_516] : memref<10000x128xf32, #tpu.memory_space<hbm>> -> memref<10000x128xf32, #tpu.memory_space<hbm>>
      tpu.wait_indirect_dma semaphore(%arg18 : memref<!tpu.dma_semaphore, #tpu.memory_space<semaphore_mem>>) src(%dma_wait3A_517 : memref<10000x128xf32, #tpu.memory_space<hbm>>) dst(%arg14 : memref<80x128xf32, #tpu.memory_space<vmem>>)
      %dma_start3A_518 = arith.constant 0 : i32
      %dma_start3A_519 = arith.constant 0 : i32
      %dma_start3A_520 = tpu.memref_slice %arg15[%dma_start3A_518, %dma_start3A_519] : memref<10240x128xf32, #tpu.memory_space<vmem_shared>> -> memref<10240x128xf32, #tpu.memory_space<vmem_shared>>
      tpu.enqueue_indirect_dma source(%arg14 : memref<80x128xf32, #tpu.memory_space<vmem>>) target(%dma_start3A_520 : memref<10240x128xf32, #tpu.memory_space<vmem_shared>>) offsets(%arg11 : memref<80xi32, #tpu.memory_space<vmem>>) semaphore(%arg21 : memref<!tpu.dma_semaphore, #tpu.memory_space<semaphore_mem>>) {add = true}
      %ge3A_521 = arith.constant 1 : i32
      %ge3A_522 = arith.cmpi sge, %add3A_514, %ge3A_521 : i32
      %add3A_523 = arith.constant 3 : i32
      %add3A_524 = arith.addi %add3A_514, %add3A_523 : i32
      %sub3A_525 = arith.constant 1 : i32
      %sub3A_526 = arith.subi %add3A_524, %sub3A_525 : i32
      %lt3A_527 = arith.constant 125 : i32
      %lt3A_528 = arith.cmpi slt, %sub3A_526, %lt3A_527 : i32
      %and3A_529 = arith.andi %ge3A_522, %lt3A_528 : i1
      %convert_element_type3A_530 = arith.extui %and3A_529 : i1 to i32
      %cond3A_531 = arith.constant 0 : i32
      %cond3A_532 = arith.cmpi ne, %convert_element_type3A_530, %cond3A_531 : i32
      scf.if %cond3A_532 {
        %dma_wait3A_533 = arith.constant 0 : i32
        %dma_wait3A_534 = arith.constant 0 : i32
        %dma_wait3A_535 = tpu.memref_slice %arg15[%dma_wait3A_533, %dma_wait3A_534] : memref<10240x128xf32, #tpu.memory_space<vmem_shared>> -> memref<10240x128xf32, #tpu.memory_space<vmem_shared>>
        tpu.wait_indirect_dma semaphore(%arg20 : memref<!tpu.dma_semaphore, #tpu.memory_space<semaphore_mem>>) src(%arg13 : memref<80x128xf32, #tpu.memory_space<vmem>>) dst(%dma_wait3A_535 : memref<10240x128xf32, #tpu.memory_space<vmem_shared>>)
        %add3A_536 = arith.constant 3 : i32
        %add3A_537 = arith.addi %add3A_514, %add3A_536 : i32
        %sub3A_538 = arith.constant 1 : i32
        %sub3A_539 = arith.subi %add3A_537, %sub3A_538 : i32
        %get3A_540 = arith.index_cast %sub3A_539 : i32 to index
        %get3A_541 = arith.constant 0 : index
        %get3A_542 = tpu.vector_load %arg5[%get3A_540, %get3A_541] {strides = array<i32>} : memref<125x80xi32, #tpu.memory_space<vmem>>, vector<1x16xi32>,
        %get3A_543 = vector.shape_cast %get3A_542 : vector<1x16xi32> to vector<16xi32>
        %shift_right_logical3A_544 = arith.constant 16 : i32
        %shift_right_logical3A_545 = vector.broadcast %shift_right_logical3A_544 : i32 to vector<16xi32>
        %shift_right_logical3A_546 = arith.shrui %get3A_543, %shift_right_logical3A_545 : vector<16xi32>
        %swap3A_547 = arith.constant 0 : index
        %swap3A_548 = tpu.vector_load %arg7[%swap3A_547] {strides = array<i32>} : memref<80xi32, #tpu.memory_space<vmem>>, vector<16xi32>,
        %swap3A_549 = vector.shape_cast %swap3A_548 : vector<16xi32> to vector<16xi32>
        %swap3A_550 = vector.shape_cast %shift_right_logical3A_546 : vector<16xi32> to vector<16xi32>
        tpu.vector_store %arg7[%swap3A_547], %swap3A_550 {strides = array<i32>} : memref<80xi32, #tpu.memory_space<vmem>>, vector<16xi32>,
        %and3A_551 = arith.constant 65535 : i32
        %and3A_552 = vector.broadcast %and3A_551 : i32 to vector<16xi32>
        %and3A_553 = arith.andi %get3A_543, %and3A_552 : vector<16xi32>
        %swap3A_554 = arith.constant 0 : index
        %swap3A_555 = tpu.vector_load %arg10[%swap3A_554] {strides = array<i32>} : memref<80xi32, #tpu.memory_space<vmem>>, vector<16xi32>,
        %swap3A_556 = vector.shape_cast %swap3A_555 : vector<16xi32> to vector<16xi32>
        %swap3A_557 = vector.shape_cast %and3A_553 : vector<16xi32> to vector<16xi32>
        tpu.vector_store %arg10[%swap3A_554], %swap3A_557 {strides = array<i32>} : memref<80xi32, #tpu.memory_space<vmem>>, vector<16xi32>,
        %get3A_558 = arith.index_cast %sub3A_539 : i32 to index
        %get3A_559 = arith.constant 16 : index
        %get3A_560 = tpu.vector_load %arg5[%get3A_558, %get3A_559] {strides = array<i32>} : memref<125x80xi32, #tpu.memory_space<vmem>>, vector<1x16xi32>,
        %get3A_561 = vector.shape_cast %get3A_560 : vector<1x16xi32> to vector<16xi32>
        %shift_right_logical3A_562 = arith.constant 16 : i32
        %shift_right_logical3A_563 = vector.broadcast %shift_right_logical3A_562 : i32 to vector<16xi32>
        %shift_right_logical3A_564 = arith.shrui %get3A_561, %shift_right_logical3A_563 : vector<16xi32>
        %swap3A_565 = arith.constant 16 : index
        %swap3A_566 = tpu.vector_load %arg7[%swap3A_565] {strides = array<i32>} : memref<80xi32, #tpu.memory_space<vmem>>, vector<16xi32>,
        %swap3A_567 = vector.shape_cast %swap3A_566 : vector<16xi32> to vector<16xi32>
        %swap3A_568 = vector.shape_cast %shift_right_logical3A_564 : vector<16xi32> to vector<16xi32>
        tpu.vector_store %arg7[%swap3A_565], %swap3A_568 {strides = array<i32>} : memref<80xi32, #tpu.memory_space<vmem>>, vector<16xi32>,
        %and3A_569 = arith.constant 65535 : i32
        %and3A_570 = vector.broadcast %and3A_569 : i32 to vector<16xi32>
        %and3A_571 = arith.andi %get3A_561, %and3A_570 : vector<16xi32>
        %swap3A_572 = arith.constant 16 : index
        %swap3A_573 = tpu.vector_load %arg10[%swap3A_572] {strides = array<i32>} : memref<80xi32, #tpu.memory_space<vmem>>, vector<16xi32>,
        %swap3A_574 = vector.shape_cast %swap3A_573 : vector<16xi32> to vector<16xi32>
        %swap3A_575 = vector.shape_cast %and3A_571 : vector<16xi32> to vector<16xi32>
        tpu.vector_store %arg10[%swap3A_572], %swap3A_575 {strides = array<i32>} : memref<80xi32, #tpu.memory_space<vmem>>, vector<16xi32>,
        %get3A_576 = arith.index_cast %sub3A_539 : i32 to index
        %get3A_577 = arith.constant 32 : index
        %get3A_578 = tpu.vector_load %arg5[%get3A_576, %get3A_577] {strides = array<i32>} : memref<125x80xi32, #tpu.memory_space<vmem>>, vector<1x16xi32>,
        %get3A_579 = vector.shape_cast %get3A_578 : vector<1x16xi32> to vector<16xi32>
        %shift_right_logical3A_580 = arith.constant 16 : i32
        %shift_right_logical3A_581 = vector.broadcast %shift_right_logical3A_580 : i32 to vector<16xi32>
        %shift_right_logical3A_582 = arith.shrui %get3A_579, %shift_right_logical3A_581 : vector<16xi32>
        %swap3A_583 = arith.constant 32 : index
        %swap3A_584 = tpu.vector_load %arg7[%swap3A_583] {strides = array<i32>} : memref<80xi32, #tpu.memory_space<vmem>>, vector<16xi32>,
        %swap3A_585 = vector.shape_cast %swap3A_584 : vector<16xi32> to vector<16xi32>
        %swap3A_586 = vector.shape_cast %shift_right_logical3A_582 : vector<16xi32> to vector<16xi32>
        tpu.vector_store %arg7[%swap3A_583], %swap3A_586 {strides = array<i32>} : memref<80xi32, #tpu.memory_space<vmem>>, vector<16xi32>,
        %and3A_587 = arith.constant 65535 : i32
        %and3A_588 = vector.broadcast %and3A_587 : i32 to vector<16xi32>
        %and3A_589 = arith.andi %get3A_579, %and3A_588 : vector<16xi32>
        %swap3A_590 = arith.constant 32 : index
        %swap3A_591 = tpu.vector_load %arg10[%swap3A_590] {strides = array<i32>} : memref<80xi32, #tpu.memory_space<vmem>>, vector<16xi32>,
        %swap3A_592 = vector.shape_cast %swap3A_591 : vector<16xi32> to vector<16xi32>
        %swap3A_593 = vector.shape_cast %and3A_589 : vector<16xi32> to vector<16xi32>
        tpu.vector_store %arg10[%swap3A_590], %swap3A_593 {strides = array<i32>} : memref<80xi32, #tpu.memory_space<vmem>>, vector<16xi32>,
        %get3A_594 = arith.index_cast %sub3A_539 : i32 to index
        %get3A_595 = arith.constant 48 : index
        %get3A_596 = tpu.vector_load %arg5[%get3A_594, %get3A_595] {strides = array<i32>} : memref<125x80xi32, #tpu.memory_space<vmem>>, vector<1x16xi32>,
        %get3A_597 = vector.shape_cast %get3A_596 : vector<1x16xi32> to vector<16xi32>
        %shift_right_logical3A_598 = arith.constant 16 : i32
        %shift_right_logical3A_599 = vector.broadcast %shift_right_logical3A_598 : i32 to vector<16xi32>
        %shift_right_logical3A_600 = arith.shrui %get3A_597, %shift_right_logical3A_599 : vector<16xi32>
        %swap3A_601 = arith.constant 48 : index
        %swap3A_602 = tpu.vector_load %arg7[%swap3A_601] {strides = array<i32>} : memref<80xi32, #tpu.memory_space<vmem>>, vector<16xi32>,
        %swap3A_603 = vector.shape_cast %swap3A_602 : vector<16xi32> to vector<16xi32>
        %swap3A_604 = vector.shape_cast %shift_right_logical3A_600 : vector<16xi32> to vector<16xi32>
        tpu.vector_store %arg7[%swap3A_601], %swap3A_604 {strides = array<i32>} : memref<80xi32, #tpu.memory_space<vmem>>, vector<16xi32>,
        %and3A_605 = arith.constant 65535 : i32
        %and3A_606 = vector.broadcast %and3A_605 : i32 to vector<16xi32>
        %and3A_607 = arith.andi %get3A_597, %and3A_606 : vector<16xi32>
        %swap3A_608 = arith.constant 48 : index
        %swap3A_609 = tpu.vector_load %arg10[%swap3A_608] {strides = array<i32>} : memref<80xi32, #tpu.memory_space<vmem>>, vector<16xi32>,
        %swap3A_610 = vector.shape_cast %swap3A_609 : vector<16xi32> to vector<16xi32>
        %swap3A_611 = vector.shape_cast %and3A_607 : vector<16xi32> to vector<16xi32>
        tpu.vector_store %arg10[%swap3A_608], %swap3A_611 {strides = array<i32>} : memref<80xi32, #tpu.memory_space<vmem>>, vector<16xi32>,
        %get3A_612 = arith.index_cast %sub3A_539 : i32 to index
        %get3A_613 = arith.constant 64 : index
        %get3A_614 = tpu.vector_load %arg5[%get3A_612, %get3A_613] {strides = array<i32>} : memref<125x80xi32, #tpu.memory_space<vmem>>, vector<1x16xi32>,
        %get3A_615 = vector.shape_cast %get3A_614 : vector<1x16xi32> to vector<16xi32>
        %shift_right_logical3A_616 = arith.constant 16 : i32
        %shift_right_logical3A_617 = vector.broadcast %shift_right_logical3A_616 : i32 to vector<16xi32>
        %shift_right_logical3A_618 = arith.shrui %get3A_615, %shift_right_logical3A_617 : vector<16xi32>
        %swap3A_619 = arith.constant 64 : index
        %swap3A_620 = tpu.vector_load %arg7[%swap3A_619] {strides = array<i32>} : memref<80xi32, #tpu.memory_space<vmem>>, vector<16xi32>,
        %swap3A_621 = vector.shape_cast %swap3A_620 : vector<16xi32> to vector<16xi32>
        %swap3A_622 = vector.shape_cast %shift_right_logical3A_618 : vector<16xi32> to vector<16xi32>
        tpu.vector_store %arg7[%swap3A_619], %swap3A_622 {strides = array<i32>} : memref<80xi32, #tpu.memory_space<vmem>>, vector<16xi32>,
        %and3A_623 = arith.constant 65535 : i32
        %and3A_624 = vector.broadcast %and3A_623 : i32 to vector<16xi32>
        %and3A_625 = arith.andi %get3A_615, %and3A_624 : vector<16xi32>
        %swap3A_626 = arith.constant 64 : index
        %swap3A_627 = tpu.vector_load %arg10[%swap3A_626] {strides = array<i32>} : memref<80xi32, #tpu.memory_space<vmem>>, vector<16xi32>,
        %swap3A_628 = vector.shape_cast %swap3A_627 : vector<16xi32> to vector<16xi32>
        %swap3A_629 = vector.shape_cast %and3A_625 : vector<16xi32> to vector<16xi32>
        tpu.vector_store %arg10[%swap3A_626], %swap3A_629 {strides = array<i32>} : memref<80xi32, #tpu.memory_space<vmem>>, vector<16xi32>,
        %dma_start3A_630 = arith.constant 0 : i32
        %dma_start3A_631 = arith.constant 0 : i32
        %dma_start3A_632 = tpu.memref_slice %arg2[%dma_start3A_630, %dma_start3A_631] : memref<10000x128xf32, #tpu.memory_space<hbm>> -> memref<10000x128xf32, #tpu.memory_space<hbm>>
        tpu.enqueue_indirect_dma source(%dma_start3A_632 : memref<10000x128xf32, #tpu.memory_space<hbm>>) target(%arg13 : memref<80x128xf32, #tpu.memory_space<vmem>>) offsets(%arg7 : memref<80xi32, #tpu.memory_space<vmem>>) semaphore(%arg17 : memref<!tpu.dma_semaphore, #tpu.memory_space<semaphore_mem>>)
      } else {
      }
    }
    %scan3A_444 = arith.constant 41 : i32
    %dma_wait3A_445 = arith.constant 0 : i32
    %dma_wait3A_446 = arith.constant 0 : i32
    %dma_wait3A_447 = tpu.memref_slice %arg2[%dma_wait3A_445, %dma_wait3A_446] : memref<10000x128xf32, #tpu.memory_space<hbm>> -> memref<10000x128xf32, #tpu.memory_space<hbm>>
    tpu.wait_indirect_dma semaphore(%arg16 : memref<!tpu.dma_semaphore, #tpu.memory_space<semaphore_mem>>) src(%dma_wait3A_447 : memref<10000x128xf32, #tpu.memory_space<hbm>>) dst(%arg12 : memref<80x128xf32, #tpu.memory_space<vmem>>)
    %dma_start3A_448 = arith.constant 0 : i32
    %dma_start3A_449 = arith.constant 0 : i32
    %dma_start3A_450 = tpu.memref_slice %arg15[%dma_start3A_448, %dma_start3A_449] : memref<10240x128xf32, #tpu.memory_space<vmem_shared>> -> memref<10240x128xf32, #tpu.memory_space<vmem_shared>>
    tpu.enqueue_indirect_dma source(%arg12 : memref<80x128xf32, #tpu.memory_space<vmem>>) target(%dma_start3A_450 : memref<10240x128xf32, #tpu.memory_space<vmem_shared>>) offsets(%arg9 : memref<80xi32, #tpu.memory_space<vmem>>) semaphore(%arg19 : memref<!tpu.dma_semaphore, #tpu.memory_space<semaphore_mem>>) {add = true}
    %dma_wait3A_451 = arith.constant 0 : i32
    %dma_wait3A_452 = arith.constant 0 : i32
    %dma_wait3A_453 = tpu.memref_slice %arg2[%dma_wait3A_451, %dma_wait3A_452] : memref<10000x128xf32, #tpu.memory_space<hbm>> -> memref<10000x128xf32, #tpu.memory_space<hbm>>
    tpu.wait_indirect_dma semaphore(%arg17 : memref<!tpu.dma_semaphore, #tpu.memory_space<semaphore_mem>>) src(%dma_wait3A_453 : memref<10000x128xf32, #tpu.memory_space<hbm>>) dst(%arg13 : memref<80x128xf32, #tpu.memory_space<vmem>>)
    %dma_start3A_454 = arith.constant 0 : i32
    %dma_start3A_455 = arith.constant 0 : i32
    %dma_start3A_456 = tpu.memref_slice %arg15[%dma_start3A_454, %dma_start3A_455] : memref<10240x128xf32, #tpu.memory_space<vmem_shared>> -> memref<10240x128xf32, #tpu.memory_space<vmem_shared>>
    tpu.enqueue_indirect_dma source(%arg13 : memref<80x128xf32, #tpu.memory_space<vmem>>) target(%dma_start3A_456 : memref<10240x128xf32, #tpu.memory_space<vmem_shared>>) offsets(%arg10 : memref<80xi32, #tpu.memory_space<vmem>>) semaphore(%arg20 : memref<!tpu.dma_semaphore, #tpu.memory_space<semaphore_mem>>) {add = true}
    %dma_wait3A_457 = arith.constant 0 : i32
    %dma_wait3A_458 = arith.constant 0 : i32
    %dma_wait3A_459 = tpu.memref_slice %arg15[%dma_wait3A_457, %dma_wait3A_458] : memref<10240x128xf32, #tpu.memory_space<vmem_shared>> -> memref<10240x128xf32, #tpu.memory_space<vmem_shared>>
    tpu.wait_indirect_dma semaphore(%arg19 : memref<!tpu.dma_semaphore, #tpu.memory_space<semaphore_mem>>) src(%arg12 : memref<80x128xf32, #tpu.memory_space<vmem>>) dst(%dma_wait3A_459 : memref<10240x128xf32, #tpu.memory_space<vmem_shared>>)
    %dma_wait3A_460 = arith.constant 0 : i32
    %dma_wait3A_461 = arith.constant 0 : i32
    %dma_wait3A_462 = tpu.memref_slice %arg15[%dma_wait3A_460, %dma_wait3A_461] : memref<10240x128xf32, #tpu.memory_space<vmem_shared>> -> memref<10240x128xf32, #tpu.memory_space<vmem_shared>>
    tpu.wait_indirect_dma semaphore(%arg20 : memref<!tpu.dma_semaphore, #tpu.memory_space<semaphore_mem>>) src(%arg13 : memref<80x128xf32, #tpu.memory_space<vmem>>) dst(%dma_wait3A_462 : memref<10240x128xf32, #tpu.memory_space<vmem_shared>>)
    %dma_wait3A_463 = arith.constant 0 : i32
    %dma_wait3A_464 = arith.constant 0 : i32
    %dma_wait3A_465 = tpu.memref_slice %arg15[%dma_wait3A_463, %dma_wait3A_464] : memref<10240x128xf32, #tpu.memory_space<vmem_shared>> -> memref<10240x128xf32, #tpu.memory_space<vmem_shared>>
    tpu.wait_indirect_dma semaphore(%arg21 : memref<!tpu.dma_semaphore, #tpu.memory_space<semaphore_mem>>) src(%arg14 : memref<80x128xf32, #tpu.memory_space<vmem>>) dst(%dma_wait3A_465 : memref<10240x128xf32, #tpu.memory_space<vmem_shared>>)
    %barrier3A_466 = arith.constant 0 : index
    tpu.barrier barrier_id(%barrier3A_466)
    %mul3A_467 = arith.constant 640 : i32
    %mul3A_468 = arith.muli %arg1, %mul3A_467 : i32
    %mul3A_469 = arith.constant 640 : i32
    %mul3A_470 = arith.muli %arg1, %mul3A_469 : i32
    "tpu.region"() ({
      %run_scoped3A = tpu.sem_alloc : memref<!tpu.dma_semaphore, #tpu.memory_space<semaphore_mem>>
      %dma_start3A_471 = arith.constant 0 : i32
      %dma_start3A_472 = arith.constant 0 : i32
      %dma_start3A_473 = tpu.memref_slice %arg4[%arg0, %dma_start3A_471, %dma_start3A_472] : memref<2x10240x128xf32, #tpu.memory_space<hbm>> -> memref<1x10240x128xf32, #tpu.memory_space<hbm>>
      %dma_start3A_474 = tpu.memref_squeeze %dma_start3A_473 : memref<1x10240x128xf32, #tpu.memory_space<hbm>> -> memref<10240x128xf32, #tpu.memory_space<hbm>>
      %dma_start3A_475 = arith.constant 0 : i32
      %dma_start3A_476 = tpu.memref_slice %dma_start3A_474[%mul3A_470, %dma_start3A_475] : memref<10240x128xf32, #tpu.memory_space<hbm>> -> memref<640x128xf32, #tpu.memory_space<hbm>>
      %dma_start3A_477 = arith.constant 0 : i32
      %dma_start3A_478 = tpu.memref_slice %arg15[%mul3A_468, %dma_start3A_477] : memref<10240x128xf32, #tpu.memory_space<vmem_shared>> -> memref<640x128xf32, #tpu.memory_space<vmem_shared>>
      tpu.enqueue_dma source(%dma_start3A_478 : memref<640x128xf32, #tpu.memory_space<vmem_shared>>) target(%dma_start3A_476 : memref<640x128xf32, #tpu.memory_space<hbm>>) target_semaphore(%run_scoped3A : memref<!tpu.dma_semaphore, #tpu.memory_space<semaphore_mem>>)
      %dma_wait3A_479 = arith.constant 0 : i32
      %dma_wait3A_480 = arith.constant 0 : i32
      %dma_wait3A_481 = tpu.memref_slice %arg4[%arg0, %dma_wait3A_479, %dma_wait3A_480] : memref<2x10240x128xf32, #tpu.memory_space<hbm>> -> memref<1x10240x128xf32, #tpu.memory_space<hbm>>
      %dma_wait3A_482 = tpu.memref_squeeze %dma_wait3A_481 : memref<1x10240x128xf32, #tpu.memory_space<hbm>> -> memref<10240x128xf32, #tpu.memory_space<hbm>>
      %dma_wait3A_483 = arith.constant 0 : i32
      %dma_wait3A_484 = tpu.memref_slice %dma_wait3A_482[%mul3A_470, %dma_wait3A_483] : memref<10240x128xf32, #tpu.memory_space<hbm>> -> memref<640x128xf32, #tpu.memory_space<hbm>>
      %dma_wait3A_485 = arith.constant 0 : i32
      %dma_wait3A_486 = tpu.memref_slice %arg15[%mul3A_468, %dma_wait3A_485] : memref<10240x128xf32, #tpu.memory_space<vmem_shared>> -> memref<640x128xf32, #tpu.memory_space<vmem_shared>>
      tpu.wait_dma2 semaphore(%run_scoped3A : memref<!tpu.dma_semaphore, #tpu.memory_space<semaphore_mem>>) src(%dma_wait3A_486 : memref<640x128xf32, #tpu.memory_space<vmem_shared>>) dst(%dma_wait3A_484 : memref<640x128xf32, #tpu.memory_space<hbm>>)
      tpu.yield
    }) : () -> ()
    return
  }
}

module attributes {stable_mosaic.version = 14 : i64} {
  func.func @_tc_body(%arg0: i32, %arg1: memref<2x5000x128xf32, #tpu.memory_space<vmem>>, %arg2: memref<128x128xf32, #tpu.memory_space<vmem>>, %arg3: memref<1x128xf32, #tpu.memory_space<vmem>>, %arg4: memref<5000x128xf32, #tpu.memory_space<vmem>>) attributes {dimension_semantics = [#tpu.dimension_semantics<arbitrary>], iteration_bounds = array<i64: 2>, scalar_prefetch = 0 : i64, scratch_operands = 0 : i64, tpu.core_type = #tpu.core_type<tc>, window_params = [{transform_indices = @transform_0, window_bounds = array<i64: 2, 5000, 128>}, {pipeline_mode = #tpu.pipeline_mode<synchronous>, transform_indices = @transform_1, window_bounds = array<i64: 128, 128>}, {pipeline_mode = #tpu.pipeline_mode<synchronous>, transform_indices = @transform_2, window_bounds = array<i64: 1, 128>}, {transform_indices = @transform_3, window_bounds = array<i64: 5000, 128>}]} {
    %get3A = arith.constant 0 : index
    %get3A_0 = arith.constant 0 : index
    %get3A_1 = arith.constant 0 : index
    %get3A_2 = vector.load %arg1[%get3A, %get3A_0, %get3A_1] : memref<2x5000x128xf32, #tpu.memory_space<vmem>>, vector<1x5000x128xf32>
    %get3A_3 = vector.shape_cast %get3A_2 : vector<1x5000x128xf32> to vector<5000x128xf32>
    %get3A_4 = arith.constant 1 : index
    %get3A_5 = arith.constant 0 : index
    %get3A_6 = arith.constant 0 : index
    %get3A_7 = vector.load %arg1[%get3A_4, %get3A_5, %get3A_6] : memref<2x5000x128xf32, #tpu.memory_space<vmem>>, vector<1x5000x128xf32>
    %get3A_8 = vector.shape_cast %get3A_7 : vector<1x5000x128xf32> to vector<5000x128xf32>
    %add3A = arith.addf %get3A_3, %get3A_8 : vector<5000x128xf32>
    %get3A_9 = arith.constant 0 : index
    %get3A_10 = arith.constant 0 : index
    %get3A_11 = vector.load %arg2[%get3A_9, %get3A_10] : memref<128x128xf32, #tpu.memory_space<vmem>>, vector<128x128xf32>
    %dot_general3A = arith.constant dense<0.000000e+00> : vector<5000x128xf32>
    %dot_general3A_12 = tpu.matmul %add3A, %get3A_11, %dot_general3A {dimension_numbers = #tpu.dot_dimension_numbers<[1], [0], [0], [1], [0, 0, 1, 1], [], []>, transpose_lhs_hint = false} : vector<5000x128xf32>, vector<128x128xf32>, vector<5000x128xf32> -> vector<5000x128xf32>
    %get3A_13 = arith.constant 0 : index
    %get3A_14 = arith.constant 0 : index
    %get3A_15 = vector.load %arg3[%get3A_13, %get3A_14] : memref<1x128xf32, #tpu.memory_space<vmem>>, vector<1x128xf32>
    %add3A_16 = vector.broadcast %get3A_15 : vector<1x128xf32> to vector<5000x128xf32>
    %add3A_17 = arith.addf %dot_general3A_12, %add3A_16 : vector<5000x128xf32>
    %swap3A = arith.constant 0 : index
    %swap3A_18 = arith.constant 0 : index
    %swap3A_19 = vector.load %arg4[%swap3A, %swap3A_18] : memref<5000x128xf32, #tpu.memory_space<vmem>>, vector<5000x128xf32>
    tpu.vector_store %arg4[%swap3A, %swap3A_18], %add3A_17 {strides = array<i32>} : memref<5000x128xf32, #tpu.memory_space<vmem>>, vector<5000x128xf32>,
    return
  }
  func.func @transform_0(%arg0: i32) -> (i32, i32, i32) {
    %c0_i32 = arith.constant 0 : i32
    %c0_i32_0 = arith.constant 0 : i32
    %c0_i32_1 = arith.constant 0 : i32
    return %c0_i32, %arg0, %c0_i32_0 : i32, i32, i32
  }
  func.func @transform_1(%arg0: i32) -> (i32, i32) {
    %c0_i32 = arith.constant 0 : i32
    %c0_i32_0 = arith.constant 0 : i32
    %c0_i32_1 = arith.constant 0 : i32
    return %c0_i32, %c0_i32_0 : i32, i32
  }
  func.func @transform_2(%arg0: i32) -> (i32, i32) {
    %c0_i32 = arith.constant 0 : i32
    %c0_i32_0 = arith.constant 0 : i32
    %c0_i32_1 = arith.constant 0 : i32
    return %c0_i32, %c0_i32_0 : i32, i32
  }
  func.func @transform_3(%arg0: i32) -> (i32, i32) {
    %c0_i32 = arith.constant 0 : i32
    %c0_i32_0 = arith.constant 0 : i32
    return %arg0, %c0_i32 : i32, i32
  }
}

module attributes {stable_mosaic.version = 14 : i64} {
  func.func @_tc_body(%arg0: i32, %arg1: memref<2x5000x128xf32, #tpu.memory_space<vmem>>, %arg2: memref<128x128xf32, #tpu.memory_space<vmem>>, %arg3: memref<1x128xf32, #tpu.memory_space<vmem>>, %arg4: memref<5000x128xf32, #tpu.memory_space<vmem>>) attributes {dimension_semantics = [#tpu.dimension_semantics<arbitrary>], iteration_bounds = array<i64: 2>, scalar_prefetch = 0 : i64, scratch_operands = 0 : i64, tpu.core_type = #tpu.core_type<tc>, window_params = [{transform_indices = @transform_0, window_bounds = array<i64: 2, 5000, 128>}, {pipeline_mode = #tpu.pipeline_mode<synchronous>, transform_indices = @transform_1, window_bounds = array<i64: 128, 128>}, {pipeline_mode = #tpu.pipeline_mode<synchronous>, transform_indices = @transform_2, window_bounds = array<i64: 1, 128>}, {transform_indices = @transform_3, window_bounds = array<i64: 5000, 128>}]} {
    %get3A = arith.constant 0 : index
    %get3A_0 = arith.constant 0 : index
    %get3A_1 = arith.constant 0 : index
    %get3A_2 = vector.load %arg1[%get3A, %get3A_0, %get3A_1] : memref<2x5000x128xf32, #tpu.memory_space<vmem>>, vector<1x5000x128xf32>
    %get3A_3 = vector.shape_cast %get3A_2 : vector<1x5000x128xf32> to vector<5000x128xf32>
    %get3A_4 = arith.constant 1 : index
    %get3A_5 = arith.constant 0 : index
    %get3A_6 = arith.constant 0 : index
    %get3A_7 = vector.load %arg1[%get3A_4, %get3A_5, %get3A_6] : memref<2x5000x128xf32, #tpu.memory_space<vmem>>, vector<1x5000x128xf32>
    %get3A_8 = vector.shape_cast %get3A_7 : vector<1x5000x128xf32> to vector<5000x128xf32>
    %add3A = arith.addf %get3A_3, %get3A_8 : vector<5000x128xf32>
    %get3A_9 = arith.constant 0 : index
    %get3A_10 = arith.constant 0 : index
    %get3A_11 = vector.load %arg2[%get3A_9, %get3A_10] : memref<128x128xf32, #tpu.memory_space<vmem>>, vector<128x128xf32>
    %dot_general3A = arith.constant dense<0.000000e+00> : vector<5000x128xf32>
    %dot_general3A_12 = tpu.matmul %add3A, %get3A_11, %dot_general3A {dimension_numbers = #tpu.dot_dimension_numbers<[1], [0], [0], [1], [0, 0, 1, 1], [], []>, transpose_lhs_hint = false} : vector<5000x128xf32>, vector<128x128xf32>, vector<5000x128xf32> -> vector<5000x128xf32>
    %get3A_13 = arith.constant 0 : index
    %get3A_14 = arith.constant 0 : index
    %get3A_15 = vector.load %arg3[%get3A_13, %get3A_14] : memref<1x128xf32, #tpu.memory_space<vmem>>, vector<1x128xf32>
    %add3A_16 = vector.broadcast %get3A_15 : vector<1x128xf32> to vector<5000x128xf32>
    %add3A_17 = arith.addf %dot_general3A_12, %add3A_16 : vector<5000x128xf32>
    %max3A = arith.constant 0.000000e+00 : f32
    %max3A_18 = vector.broadcast %max3A : f32 to vector<5000x128xf32>
    %max3A_19 = arith.maximumf %add3A_17, %max3A_18 : vector<5000x128xf32>
    %swap3A = arith.constant 0 : index
    %swap3A_20 = arith.constant 0 : index
    %swap3A_21 = vector.load %arg4[%swap3A, %swap3A_20] : memref<5000x128xf32, #tpu.memory_space<vmem>>, vector<5000x128xf32>
    tpu.vector_store %arg4[%swap3A, %swap3A_20], %max3A_19 {strides = array<i32>} : memref<5000x128xf32, #tpu.memory_space<vmem>>, vector<5000x128xf32>,
    return
  }
  func.func @transform_0(%arg0: i32) -> (i32, i32, i32) {
    %c0_i32 = arith.constant 0 : i32
    %c0_i32_0 = arith.constant 0 : i32
    %c0_i32_1 = arith.constant 0 : i32
    return %c0_i32, %arg0, %c0_i32_0 : i32, i32, i32
  }
  func.func @transform_1(%arg0: i32) -> (i32, i32) {
    %c0_i32 = arith.constant 0 : i32
    %c0_i32_0 = arith.constant 0 : i32
    %c0_i32_1 = arith.constant 0 : i32
    return %c0_i32, %c0_i32_0 : i32, i32
  }
  func.func @transform_2(%arg0: i32) -> (i32, i32) {
    %c0_i32 = arith.constant 0 : i32
    %c0_i32_0 = arith.constant 0 : i32
    %c0_i32_1 = arith.constant 0 : i32
    return %c0_i32, %c0_i32_0 : i32, i32
  }
  func.func @transform_3(%arg0: i32) -> (i32, i32) {
    %c0_i32 = arith.constant 0 : i32
    %c0_i32_0 = arith.constant 0 : i32
    return %arg0, %c0_i32 : i32, i32
  }
}

</mosaic_0001>

<sc_bundles>
// kernel: kernel.6.cloned.1.call-start
scs
__scs_entry_jumppad:
0x0: {  	(pc) =	sbr.rel $0x88, $3  }
0x1: {  	(tag) =	ssettag $0x0;
	lr =	simm.s32 $0x1  }
0x2: {  	[smem:$0x3F9B] =	sst lr;
	_ =	strace $0xD0000000  }
0x3: {  	_ = 	snop  }
0x4: {  	_ = 	snop  }
0x5: {  	_ = 	snop  }
0x6: {  	_ = 	snop  }
0x7: {  	_ = 	snop  }
__scs_overlays_trampoline_lowered:
0x8: {  	[smem:$0x3FAA] =	sst s0  }
0x9: {  	[smem:$0x3FAB] =	sst s1  }
0xa: {  	[smem:$0x3FAC] =	sst s2  }
0xb: {  	[smem:$0x3FAD] =	sst s3  }
0xc: {  	[smem:$0x3FAE] =	sst s4  }
0xd: {  	[smem:$0x3FAF] =	sst s5  }
0xe: {  	[smem:$0x3FB0] =	sst s6  }
0xf: {  	[smem:$0x3FB1] =	sst s7  }
0x10: {  	[smem:$0x3FB2] =	sst s8  }
0x11: {  	[smem:$0x3FB3] =	sst s9;
	s0 =	simm.s32 @!p0 $0x0  }
0x12: {  	s1 =	sld [smem:$0x3F99];
	s0 =	simm.s32 @p0 $0x1  }
0x13: {  	[smem:$0x3FB4] =	sst s0;
	s0 =	simm.s32 @!p1 $0x0  }
0x14: {  	s2 =	sld [smem:$0x3F98];
	s0 =	simm.s32 @p1 $0x1  }
0x15: {  	[smem:$0x3FB5] =	sst s0;
	s0 =	simm.s32 @!p2 $0x0  }
0x16: {  	s3 =	sld [smem:$0x3FDB];
	s0 =	simm.s32 @p2 $0x1  }
0x17: {  	s4 =	simm.s32 $0x1BF5;
	[smem:$0x3FB7] =	sst s0  }
0x18: {  	s0 =	sld [smem:$0x3F9A];
	_ =	swait.ge [sflag:s4], $0x0  }
0x19: {  	s7 =	sld [smem:$0x3F9B]  }
0x1a: {  	s8 =	sadd.s32 $0xFFFFE003, lr  }
0x1b: {  	s9 =	sadd.s32 $0xFFFFFEF7, lr;
	s5 =	simm.s32 $0xFFFFFFFF;
	p2 =	slt.u32 s8, $0xFFFFF086  }
0x1c: {  	p1 =	slt.u32 s9, $0xF7A;
	s5 =	simm.s32 @!p2 $0x0  }
0x1d: {  	s5 =	simm.s32 @p1 $0x1;
	p0 =	seq.s32 s7, s2  }
0x1e: {  	s7 =	smul.u32 @!p0 $0xF7A, s2;
	p2 =	seq.s32 @!p0 s5, $0x0  }
0x1f: {  	s9 =	smul.u32 $0xF7A, s1;
	s8 =	simm.s32 @!p0 $0x1BF5;
	p2 =	por !p2, p0  }
0x20: {  	[sflag:s8] =	ssyncset.s32 @!p0 $0xFFFFF086;
	s6 =	sadd.s32 @!p0 s3, s7;
	s7 =	simm.s32 @!p0 $0x108  }
0x21: {  	s3 =	sadd.s32 s3, s9;
	s6 =	sadd.s32 @!p0 $0x88, s6;
	s7 =	simm.s32 @p2 $0x1082  }
0x22: {  	[simem:s7], [sflag:s8] =	dma.local @!p0 [hbm:s6], $0xF7A  }
0x23: {  	s9 =	sor.u32 $0xD0000000, s2;
	s6 =	simm.s32 $0x108;
	_ =	swait.ge @!p0 [sflag:s8], $0x0  }
0x24: {  	s3 =	sadd.s32 $0x88, s3;
	s6 =	simm.s32 @!p1 $0x1082;
	[sflag:s4] =	ssyncset.s32 $0xFFFFF086  }
0x25: {  	[simem:s6], [sflag:s4] =	dma.local [hbm:s3], $0xF7A  }
0x26: {  	[smem:$0x3F9B] =	sst s1;
	(tag) =	ssettag s2;
	_ =	strace s9  }
0x27: {  	s1 =	sld [smem:$0x3FAB]  }
0x28: {  	s2 =	sld [smem:$0x3FAC]  }
0x29: {  	s4 =	sld [smem:$0x3FAE]  }
0x2a: {  	p0 =	seq.s32 s5, $0x0;
	s5 =	sld [smem:$0x3FAF]  }
0x2b: {  	s6 =	sld [smem:$0x3FB0]  }
0x2c: {  	s7 =	sld [smem:$0x3FB1]  }
0x2d: {  	s3 =	simm.s32 $0x108;
	s8 =	sld [smem:$0x3FB2]  }
0x2e: {  	s3 =	simm.s32 @!p0 $0x1082;
	s9 =	sld [smem:$0x3FB3]  }
0x2f: {  	lr =	sadd.s32 s0, s3;
	s0 =	sld [smem:$0x3FAA]  }
0x30: {  	s3 =	sld [smem:$0x3FAD]  }
0x31: {  	[smem:$0x3FB6] =	sst s10  }
0x32: {  	s10 =	sld [smem:$0x3FB4];
	_ =	sdelay $0x3  }
0x33: {  	p0 =	seq.s32 s10, $0x1;
	s10 =	sld [smem:$0x3FB6];
	_ =	sdelay $0x3  }
0x34: {  	[smem:$0x3FB6] =	sst s10  }
0x35: {  	s10 =	sld [smem:$0x3FB5];
	_ =	sdelay $0x3  }
0x36: {  	p1 =	seq.s32 s10, $0x1;
	s10 =	sld [smem:$0x3FB6];
	_ =	sdelay $0x3  }
0x37: {  	[smem:$0x3FB6] =	sst s10  }
0x38: {  	s10 =	sld [smem:$0x3FB7]  }
0x39: {  	_ = 	snop;
	(pc) =	sbr.ind lr, $3  }
0x3a: {  	_ = 	snop  }
0x3b: {  	_ = 	snop  }
0x3c: {  	p2 =	seq.s32 s10, $0x1;
	s10 =	sld [smem:$0x3FB6]  }
0x3d: {  	_ =	shalt  }
0x3e: {  	_ =	shalt  }
0x3f: {  	_ =	shalt  }
0x40: {  	_ =	shalt  }
0x41: {  	_ =	shalt  }
0x42: {  	_ =	shalt  }
0x43: {  	_ =	shalt  }
0x44: {  	_ =	shalt  }
0x45: {  	_ =	shalt  }
0x46: {  	_ =	shalt  }
0x47: {  	_ =	shalt  }
0x48: {  	_ =	shalt  }
0x49: {  	_ =	shalt  }
0x4a: {  	_ =	shalt  }
0x4b: {  	_ =	shalt  }
0x4c: {  	_ =	shalt  }
0x4d: {  	_ =	shalt  }
0x4e: {  	_ =	shalt  }
0x4f: {  	_ =	shalt  }
0x50: {  	_ =	shalt  }
0x51: {  	_ =	shalt  }
0x52: {  	_ =	shalt  }
0x53: {  	_ =	shalt  }
0x54: {  	_ =	shalt  }
0x55: {  	_ =	shalt  }
0x56: {  	_ =	shalt  }
0x57: {  	_ =	shalt  }
0x58: {  	_ =	shalt  }
0x59: {  	_ =	shalt  }
0x5a: {  	_ =	shalt  }
0x5b: {  	_ =	shalt  }
0x5c: {  	_ =	shalt  }
0x5d: {  	_ =	shalt  }
0x5e: {  	_ =	shalt  }
0x5f: {  	_ =	shalt  }
0x60: {  	_ =	shalt  }
0x61: {  	_ =	shalt  }
0x62: {  	_ =	shalt  }
0x63: {  	_ =	shalt  }
0x64: {  	_ =	shalt  }
0x65: {  	_ =	shalt  }
0x66: {  	_ =	shalt  }
0x67: {  	_ =	shalt  }
0x68: {  	_ =	shalt  }
0x69: {  	_ =	shalt  }
0x6a: {  	_ =	shalt  }
0x6b: {  	_ =	shalt  }
0x6c: {  	_ =	shalt  }
0x6d: {  	_ =	shalt  }
0x6e: {  	_ =	shalt  }
0x6f: {  	_ =	shalt  }
0x70: {  	_ =	shalt  }
0x71: {  	_ =	shalt  }
0x72: {  	_ =	shalt  }
0x73: {  	_ =	shalt  }
0x74: {  	_ =	shalt  }
0x75: {  	_ =	shalt  }
0x76: {  	_ =	shalt  }
0x77: {  	_ =	shalt  }
0x78: {  	_ =	shalt  }
0x79: {  	_ =	shalt  }
0x7a: {  	_ =	shalt  }
0x7b: {  	_ =	shalt  }
0x7c: {  	_ =	shalt  }
0x7d: {  	_ =	shalt  }
0x7e: {  	_ =	shalt  }
0x7f: {  	_ =	shalt  }
0x80: {  	_ =	shalt  }
0x81: {  	_ =	shalt  }
0x82: {  	_ =	shalt  }
0x83: {  	_ =	shalt  }
0x84: {  	_ =	shalt  }
0x85: {  	_ =	shalt  }
0x86: {  	_ =	shalt  }
0x87: {  	_ =	shalt  }
.Lfunc_end0:
.L_simem_size_0:
called_computation_lowered:
.L_overlay_start_0:
0x88: {  	s2 =	sld [smem:$0x3FD9]  }
0x89: {  	s3 =	sld [smem:$0x3FFE];
	_ =	sdelay $0x1  }
0x8a: {  	s1 =	srdreg.scid  }
0x8b: {  	s0 =	sand.u32 $0x1, s1  }
0x8c: {  	s17 =	sshll.u32 s0, $0xA;
	s2 =	sadd.s32 s3, s2  }
0x8d: {  	s2 =	sadd.s32 s2, s17  }
0x8e: {  	[smem:$0x3FC2] =	sst s2  }
0x8f: {  	_ = 	snop  }
0x90: {  	s2 =	sld [smem:$0x3FC9];
	(tm) =	ssettm $0x1  }
0x91: {  	s18 =	sld [smem:$0x3FFB];
	_ =	sdelay $0x3  }
0x92: {  	_ =	strace s18  }
0x93: {  	s3 =	sld [smem:$0x3FFC];
	_ =	sdelay $0x3  }
0x94: {  	_ =	strace s3  }
0x95: {  	s3 =	sld [smem:$0x3FFD];
	_ =	sdelay $0x3  }
0x96: {  	_ =	strace s3  }
0x97: {  	_ =	strace $0x8FFFFFFF  }
0x98: {  	s19 =	sld [smem:$0x3FDB];
	_ =	sdelay $0x1  }
0x99: {  	s4 =	simm.s32 $_scs_section_size  }
0x9a: {  	s5 =	simm.s32 $_size__tile_overlayer_lowered;
	s6 =	simm.s32 $_tile_overlayer_lowered  }
0x9b: {  	s22 =	simm.s32 $0x1BFF;
	s21 =	sshll.u32 s6, $0x1;
	s3 =	sadd.s32 s4, s19  }
0x9c: {  	s7 =	simm.s32 $0x0;
	s20 =	sshll.u32 s5, $0x1;
	s5 =	sadd.s32 s21, s3  }
0x9d: {  	[timem:s7], [sflag:s22] =	dma.local [hbm:s5], s20  }
0x9e: {  	_ =	swait.ge [sflag:s22], s20  }
0x9f: {  	s4 =	ssub.s32 $0x0, s20;
	[sflag:s22] =	ssyncset.done $0x0  }
0xa0: {  	[sflag:s22] =	ssyncadd.s32 s4;
	_ =	sdelay $0x1  }
0xa1: {  	s23 =	simm.s32 $0x1B8B  }
0xa2: {  	_ =	swait.ge [sflag:s23], $0x1  }
0xa3: {  	[sflag:s23] =	ssyncset.done $0x0  }
0xa4: {  	s25 =	simm.s32 $0x1B8E;
	s24 =	sld [smem:$0x3FFE];
	[sflag:s23] =	ssyncadd.s32 $0xFFFFFFFF  }
0xa5: {  	s26 =	simm.s32 $execute0_lowered;
	[smem:$0x3FD2] =	sst s25  }
0xa6: {  	s5 =	sshll.u32 s26, $0x1;
	_ =	strace $0x80000046;
	[dreg:$0x1] =	wrdreg $0xFFFFFFFF  }
0xa7: {  	s28 =	simm.s32 $_size_execute0_lowered;
	s3 =	sadd.s32 s3, s5;
	[dreg:$0x0] =	wrdreg $0x0  }
0xa8: {  	s5 =	sshll.u32 s28, $0x1;
	[dreg:$0x2] =	wrdreg s3  }
0xa9: {  	[dreg:$0x3] =	wrdreg s5  }
0xaa: {  	[dreg:$0x4] =	wrdreg $0xC0  }
0xab: {  	_ =	task [dreg:s7], $0x5FFFF  }
0xac: {  	[dreg:$0x1] =	wrdreg $0xFFFFFFFF  }
0xad: {  	[dreg:$0x0] =	wrdreg $0x60  }
0xae: {  	[dreg:$0x2] =	wrdreg s2  }
0xaf: {  	[dreg:$0x3] =	wrdreg s24  }
0xb0: {  	[dreg:$0x4] =	wrdreg $0xBB000  }
0xb1: {  	[dreg:$0x5] =	wrdreg $0x9  }
0xb2: {  	_ =	task.clear_ibuf [dreg:s7], $0x6FFFF;
	_ =	strace $0x90000046  }
0xb3: {  	s29 =	simm.s32 $0x9;
	_ =	strace $0x80000048  }
0xb4: {  	_ =	swait.ge [sflag:s29], $0x1  }
0xb5: {  	[sflag:s29] =	ssyncadd.s32 $0xFFFFFFFF  }
0xb6: {  	_ =	strace $0x90000048  }
0xb7: {  	_ =	sfence  }
0xb8: {  	s30 =	sld [smem:$0x0];
	_ =	sdelay $0x2  }
0xb9: {  	s31 =	sshll.u32 s1, $0xD;
	s1 =	sshrl.u32 s1, $0x2  }
0xba: {  	s3 =	sand.u32 $0x4000, s31;
	s1 =	sadd.s32 s1, s30  }
0xbb: {  	s0 =	sor.u32 s3, s0;
	s1 =	sshll.u32 s1, $0x11  }
0xbc: {  	s0 =	sor.u32 s1, s0  }
0xbd: {  	s0 =	sadd.s32 $0x8F2B, s0  }
0xbe: {  	[sflag:s0] =	ssyncadd.remote.s32 $0x1  }
0xbf: {  	_ =	sfence.sel $0xFFFF  }
0xc0: {  	[dreg:$0x0] =	wrdreg $0xFFFFFFFF;
	(pc) =	sbr.abs _section_cstart, $3  }
0xc1: {  	[dreg:$0x1] =	wrdreg $0xFFFFFFFF  }
0xc2: {  	_ =	task.clear_ibuf [dreg:s7], $0x2FFFF;
	_ =	strace $0x9FFFFFFF  }
0xc3: {  	(tm) =	ssettm $0x7FFFFFFF  }
tec
execute0_lowered:
.L_overlay_start_1:
0x0: {  	(tag) =	ssettag $0x1  }
0x1: {  	s1 =	rddreg [dreg:$0x0]  }
0x2: {  	s0 =	rddreg [dreg:$0x1]  }
0x3: {  	s2 =	rddreg [dreg:$0x2];
	s3 =	srdreg.scid  }
0x4: {  	s5 =	simm.s32 $0x0;
	s8 =	stileid.u32;
	s15 =	simm.s32 $0x4300  }
0x5: {  	s16 =	simm.s32 $0x7;
	s17 =	simm.s32 $0x8;
	s18 =	simm.s32 $0x50  }
0x6: {  	s28 =	simm.s32 $0x2;
	s29 =	simm.s32 $0x4200;
	s30 =	simm.s32 $0x4  }
0x7: {  	s31 =	simm.s32 $0x3;
	s3 =	sand.u32 $0x1, s3;
	s6 =	smul.u32 $0x50000, s8  }
0x8: {  	[smem:$0x7FF] =	sst s5;
	s20 =	sshll.u32 s8, $0xC;
	s26 =	smul.u32 $0x2800, s8  }
0x9: {  	s4 =	smul.u32 $0x28000, s3;
	s19 =	sshll.u32 s3, $0xB;
	_ =	strace $0x80000047  }
0xa: {  	s3 =	ssub.s32 $0x2, s3;
	s5 =	sadd.s32 s19, s0;
	s6 =	sshrl.u32 s6, $0x2  }
0xb: {  	s7 =	sshrl.u32 s3, $0x1;
	s19 =	simm.s32 $0x4000;
	s0 =	sadd.s32 s4, s0  }
0xc: {  	s4 =	sadd.s32 s20, s5;
	s5 =	sadd.s32 s6, s2;
	s3 =	ssub.s32 s3, s7  }
0xd: {  	s20 =	simm.s32 $0x4080;
	s6 =	simm.s32 $0x0;
	s4 =	sadd.s32 $0x1200, s4  }
0xe: {  	s21 =	sadd.s32 $0x2800, s5;
	s22 =	sadd.s32 $0x5000, s5;
	[dreg:$0x4] =	wrdreg s4  }
0xf: {  	s23 =	sadd.s32 $0x7800, s5;
	s24 =	sadd.s32 $0xA000, s5;
	[dreg:$0x5] =	wrdreg s21  }
0x10: {  	s25 =	sadd.s32 $0xC800, s5;
	s12 =	sadd.s32 $0xF000, s5;
	[dreg:$0x6] =	wrdreg s22  }
0x11: {  	s13 =	sadd.s32 $0x11800, s5;
	s0 =	sadd.s32 $0x11200, s0;
	[dreg:$0x7] =	wrdreg s23  }
0x12: {  	s14 =	smax.u32 s3, $0x1;
	s3 =	simm.s32 $0x9;
	[dreg:$0x8] =	wrdreg s24  }
0x13: {  	[dreg:$0x9] =	wrdreg s25;
	s21 =	simm.s32 $0x6B00;
	s23 =	simm.s32 $0x9300  }
0x14: {  	s24 =	sadd.s32 s26, s0;
	s25 =	simm.s32 $0x1;
	s26 =	simm.s32 $0x4180  }
0x15: {  	v0 =	vimm.f32 $0.0e+00;
	s0 =	simm.s32 $0x4280;
	s4 =	simm.s32 $0x5;
	s22 =	simm.s32 $0x6  }
.LBB2_1:
0x16: {  	s7 =	simm.s32 $0x0;
	s8 =	rddreg [dreg:$0x4]  }
0x17: {  	[tilespmem:s7], [sflag:$0x7] =	stream.linear.gather [hbm4b:s8+s7], $0x3E80, $0x38;
	[tilespmem:$0x1FB00] =	vst v63  }
0x18: {  	s7 =	simm.s32 $0x0;
	s8 =	simm.s32 $0x200  }
.LBB2_2:
0x19: {  	p0 =	sne.s32 s8, $0x9E00;
	[tilespmem:s7+$0x4370] =	vst v0  }
0x1a: {  	[tilespmem:s7+$0x4300] =	vst v0  }
0x1b: {  	[tilespmem:s7+$0x4310] =	vst v0  }
.Ltmp0:
0x1c: {  	[tilespmem:s7+$0x4320] =	vst v0;
	(pc) =	sbr.rel @p0 .LBB2_2-.Ltmp0, $4  }
0x1d: {  	[tilespmem:s7+$0x4330] =	vst v0  }
0x1e: {  	[tilespmem:s7+$0x4340] =	vst v0  }
0x1f: {  	[tilespmem:s7+$0x4350] =	vst v0  }
0x20: {  	[tilespmem:s7+$0x4360] =	vst v0;
	s7 =	sshra.s32 s8, $0x2;
	s8 =	sadd.s32 $0x200, s8  }
0x21: {  	[tilespmem:s7+$0x4370] =	vst v0  }
0x22: {  	[tilespmem:s7+$0x4300] =	vst v0  }
0x23: {  	[tilespmem:s7+$0x4310] =	vst v0  }
0x24: {  	[tilespmem:s7+$0x4320] =	vst v0  }
0x25: {  	[tilespmem:s7+$0x4330] =	vst v0  }
0x26: {  	[tilespmem:s7+$0x4340] =	vst v0  }
0x27: {  	[tilespmem:s7+$0x4350] =	vst v0  }
0x28: {  	[tilespmem:s7+$0x4360] =	vst v0  }
0x29: {  	[spmem:s5] =	stream.linear.scatter [tilespmem:s15], [sflag:$0x8], $0x2800, $0x38;
	[tilespmem:$0x1FB00] =	vst v63  }
0x2a: {  	s10 =	rddreg [dreg:$0x5]  }
0x2b: {  	[spmem:s10] =	stream.linear.scatter [tilespmem:s15], [sflag:$0x8], $0x2800, $0x38;
	[tilespmem:$0x1FB00] =	vst v63  }
0x2c: {  	s11 =	rddreg [dreg:$0x6]  }
0x2d: {  	[spmem:s11] =	stream.linear.scatter [tilespmem:s15], [sflag:$0x8], $0x2800, $0x38;
	[tilespmem:$0x1FB00] =	vst v63  }
0x2e: {  	s8 =	rddreg [dreg:$0x7]  }
0x2f: {  	[spmem:s8] =	stream.linear.scatter [tilespmem:s15], [sflag:$0x8], $0x2800, $0x38;
	[tilespmem:$0x1FB00] =	vst v63  }
0x30: {  	s9 =	rddreg [dreg:$0x8]  }
0x31: {  	[spmem:s9] =	stream.linear.scatter [tilespmem:s15], [sflag:$0x8], $0x2800, $0x38;
	[tilespmem:$0x1FB00] =	vst v63  }
0x32: {  	s10 =	rddreg [dreg:$0x9]  }
0x33: {  	[spmem:s10] =	stream.linear.scatter [tilespmem:s15], [sflag:$0x8], $0x2800, $0x38;
	[tilespmem:$0x1FB00] =	vst v63  }
0x34: {  	_ = 	snop  }
0x35: {  	[spmem:s12] =	stream.linear.scatter [tilespmem:s15], [sflag:$0x8], $0x2800, $0x38;
	[tilespmem:$0x1FB00] =	vst v63  }
0x36: {  	_ = 	snop  }
0x37: {  	[spmem:s13] =	stream.linear.scatter [tilespmem:s15], [sflag:$0x8], $0x2800, $0x38;
	[tilespmem:$0x1FB00] =	vst v63  }
0x38: {  	_ =	swait.ge [sflag:s16], $0x3E80  }
0x39: {  	[sflag:s16] =	ssyncset.done $0x0  }
0x3a: {  	[sflag:s16] =	ssyncadd.s32 $0xFFFFC180  }
0x3b: {  	_ =	swait.ge [sflag:s17], $0x2800  }
0x3c: {  	[sflag:s17] =	ssyncset.done $0x0  }
0x3d: {  	[sflag:s17] =	ssyncadd.s32 $0xFFFFD800  }
0x3e: {  	_ =	swait.ge [sflag:s17], $0x2800  }
0x3f: {  	[sflag:s17] =	ssyncset.done $0x0  }
0x40: {  	[sflag:s17] =	ssyncadd.s32 $0xFFFFD800  }
0x41: {  	_ =	swait.ge [sflag:s17], $0x2800  }
0x42: {  	[sflag:s17] =	ssyncset.done $0x0  }
0x43: {  	[sflag:s17] =	ssyncadd.s32 $0xFFFFD800  }
0x44: {  	_ =	swait.ge [sflag:s17], $0x2800  }
0x45: {  	[sflag:s17] =	ssyncset.done $0x0  }
0x46: {  	[sflag:s17] =	ssyncadd.s32 $0xFFFFD800  }
0x47: {  	_ =	swait.ge [sflag:s17], $0x2800  }
0x48: {  	[sflag:s17] =	ssyncset.done $0x0  }
0x49: {  	[sflag:s17] =	ssyncadd.s32 $0xFFFFD800  }
0x4a: {  	_ =	swait.ge [sflag:s17], $0x2800  }
0x4b: {  	[sflag:s17] =	ssyncset.done $0x0  }
0x4c: {  	[sflag:s17] =	ssyncadd.s32 $0xFFFFD800  }
0x4d: {  	_ =	swait.ge [sflag:s17], $0x2800  }
0x4e: {  	[sflag:s17] =	ssyncset.done $0x0  }
0x4f: {  	[sflag:s17] =	ssyncadd.s32 $0xFFFFD800  }
0x50: {  	_ =	swait.ge [sflag:s17], $0x2800  }
0x51: {  	[sflag:s17] =	ssyncset.done $0x0  }
0x52: {  	[sflag:s17] =	ssyncadd.s32 $0xFFFFD800  }
0x53: {  	v1 =	vld [tilespmem:$0x0];
	_ =	sdelay $0x1  }
0x54: {  	v2 =	vld [tilespmem:$0x10];
	_ =	sdelay $0x1  }
0x55: {  	v3 =	vld [tilespmem:$0x20]  }
0x56: {  	v4 =	vshrl.u32 v1, $0x10  }
0x57: {  	v59 =	vld [tilespmem:$0x30];
	v1 =	vand.u32 $0xFFFF, v1;
	[tilespmem:$0x4000] =	vst v4  }
0x58: {  	[tilespmem:$0x4180] =	vst v1;
	v1 =	vshrl.u32 v2, $0x10  }
0x59: {  	[tilespmem:$0x4010] =	vst v1;
	v1 =	vand.u32 $0xFFFF, v2;
	v2 =	vld [tilespmem:$0x40]  }
0x5a: {  	[tilespmem:$0x4190] =	vst v1;
	v1 =	vshrl.u32 v3, $0x10  }
0x5b: {  	[tilespmem:$0x4020] =	vst v1;
	v1 =	vand.u32 $0xFFFF, v3  }
0x5c: {  	[tilespmem:$0x41A0] =	vst v1;
	v1 =	vshrl.u32 v59, $0x10  }
0x5d: {  	[tilespmem:$0x4030] =	vst v1;
	v1 =	vand.u32 $0xFFFF, v59  }
0x5e: {  	[tilespmem:$0x41B0] =	vst v1;
	v1 =	vshrl.u32 v2, $0x10  }
0x5f: {  	[tilespmem:$0x4040] =	vst v1;
	v1 =	vand.u32 $0xFFFF, v2  }
0x60: {  	[tilespmem:$0x41C0] =	vst v1  }
0x61: {  	[tilespmem:s15], [sflag:$0x1] =	stream.indirect.gather [hbm4b:s1+s18], $0x80, s19, s18, $0xb8;
	[tilespmem:$0x1FB00] =	vst v63  }
0x62: {  	v1 =	vld [tilespmem:$0x80];
	_ =	sdelay $0x1  }
0x63: {  	v2 =	vld [tilespmem:$0x90];
	_ =	sdelay $0x1  }
0x64: {  	v3 =	vld [tilespmem:$0xA0]  }
0x65: {  	v60 =	vshrl.u32 v1, $0x10  }
0x66: {  	v61 =	vld [tilespmem:$0xB0];
	v1 =	vand.u32 $0xFFFF, v1;
	[tilespmem:$0x4080] =	vst v60  }
0x67: {  	[tilespmem:$0x4200] =	vst v1;
	v1 =	vshrl.u32 v2, $0x10  }
0x68: {  	[tilespmem:$0x4090] =	vst v1;
	v1 =	vand.u32 $0xFFFF, v2;
	v2 =	vld [tilespmem:$0xC0]  }
0x69: {  	[tilespmem:$0x4210] =	vst v1;
	v1 =	vshrl.u32 v3, $0x10  }
0x6a: {  	[tilespmem:$0x40A0] =	vst v1;
	v1 =	vand.u32 $0xFFFF, v3  }
0x6b: {  	[tilespmem:$0x4220] =	vst v1;
	v1 =	vshrl.u32 v61, $0x10  }
0x6c: {  	[tilespmem:$0x40B0] =	vst v1;
	v1 =	vand.u32 $0xFFFF, v61  }
0x6d: {  	[tilespmem:$0x4230] =	vst v1;
	v1 =	vshrl.u32 v2, $0x10  }
0x6e: {  	[tilespmem:$0x40C0] =	vst v1;
	v1 =	vand.u32 $0xFFFF, v2  }
0x6f: {  	[tilespmem:$0x4240] =	vst v1  }
0x70: {  	[tilespmem:s21], [sflag:$0x2] =	stream.indirect.gather [hbm4b:s1+s18], $0x80, s20, s18, $0xb8;
	[tilespmem:$0x1FB00] =	vst v63  }
0x71: {  	v1 =	vld [tilespmem:$0x100];
	_ =	sdelay $0x1  }
0x72: {  	v2 =	vld [tilespmem:$0x110];
	_ =	sdelay $0x1  }
0x73: {  	v3 =	vld [tilespmem:$0x120]  }
0x74: {  	v62 =	vshrl.u32 v1, $0x10  }
0x75: {  	v63 =	vld [tilespmem:$0x130];
	v1 =	vand.u32 $0xFFFF, v1;
	[tilespmem:$0x4100] =	vst v62  }
0x76: {  	[tilespmem:$0x4280] =	vst v1;
	v1 =	vshrl.u32 v2, $0x10  }
0x77: {  	[tilespmem:$0x4110] =	vst v1;
	v1 =	vand.u32 $0xFFFF, v2;
	v2 =	vld [tilespmem:$0x140]  }
0x78: {  	[tilespmem:$0x4290] =	vst v1;
	v1 =	vshrl.u32 v3, $0x10  }
0x79: {  	[tilespmem:$0x4120] =	vst v1;
	v1 =	vand.u32 $0xFFFF, v3  }
0x7a: {  	[tilespmem:$0x42A0] =	vst v1;
	v1 =	vshrl.u32 v63, $0x10  }
0x7b: {  	[tilespmem:$0x4130] =	vst v1;
	v1 =	vand.u32 $0xFFFF, v63  }
0x7c: {  	[tilespmem:$0x42B0] =	vst v1;
	v1 =	vshrl.u32 v2, $0x10  }
0x7d: {  	[tilespmem:$0x4140] =	vst v1;
	v1 =	vand.u32 $0xFFFF, v2  }
0x7e: {  	s11 =	simm.s32 $0x4100;
	[tilespmem:$0x42C0] =	vst v1  }
0x7f: {  	[tilespmem:s23], [sflag:$0x3] =	stream.indirect.gather [hbm4b:s1+s18], $0x80, s11, s18, $0xb8;
	[tilespmem:$0x1FB00] =	vst v63  }
0x80: {  	[bflag:$0x0] =	sbarrier.arrive $0xFFFF  }
0x81: {  	_ =	swait.ge [sflag:s25], $0x2800  }
0x82: {  	p0 =	por $0x1, $0x1;
	[sflag:s25] =	ssyncset.done $0x0  }
0x83: {  	s7 =	simm.s32 @!p0 $0x6;
	[sflag:s25] =	ssyncadd.s32 $0xFFFFD800  }
0x84: {  	[spmem:s2] =	stream.indirect.scatter.add.f32 [tilespmem:s15], [sflag:$0x4], $0x80, s26, s18, $0xb8;
	[tilespmem:$0x1FB00] =	vst v63  }
0x85: {  	_ =	swait.ge @!p0 [sflag:s7], $0x2800  }
0x86: {  	[sflag:s7] =	ssyncset.done @!p0 $0x0  }
0x87: {  	s8 =	simm.s32 @!p0 $0x0;
	[sflag:s7] =	ssyncadd.s32 @!p0 $0xFFFFD800  }
0x88: {  	v1 =	vld @!p0 [tilespmem:s8+$0x100];
	_ =	sdelay $0x4  }
0x89: {  	v2 =	vand.u32 @!p0 $0xFFFF, v1  }
0x8a: {  	v1 =	vshrl.u32 @!p0 v1, $0x10;
	[tilespmem:$0x4280] =	vst @!p0 v2  }
0x8b: {  	[tilespmem:$0x4100] =	vst @!p0 v1  }
0x8c: {  	v1 =	vld @!p0 [tilespmem:s8+$0x110];
	_ =	sdelay $0x4  }
0x8d: {  	v2 =	vshrl.u32 @!p0 v1, $0x10  }
0x8e: {  	v1 =	vand.u32 @!p0 $0xFFFF, v1;
	[tilespmem:$0x4110] =	vst @!p0 v2  }
0x8f: {  	[tilespmem:$0x4290] =	vst @!p0 v1  }
0x90: {  	v1 =	vld @!p0 [tilespmem:s8+$0x120];
	_ =	sdelay $0x4  }
0x91: {  	v2 =	vshrl.u32 @!p0 v1, $0x10  }
0x92: {  	v1 =	vand.u32 @!p0 $0xFFFF, v1;
	[tilespmem:$0x4120] =	vst @!p0 v2  }
0x93: {  	[tilespmem:$0x42A0] =	vst @!p0 v1  }
0x94: {  	v1 =	vld @!p0 [tilespmem:s8+$0x130];
	_ =	sdelay $0x4  }
0x95: {  	v2 =	vshrl.u32 @!p0 v1, $0x10  }
0x96: {  	v1 =	vand.u32 @!p0 $0xFFFF, v1;
	[tilespmem:$0x4130] =	vst @!p0 v2  }
0x97: {  	[tilespmem:$0x42B0] =	vst @!p0 v1  }
0x98: {  	v1 =	vld @!p0 [tilespmem:s8+$0x140];
	_ =	sdelay $0x4  }
0x99: {  	v2 =	vshrl.u32 @!p0 v1, $0x10  }
0x9a: {  	v1 =	vand.u32 @!p0 $0xFFFF, v1;
	[tilespmem:$0x4140] =	vst @!p0 v2  }
0x9b: {  	s9 =	simm.s32 @!p0 $0x9300;
	s7 =	simm.s32 @!p0 $0x50;
	s8 =	simm.s32 @!p0 $0x4100;
	[tilespmem:$0x42C0] =	vst @!p0 v1  }
0x9c: {  	[tilespmem:s9], [sflag:$0x3] =	stream.indirect.gather @!p0 [hbm4b:s1+s7], $0x80, s8, s7, $0xb8;
	[tilespmem:$0x1FB00] =	vst v63  }
0x9d: {  	_ =	swait.ge [sflag:s28], $0x2800  }
0x9e: {  	[sflag:s28] =	ssyncset.done $0x0  }
0x9f: {  	[sflag:s28] =	ssyncadd.s32 $0xFFFFD800  }
0xa0: {  	[spmem:s2] =	stream.indirect.scatter.add.f32 [tilespmem:s21], [sflag:$0x5], $0x80, s29, s18, $0xb8;
	[tilespmem:$0x1FB00] =	vst v63  }
0xa1: {  	_ =	swait.ge [sflag:s30], $0x2800  }
0xa2: {  	[sflag:s30] =	ssyncset.done $0x0  }
0xa3: {  	s8 =	simm.s32 $0x0;
	[sflag:s30] =	ssyncadd.s32 $0xFFFFD800  }
0xa4: {  	v1 =	vld [tilespmem:s8+$0x180];
	_ =	sdelay $0x4  }
0xa5: {  	v2 =	vshrl.u32 v1, $0x10  }
0xa6: {  	v1 =	vand.u32 $0xFFFF, v1;
	[tilespmem:$0x4000] =	vst v2  }
0xa7: {  	[tilespmem:$0x4180] =	vst v1  }
0xa8: {  	v1 =	vld [tilespmem:s8+$0x190];
	_ =	sdelay $0x4  }
0xa9: {  	v2 =	vshrl.u32 v1, $0x10  }
0xaa: {  	v1 =	vand.u32 $0xFFFF, v1;
	[tilespmem:$0x4010] =	vst v2  }
0xab: {  	[tilespmem:$0x4190] =	vst v1  }
0xac: {  	v1 =	vld [tilespmem:s8+$0x1A0];
	_ =	sdelay $0x4  }
0xad: {  	v2 =	vshrl.u32 v1, $0x10  }
0xae: {  	v1 =	vand.u32 $0xFFFF, v1;
	[tilespmem:$0x4020] =	vst v2  }
0xaf: {  	[tilespmem:$0x41A0] =	vst v1  }
0xb0: {  	v1 =	vld [tilespmem:s8+$0x1B0];
	_ =	sdelay $0x4  }
0xb1: {  	v2 =	vshrl.u32 v1, $0x10  }
0xb2: {  	v1 =	vand.u32 $0xFFFF, v1;
	[tilespmem:$0x4030] =	vst v2  }
0xb3: {  	[tilespmem:$0x41B0] =	vst v1  }
0xb4: {  	v1 =	vld [tilespmem:s8+$0x1C0];
	_ =	sdelay $0x4  }
0xb5: {  	v2 =	vshrl.u32 v1, $0x10  }
0xb6: {  	v1 =	vand.u32 $0xFFFF, v1;
	[tilespmem:$0x4040] =	vst v2  }
0xb7: {  	[tilespmem:$0x41C0] =	vst v1  }
0xb8: {  	[tilespmem:s15], [sflag:$0x1] =	stream.indirect.gather [hbm4b:s1+s18], $0x80, s19, s18, $0xb8;
	[tilespmem:$0x1FB00] =	vst v63  }
0xb9: {  	_ =	swait.ge [sflag:s31], $0x2800  }
0xba: {  	[sflag:s31] =	ssyncset.done $0x0  }
0xbb: {  	[sflag:s31] =	ssyncadd.s32 $0xFFFFD800  }
0xbc: {  	[spmem:s2] =	stream.indirect.scatter.add.f32 [tilespmem:s23], [sflag:$0x6], $0x80, s0, s18, $0xb8;
	[tilespmem:$0x1FB00] =	vst v63  }
0xbd: {  	_ =	swait.ge [sflag:s4], $0x2800  }
0xbe: {  	[sflag:s4] =	ssyncset.done $0x0  }
0xbf: {  	[sflag:s4] =	ssyncadd.s32 $0xFFFFD800  }
0xc0: {  	v1 =	vld [tilespmem:s8+$0x200];
	_ =	sdelay $0x4  }
0xc1: {  	v2 =	vshrl.u32 v1, $0x10  }
0xc2: {  	v1 =	vand.u32 $0xFFFF, v1;
	[tilespmem:$0x4080] =	vst v2  }
0xc3: {  	[tilespmem:$0x4200] =	vst v1  }
0xc4: {  	v1 =	vld [tilespmem:s8+$0x210];
	_ =	sdelay $0x4  }
0xc5: {  	v2 =	vshrl.u32 v1, $0x10  }
0xc6: {  	v1 =	vand.u32 $0xFFFF, v1;
	[tilespmem:$0x4090] =	vst v2  }
0xc7: {  	[tilespmem:$0x4210] =	vst v1  }
0xc8: {  	v1 =	vld [tilespmem:s8+$0x220];
	_ =	sdelay $0x4  }
0xc9: {  	v2 =	vshrl.u32 v1, $0x10  }
0xca: {  	s7 =	simm.s32 $0x600;
	v1 =	vand.u32 $0xFFFF, v1;
	[tilespmem:$0x40A0] =	vst v2  }
.LBB2_4:
0xcb: {  	[tilespmem:$0x4220] =	vst v1;
	s9 =	smov.u32 s7;
	s7 =	sadd.s32 $0x600, s7  }
0xcc: {  	p0 =	sne.s32 s7, $0xF600;
	v1 =	vld [tilespmem:s8+$0x230];
	_ =	sdelay $0x4  }
0xcd: {  	v2 =	vshrl.u32 v1, $0x10;
	v1 =	vand.u32 $0xFFFF, v1  }
0xce: {  	[tilespmem:$0x40B0] =	vst v2  }
0xcf: {  	[tilespmem:$0x4230] =	vst v1  }
0xd0: {  	v1 =	vld [tilespmem:s8+$0x240];
	_ =	sdelay $0x4  }
0xd1: {  	v2 =	vshrl.u32 v1, $0x10;
	v1 =	vand.u32 $0xFFFF, v1  }
0xd2: {  	[tilespmem:$0x40C0] =	vst v2  }
0xd3: {  	[tilespmem:$0x4240] =	vst v1  }
0xd4: {  	[tilespmem:s21], [sflag:$0x2] =	stream.indirect.gather [hbm4b:s1+s18], $0x80, s20, s18, $0xb8;
	[tilespmem:$0x1FB00] =	vst v63  }
0xd5: {  	p1 =	seq.s32 s9, $0x0;
	_ =	swait.ge [sflag:s25], $0x2800  }
0xd6: {  	[sflag:s25] =	ssyncset.done $0x0  }
0xd7: {  	s8 =	simm.s32 @!p1 $0x6;
	[sflag:s25] =	ssyncadd.s32 $0xFFFFD800  }
0xd8: {  	[spmem:s2] =	stream.indirect.scatter.add.f32 [tilespmem:s15], [sflag:$0x4], $0x80, s26, s18, $0xb8;
	[tilespmem:$0x1FB00] =	vst v63  }
0xd9: {  	_ =	swait.ge @!p1 [sflag:s8], $0x2800  }
0xda: {  	s10 =	sshra.s32 @!p1 s9, $0x2;
	[sflag:s8] =	ssyncset.done @!p1 $0x0  }
0xdb: {  	[sflag:s8] =	ssyncadd.s32 @!p1 $0xFFFFD800  }
0xdc: {  	v1 =	vld @!p1 [tilespmem:s10+$0x100];
	_ =	sdelay $0x4  }
0xdd: {  	v2 =	vshrl.u32 @!p1 v1, $0x10;
	v1 =	vand.u32 @!p1 $0xFFFF, v1  }
0xde: {  	[tilespmem:$0x4280] =	vst @!p1 v1  }
0xdf: {  	[tilespmem:$0x4100] =	vst @!p1 v2  }
0xe0: {  	v1 =	vld @!p1 [tilespmem:s10+$0x110];
	_ =	sdelay $0x4  }
0xe1: {  	v2 =	vshrl.u32 @!p1 v1, $0x10;
	v1 =	vand.u32 @!p1 $0xFFFF, v1  }
0xe2: {  	[tilespmem:$0x4110] =	vst @!p1 v2  }
0xe3: {  	[tilespmem:$0x4290] =	vst @!p1 v1  }
0xe4: {  	v1 =	vld @!p1 [tilespmem:s10+$0x120];
	_ =	sdelay $0x4  }
0xe5: {  	v2 =	vshrl.u32 @!p1 v1, $0x10;
	v1 =	vand.u32 @!p1 $0xFFFF, v1  }
0xe6: {  	[tilespmem:$0x4120] =	vst @!p1 v2  }
0xe7: {  	[tilespmem:$0x42A0] =	vst @!p1 v1  }
0xe8: {  	v1 =	vld @!p1 [tilespmem:s10+$0x130];
	_ =	sdelay $0x4  }
0xe9: {  	v2 =	vshrl.u32 @!p1 v1, $0x10;
	v1 =	vand.u32 @!p1 $0xFFFF, v1  }
0xea: {  	[tilespmem:$0x4130] =	vst @!p1 v2  }
0xeb: {  	[tilespmem:$0x42B0] =	vst @!p1 v1  }
0xec: {  	v1 =	vld @!p1 [tilespmem:s10+$0x140];
	_ =	sdelay $0x4  }
0xed: {  	v2 =	vshrl.u32 @!p1 v1, $0x10;
	v1 =	vand.u32 @!p1 $0xFFFF, v1  }
0xee: {  	[tilespmem:$0x4140] =	vst @!p1 v2  }
0xef: {  	s11 =	simm.s32 @!p1 $0x9300;
	s8 =	simm.s32 @!p1 $0x50;
	s10 =	simm.s32 @!p1 $0x4100;
	[tilespmem:$0x42C0] =	vst @!p1 v1  }
0xf0: {  	[tilespmem:s11], [sflag:$0x3] =	stream.indirect.gather @!p1 [hbm4b:s1+s8], $0x80, s10, s8, $0xb8;
	[tilespmem:$0x1FB00] =	vst v63  }
0xf1: {  	_ =	swait.ge [sflag:s28], $0x2800  }
0xf2: {  	[sflag:s28] =	ssyncset.done $0x0  }
0xf3: {  	[sflag:s28] =	ssyncadd.s32 $0xFFFFD800  }
0xf4: {  	[spmem:s2] =	stream.indirect.scatter.add.f32 [tilespmem:s21], [sflag:$0x5], $0x80, s29, s18, $0xb8;
	[tilespmem:$0x1FB00] =	vst v63  }
0xf5: {  	_ =	swait.ge [sflag:s30], $0x2800  }
0xf6: {  	[sflag:s30] =	ssyncset.done $0x0  }
0xf7: {  	s8 =	sshra.s32 s9, $0x2;
	[sflag:s30] =	ssyncadd.s32 $0xFFFFD800  }
0xf8: {  	v1 =	vld [tilespmem:s8+$0x180];
	_ =	sdelay $0x4  }
0xf9: {  	v2 =	vshrl.u32 v1, $0x10;
	v1 =	vand.u32 $0xFFFF, v1  }
0xfa: {  	[tilespmem:$0x4000] =	vst v2  }
0xfb: {  	[tilespmem:$0x4180] =	vst v1  }
0xfc: {  	v1 =	vld [tilespmem:s8+$0x190];
	_ =	sdelay $0x4  }
0xfd: {  	v2 =	vshrl.u32 v1, $0x10;
	v1 =	vand.u32 $0xFFFF, v1  }
0xfe: {  	[tilespmem:$0x4010] =	vst v2  }
0xff: {  	[tilespmem:$0x4190] =	vst v1  }
0x100: {  	v1 =	vld [tilespmem:s8+$0x1A0];
	_ =	sdelay $0x4  }
0x101: {  	v2 =	vshrl.u32 v1, $0x10;
	v1 =	vand.u32 $0xFFFF, v1  }
0x102: {  	[tilespmem:$0x4020] =	vst v2  }
0x103: {  	[tilespmem:$0x41A0] =	vst v1  }
0x104: {  	v1 =	vld [tilespmem:s8+$0x1B0];
	_ =	sdelay $0x4  }
0x105: {  	v2 =	vshrl.u32 v1, $0x10;
	v1 =	vand.u32 $0xFFFF, v1  }
0x106: {  	[tilespmem:$0x4030] =	vst v2  }
0x107: {  	[tilespmem:$0x41B0] =	vst v1  }
0x108: {  	v1 =	vld [tilespmem:s8+$0x1C0];
	_ =	sdelay $0x4  }
0x109: {  	v2 =	vshrl.u32 v1, $0x10;
	v1 =	vand.u32 $0xFFFF, v1  }
0x10a: {  	[tilespmem:$0x4040] =	vst v2  }
0x10b: {  	[tilespmem:$0x41C0] =	vst v1  }
0x10c: {  	[tilespmem:s15], [sflag:$0x1] =	stream.indirect.gather [hbm4b:s1+s18], $0x80, s19, s18, $0xb8;
	[tilespmem:$0x1FB00] =	vst v63  }
0x10d: {  	_ =	swait.ge [sflag:s31], $0x2800  }
0x10e: {  	[sflag:s31] =	ssyncset.done $0x0  }
0x10f: {  	[sflag:s31] =	ssyncadd.s32 $0xFFFFD800  }
0x110: {  	[spmem:s2] =	stream.indirect.scatter.add.f32 [tilespmem:s23], [sflag:$0x6], $0x80, s0, s18, $0xb8;
	[tilespmem:$0x1FB00] =	vst v63  }
0x111: {  	_ =	swait.ge [sflag:s4], $0x2800  }
0x112: {  	[sflag:s4] =	ssyncset.done $0x0  }
0x113: {  	[sflag:s4] =	ssyncadd.s32 $0xFFFFD800  }
0x114: {  	v1 =	vld [tilespmem:s8+$0x200];
	_ =	sdelay $0x4  }
0x115: {  	v2 =	vshrl.u32 v1, $0x10;
	v1 =	vand.u32 $0xFFFF, v1  }
0x116: {  	[tilespmem:$0x4080] =	vst v2  }
0x117: {  	[tilespmem:$0x4200] =	vst v1  }
0x118: {  	v1 =	vld [tilespmem:s8+$0x210];
	_ =	sdelay $0x4  }
0x119: {  	v2 =	vshrl.u32 v1, $0x10;
	v1 =	vand.u32 $0xFFFF, v1  }
0x11a: {  	[tilespmem:$0x4090] =	vst v2  }
0x11b: {  	[tilespmem:$0x4210] =	vst v1  }
0x11c: {  	v1 =	vld [tilespmem:s8+$0x220];
	_ =	sdelay $0x1  }
.Ltmp1:
0x11d: {  	(pc) =	sbr.rel @p0 .LBB2_4-.Ltmp1, $3  }
0x11e: {  	_ =	sdelay $0x1  }
0x11f: {  	v2 =	vshrl.u32 v1, $0x10;
	v1 =	vand.u32 $0xFFFF, v1  }
0x120: {  	[tilespmem:$0x40A0] =	vst v2  }
0x121: {  	[tilespmem:$0x4220] =	vst v1  }
0x122: {  	v1 =	vld [tilespmem:s8+$0x230];
	_ =	sdelay $0x4  }
0x123: {  	v2 =	vshrl.u32 v1, $0x10  }
0x124: {  	v1 =	vand.u32 $0xFFFF, v1;
	[tilespmem:$0x40B0] =	vst v2  }
0x125: {  	[tilespmem:$0x4230] =	vst v1  }
0x126: {  	v1 =	vld [tilespmem:s8+$0x240];
	_ =	sdelay $0x4  }
0x127: {  	v2 =	vshrl.u32 v1, $0x10  }
0x128: {  	v1 =	vand.u32 $0xFFFF, v1;
	[tilespmem:$0x40C0] =	vst v2  }
0x129: {  	[tilespmem:$0x4240] =	vst v1  }
0x12a: {  	[tilespmem:s21], [sflag:$0x2] =	stream.indirect.gather [hbm4b:s1+s18], $0x80, s20, s18, $0xb8;
	[tilespmem:$0x1FB00] =	vst v63  }
0x12b: {  	_ =	swait.ge [sflag:s25], $0x2800  }
0x12c: {  	[sflag:s25] =	ssyncset.done $0x0  }
0x12d: {  	[sflag:s25] =	ssyncadd.s32 $0xFFFFD800  }
0x12e: {  	[spmem:s2] =	stream.indirect.scatter.add.f32 [tilespmem:s15], [sflag:$0x4], $0x80, s26, s18, $0xb8;
	[tilespmem:$0x1FB00] =	vst v63  }
0x12f: {  	_ =	swait.ge [sflag:s28], $0x2800  }
0x130: {  	[sflag:s28] =	ssyncset.done $0x0  }
0x131: {  	[sflag:s28] =	ssyncadd.s32 $0xFFFFD800  }
0x132: {  	[spmem:s2] =	stream.indirect.scatter.add.f32 [tilespmem:s21], [sflag:$0x5], $0x80, s29, s18, $0xb8;
	[tilespmem:$0x1FB00] =	vst v63  }
0x133: {  	_ =	swait.ge [sflag:s30], $0x2800  }
0x134: {  	[sflag:s30] =	ssyncset.done $0x0  }
0x135: {  	[sflag:s30] =	ssyncadd.s32 $0xFFFFD800  }
0x136: {  	_ =	swait.ge [sflag:s4], $0x2800  }
0x137: {  	[sflag:s4] =	ssyncset.done $0x0  }
0x138: {  	[sflag:s4] =	ssyncadd.s32 $0xFFFFD800  }
0x139: {  	s7 =	stileid.u32;
	_ =	swait.ge [sflag:s22], $0x2800  }
0x13a: {  	s11 =	sshrl.u32 s5, $0x3;
	s6 =	sadd.s32 $0x1, s6;
	[sflag:s22] =	ssyncset.done $0x0  }
0x13b: {  	s7 =	sshll.u32 s7, $0x6;
	p0 =	sne.s32 s6, s14;
	[sflag:s22] =	ssyncadd.s32 $0xFFFFD800  }
.Ltmp2:
0x13c: {  	s7 =	sor.u32 $0x1C09, s7;
	[bflag:$0x0] =	sbarrier.arrive $0xFFFF;
	(pc) =	sbr.rel @p0 .LBB2_1-.Ltmp2, $4  }
0x13d: {  	[hbm:s24], [sflag:s7] =	dma.local [spmem:s11], $0x2800  }
0x13e: {  	_ =	swait.ge [sflag:s3], $0x2800  }
0x13f: {  	[sflag:s3] =	ssyncset.done $0x0  }
0x140: {  	[sflag:s3] =	ssyncadd.s32 $0xFFFFD800  }
0x141: {  	_ =	sfence.sel $0x180000  }
0x142: {  	[bflag:$0x0] =	sbarrier.arrive $0xFFFF  }
0x143: {  	_ =	strace $0x90000047  }
0x144: {  	s0 =	stileid.u32;
	[bflag:$0x2] =	sbarrier.arrive $0xFFFF  }
0x145: {  	p0 =	sne.s32 s0, $0x0;
	s0 =	rddreg [dreg:$0x3]  }
0x146: {  	s0 =	sadd.s32 @!p0 $0x100000, s0  }
0x147: {  	[sflag:s0] =	ssyncadd.tile.s32 @!p0 $0x1;
	_ =	shalt  }
.Lfunc_end2:
_tile_overlayer_lowered:
.L_overlay_start_2:
0x148: {  	(tag) =	ssettag $0x2  }
0x149: {  	s0 =	rddreg [dreg:$0x0];
	s2 =	stileid.u32  }
0x14a: {  	s1 =	rddreg [dreg:$0x1];
	p0 =	sne.s32 s2, $0x0  }
0x14b: {  	s3 =	rddreg [dreg:$0x2];
	[bflag:$0x3] =	sbarrier.arrive $0xFFFF;
	s2 =	simm.s32 @!p0 $0x1C09  }
0x14c: {  	[timem:s3], [sflag:s2] =	dma.local @!p0 [hbm:s0], s1  }
0x14d: {  	s0 =	simm.s32 @!p0 $0x9  }
0x14e: {  	_ =	swait.ge @!p0 [sflag:s0], s1  }
0x14f: {  	s1 =	ssub.s32 @!p0 $0x0, s1;
	[sflag:s0] =	ssyncset.done @!p0 $0x0  }
0x150: {  	[sflag:s0] =	ssyncadd.s32 @!p0 s1  }
0x151: {  	[bflag:$0x3] =	sbarrier.arrive $0xFFFF  }
0x152: {  	_ =	shalt  }

// kernel: kernel.9.cloned.1.call-start
scs
__scs_entry_jumppad:
0x0: {  	(pc) =	sbr.rel $0x88, $3  }
0x1: {  	(tag) =	ssettag $0x0;
	lr =	simm.s32 $0x1  }
0x2: {  	[smem:$0x3F9B] =	sst lr;
	_ =	strace $0xD0000000  }
0x3: {  	_ = 	snop  }
0x4: {  	_ = 	snop  }
0x5: {  	_ = 	snop  }
0x6: {  	_ = 	snop  }
0x7: {  	_ = 	snop  }
__scs_overlays_trampoline_lowered:
0x8: {  	[smem:$0x3FAA] =	sst s0  }
0x9: {  	[smem:$0x3FAB] =	sst s1  }
0xa: {  	[smem:$0x3FAC] =	sst s2  }
0xb: {  	[smem:$0x3FAD] =	sst s3  }
0xc: {  	[smem:$0x3FAE] =	sst s4  }
0xd: {  	[smem:$0x3FAF] =	sst s5  }
0xe: {  	[smem:$0x3FB0] =	sst s6  }
0xf: {  	[smem:$0x3FB1] =	sst s7  }
0x10: {  	[smem:$0x3FB2] =	sst s8  }
0x11: {  	[smem:$0x3FB3] =	sst s9;
	s0 =	simm.s32 @!p0 $0x0  }
0x12: {  	s1 =	sld [smem:$0x3F99];
	s0 =	simm.s32 @p0 $0x1  }
0x13: {  	[smem:$0x3FB4] =	sst s0;
	s0 =	simm.s32 @!p1 $0x0  }
0x14: {  	s2 =	sld [smem:$0x3F98];
	s0 =	simm.s32 @p1 $0x1  }
0x15: {  	[smem:$0x3FB5] =	sst s0;
	s0 =	simm.s32 @!p2 $0x0  }
0x16: {  	s3 =	sld [smem:$0x3FDB];
	s0 =	simm.s32 @p2 $0x1  }
0x17: {  	s4 =	simm.s32 $0x1BF5;
	[smem:$0x3FB7] =	sst s0  }
0x18: {  	s0 =	sld [smem:$0x3F9A];
	_ =	swait.ge [sflag:s4], $0x0  }
0x19: {  	s7 =	sld [smem:$0x3F9B]  }
0x1a: {  	s8 =	sadd.s32 $0xFFFFE003, lr  }
0x1b: {  	s9 =	sadd.s32 $0xFFFFFEF7, lr;
	s5 =	simm.s32 $0xFFFFFFFF;
	p2 =	slt.u32 s8, $0xFFFFF086  }
0x1c: {  	p1 =	slt.u32 s9, $0xF7A;
	s5 =	simm.s32 @!p2 $0x0  }
0x1d: {  	s5 =	simm.s32 @p1 $0x1;
	p0 =	seq.s32 s7, s2  }
0x1e: {  	s7 =	smul.u32 @!p0 $0xF7A, s2;
	p2 =	seq.s32 @!p0 s5, $0x0  }
0x1f: {  	s9 =	smul.u32 $0xF7A, s1;
	s8 =	simm.s32 @!p0 $0x1BF5;
	p2 =	por !p2, p0  }
0x20: {  	[sflag:s8] =	ssyncset.s32 @!p0 $0xFFFFF086;
	s6 =	sadd.s32 @!p0 s3, s7;
	s7 =	simm.s32 @!p0 $0x108  }
0x21: {  	s3 =	sadd.s32 s3, s9;
	s6 =	sadd.s32 @!p0 $0x88, s6;
	s7 =	simm.s32 @p2 $0x1082  }
0x22: {  	[simem:s7], [sflag:s8] =	dma.local @!p0 [hbm:s6], $0xF7A  }
0x23: {  	s9 =	sor.u32 $0xD0000000, s2;
	s6 =	simm.s32 $0x108;
	_ =	swait.ge @!p0 [sflag:s8], $0x0  }
0x24: {  	s3 =	sadd.s32 $0x88, s3;
	s6 =	simm.s32 @!p1 $0x1082;
	[sflag:s4] =	ssyncset.s32 $0xFFFFF086  }
0x25: {  	[simem:s6], [sflag:s4] =	dma.local [hbm:s3], $0xF7A  }
0x26: {  	[smem:$0x3F9B] =	sst s1;
	(tag) =	ssettag s2;
	_ =	strace s9  }
0x27: {  	s1 =	sld [smem:$0x3FAB]  }
0x28: {  	s2 =	sld [smem:$0x3FAC]  }
0x29: {  	s4 =	sld [smem:$0x3FAE]  }
0x2a: {  	p0 =	seq.s32 s5, $0x0;
	s5 =	sld [smem:$0x3FAF]  }
0x2b: {  	s6 =	sld [smem:$0x3FB0]  }
0x2c: {  	s7 =	sld [smem:$0x3FB1]  }
0x2d: {  	s3 =	simm.s32 $0x108;
	s8 =	sld [smem:$0x3FB2]  }
0x2e: {  	s3 =	simm.s32 @!p0 $0x1082;
	s9 =	sld [smem:$0x3FB3]  }
0x2f: {  	lr =	sadd.s32 s0, s3;
	s0 =	sld [smem:$0x3FAA]  }
0x30: {  	s3 =	sld [smem:$0x3FAD]  }
0x31: {  	[smem:$0x3FB6] =	sst s10  }
0x32: {  	s10 =	sld [smem:$0x3FB4];
	_ =	sdelay $0x3  }
0x33: {  	p0 =	seq.s32 s10, $0x1;
	s10 =	sld [smem:$0x3FB6];
	_ =	sdelay $0x3  }
0x34: {  	[smem:$0x3FB6] =	sst s10  }
0x35: {  	s10 =	sld [smem:$0x3FB5];
	_ =	sdelay $0x3  }
0x36: {  	p1 =	seq.s32 s10, $0x1;
	s10 =	sld [smem:$0x3FB6];
	_ =	sdelay $0x3  }
0x37: {  	[smem:$0x3FB6] =	sst s10  }
0x38: {  	s10 =	sld [smem:$0x3FB7]  }
0x39: {  	_ = 	snop;
	(pc) =	sbr.ind lr, $3  }
0x3a: {  	_ = 	snop  }
0x3b: {  	_ = 	snop  }
0x3c: {  	p2 =	seq.s32 s10, $0x1;
	s10 =	sld [smem:$0x3FB6]  }
0x3d: {  	_ =	shalt  }
0x3e: {  	_ =	shalt  }
0x3f: {  	_ =	shalt  }
0x40: {  	_ =	shalt  }
0x41: {  	_ =	shalt  }
0x42: {  	_ =	shalt  }
0x43: {  	_ =	shalt  }
0x44: {  	_ =	shalt  }
0x45: {  	_ =	shalt  }
0x46: {  	_ =	shalt  }
0x47: {  	_ =	shalt  }
0x48: {  	_ =	shalt  }
0x49: {  	_ =	shalt  }
0x4a: {  	_ =	shalt  }
0x4b: {  	_ =	shalt  }
0x4c: {  	_ =	shalt  }
0x4d: {  	_ =	shalt  }
0x4e: {  	_ =	shalt  }
0x4f: {  	_ =	shalt  }
0x50: {  	_ =	shalt  }
0x51: {  	_ =	shalt  }
0x52: {  	_ =	shalt  }
0x53: {  	_ =	shalt  }
0x54: {  	_ =	shalt  }
0x55: {  	_ =	shalt  }
0x56: {  	_ =	shalt  }
0x57: {  	_ =	shalt  }
0x58: {  	_ =	shalt  }
0x59: {  	_ =	shalt  }
0x5a: {  	_ =	shalt  }
0x5b: {  	_ =	shalt  }
0x5c: {  	_ =	shalt  }
0x5d: {  	_ =	shalt  }
0x5e: {  	_ =	shalt  }
0x5f: {  	_ =	shalt  }
0x60: {  	_ =	shalt  }
0x61: {  	_ =	shalt  }
0x62: {  	_ =	shalt  }
0x63: {  	_ =	shalt  }
0x64: {  	_ =	shalt  }
0x65: {  	_ =	shalt  }
0x66: {  	_ =	shalt  }
0x67: {  	_ =	shalt  }
0x68: {  	_ =	shalt  }
0x69: {  	_ =	shalt  }
0x6a: {  	_ =	shalt  }
0x6b: {  	_ =	shalt  }
0x6c: {  	_ =	shalt  }
0x6d: {  	_ =	shalt  }
0x6e: {  	_ =	shalt  }
0x6f: {  	_ =	shalt  }
0x70: {  	_ =	shalt  }
0x71: {  	_ =	shalt  }
0x72: {  	_ =	shalt  }
0x73: {  	_ =	shalt  }
0x74: {  	_ =	shalt  }
0x75: {  	_ =	shalt  }
0x76: {  	_ =	shalt  }
0x77: {  	_ =	shalt  }
0x78: {  	_ =	shalt  }
0x79: {  	_ =	shalt  }
0x7a: {  	_ =	shalt  }
0x7b: {  	_ =	shalt  }
0x7c: {  	_ =	shalt  }
0x7d: {  	_ =	shalt  }
0x7e: {  	_ =	shalt  }
0x7f: {  	_ =	shalt  }
0x80: {  	_ =	shalt  }
0x81: {  	_ =	shalt  }
0x82: {  	_ =	shalt  }
0x83: {  	_ =	shalt  }
0x84: {  	_ =	shalt  }
0x85: {  	_ =	shalt  }
0x86: {  	_ =	shalt  }
0x87: {  	_ =	shalt  }
.Lfunc_end0:
.L_simem_size_0:
called_computation.1_lowered:
.L_overlay_start_0:
0x88: {  	s2 =	sld [smem:$0x3FD9]  }
0x89: {  	s3 =	sld [smem:$0x3FFE];
	_ =	sdelay $0x1  }
0x8a: {  	s1 =	srdreg.scid  }
0x8b: {  	s0 =	sand.u32 $0x1, s1  }
0x8c: {  	s17 =	sshll.u32 s0, $0xA;
	s2 =	sadd.s32 s3, s2  }
0x8d: {  	s2 =	sadd.s32 s2, s17  }
0x8e: {  	[smem:$0x3FC2] =	sst s2  }
0x8f: {  	_ = 	snop  }
0x90: {  	s2 =	sld [smem:$0x3FD0];
	(tm) =	ssettm $0x1  }
0x91: {  	s18 =	sld [smem:$0x3FFB];
	_ =	sdelay $0x3  }
0x92: {  	_ =	strace s18  }
0x93: {  	s3 =	sld [smem:$0x3FFC];
	_ =	sdelay $0x3  }
0x94: {  	_ =	strace s3  }
0x95: {  	s3 =	sld [smem:$0x3FFD];
	_ =	sdelay $0x3  }
0x96: {  	_ =	strace s3  }
0x97: {  	_ =	strace $0x8FFFFFFF  }
0x98: {  	s19 =	sld [smem:$0x3FDB];
	_ =	sdelay $0x1  }
0x99: {  	s4 =	simm.s32 $_scs_section_size  }
0x9a: {  	s5 =	simm.s32 $_size__tile_overlayer_lowered;
	s6 =	simm.s32 $_tile_overlayer_lowered  }
0x9b: {  	s22 =	simm.s32 $0x1BFF;
	s21 =	sshll.u32 s6, $0x1;
	s3 =	sadd.s32 s4, s19  }
0x9c: {  	s7 =	simm.s32 $0x0;
	s20 =	sshll.u32 s5, $0x1;
	s5 =	sadd.s32 s21, s3  }
0x9d: {  	[timem:s7], [sflag:s22] =	dma.local [hbm:s5], s20  }
0x9e: {  	_ =	swait.ge [sflag:s22], s20  }
0x9f: {  	s4 =	ssub.s32 $0x0, s20;
	[sflag:s22] =	ssyncset.done $0x0  }
0xa0: {  	[sflag:s22] =	ssyncadd.s32 s4;
	_ =	sdelay $0x1  }
0xa1: {  	s23 =	simm.s32 $0x1B8B  }
0xa2: {  	_ =	swait.ge [sflag:s23], $0x1  }
0xa3: {  	[sflag:s23] =	ssyncset.done $0x0  }
0xa4: {  	s25 =	simm.s32 $0x1B8E;
	s24 =	sld [smem:$0x3FFE];
	[sflag:s23] =	ssyncadd.s32 $0xFFFFFFFF  }
0xa5: {  	s26 =	simm.s32 $execute0_lowered;
	[smem:$0x3FD2] =	sst s25  }
0xa6: {  	s5 =	sshll.u32 s26, $0x1;
	_ =	strace $0x80000049;
	[dreg:$0x1] =	wrdreg $0xFFFFFFFF  }
0xa7: {  	s28 =	simm.s32 $_size_execute0_lowered;
	s3 =	sadd.s32 s3, s5;
	[dreg:$0x0] =	wrdreg $0x0  }
0xa8: {  	s5 =	sshll.u32 s28, $0x1;
	[dreg:$0x2] =	wrdreg s3  }
0xa9: {  	[dreg:$0x3] =	wrdreg s5  }
0xaa: {  	[dreg:$0x4] =	wrdreg $0xC0  }
0xab: {  	_ =	task [dreg:s7], $0x5FFFF  }
0xac: {  	[dreg:$0x1] =	wrdreg $0xFFFFFFFF  }
0xad: {  	[dreg:$0x0] =	wrdreg $0x60  }
0xae: {  	[dreg:$0x2] =	wrdreg s2  }
0xaf: {  	[dreg:$0x3] =	wrdreg s24  }
0xb0: {  	[dreg:$0x4] =	wrdreg $0xBB000  }
0xb1: {  	[dreg:$0x5] =	wrdreg $0x9  }
0xb2: {  	_ =	task.clear_ibuf [dreg:s7], $0x6FFFF;
	_ =	strace $0x90000049  }
0xb3: {  	s29 =	simm.s32 $0x9;
	_ =	strace $0x8000004B  }
0xb4: {  	_ =	swait.ge [sflag:s29], $0x1  }
0xb5: {  	[sflag:s29] =	ssyncadd.s32 $0xFFFFFFFF  }
0xb6: {  	_ =	strace $0x9000004B  }
0xb7: {  	_ =	sfence  }
0xb8: {  	s30 =	sld [smem:$0x0];
	_ =	sdelay $0x2  }
0xb9: {  	s31 =	sshll.u32 s1, $0xD;
	s1 =	sshrl.u32 s1, $0x2  }
0xba: {  	s3 =	sand.u32 $0x4000, s31;
	s1 =	sadd.s32 s1, s30  }
0xbb: {  	s0 =	sor.u32 s3, s0;
	s1 =	sshll.u32 s1, $0x11  }
0xbc: {  	s0 =	sor.u32 s1, s0  }
0xbd: {  	s0 =	sadd.s32 $0x8F2B, s0  }
0xbe: {  	[sflag:s0] =	ssyncadd.remote.s32 $0x1  }
0xbf: {  	_ =	sfence.sel $0xFFFF  }
0xc0: {  	[dreg:$0x0] =	wrdreg $0xFFFFFFFF;
	(pc) =	sbr.abs _section_cstart, $3  }
0xc1: {  	[dreg:$0x1] =	wrdreg $0xFFFFFFFF  }
0xc2: {  	_ =	task.clear_ibuf [dreg:s7], $0x2FFFF;
	_ =	strace $0x9FFFFFFF  }
0xc3: {  	(tm) =	ssettm $0x7FFFFFFF  }
tec
execute0_lowered:
.L_overlay_start_1:
0x0: {  	(tag) =	ssettag $0x1  }
0x1: {  	s1 =	rddreg [dreg:$0x0]  }
0x2: {  	s0 =	rddreg [dreg:$0x1]  }
0x3: {  	s2 =	rddreg [dreg:$0x2];
	s3 =	srdreg.scid  }
0x4: {  	s5 =	simm.s32 $0x0;
	s8 =	stileid.u32;
	s15 =	simm.s32 $0x4300  }
0x5: {  	s16 =	simm.s32 $0x7;
	s17 =	simm.s32 $0x8;
	s18 =	simm.s32 $0x50  }
0x6: {  	s28 =	simm.s32 $0x2;
	s29 =	simm.s32 $0x4200;
	s30 =	simm.s32 $0x4  }
0x7: {  	s31 =	simm.s32 $0x3;
	s3 =	sand.u32 $0x1, s3;
	s6 =	smul.u32 $0x50000, s8  }
0x8: {  	[smem:$0x7FF] =	sst s5;
	s20 =	sshll.u32 s8, $0xC;
	s26 =	smul.u32 $0x2800, s8  }
0x9: {  	s4 =	smul.u32 $0x28000, s3;
	s19 =	sshll.u32 s3, $0xB;
	_ =	strace $0x8000004A  }
0xa: {  	s3 =	ssub.s32 $0x2, s3;
	s5 =	sadd.s32 s19, s0;
	s6 =	sshrl.u32 s6, $0x2  }
0xb: {  	s7 =	sshrl.u32 s3, $0x1;
	s19 =	simm.s32 $0x4000;
	s0 =	sadd.s32 s4, s0  }
0xc: {  	s4 =	sadd.s32 s20, s5;
	s5 =	sadd.s32 s6, s2;
	s3 =	ssub.s32 s3, s7  }
0xd: {  	s20 =	simm.s32 $0x4080;
	s6 =	simm.s32 $0x0;
	s4 =	sadd.s32 $0x1200, s4  }
0xe: {  	s21 =	sadd.s32 $0x2800, s5;
	s22 =	sadd.s32 $0x5000, s5;
	[dreg:$0x4] =	wrdreg s4  }
0xf: {  	s23 =	sadd.s32 $0x7800, s5;
	s24 =	sadd.s32 $0xA000, s5;
	[dreg:$0x5] =	wrdreg s21  }
0x10: {  	s25 =	sadd.s32 $0xC800, s5;
	s12 =	sadd.s32 $0xF000, s5;
	[dreg:$0x6] =	wrdreg s22  }
0x11: {  	s13 =	sadd.s32 $0x11800, s5;
	s0 =	sadd.s32 $0x11200, s0;
	[dreg:$0x7] =	wrdreg s23  }
0x12: {  	s14 =	smax.u32 s3, $0x1;
	s3 =	simm.s32 $0x9;
	[dreg:$0x8] =	wrdreg s24  }
0x13: {  	[dreg:$0x9] =	wrdreg s25;
	s21 =	simm.s32 $0x6B00;
	s23 =	simm.s32 $0x9300  }
0x14: {  	s24 =	sadd.s32 s26, s0;
	s25 =	simm.s32 $0x1;
	s26 =	simm.s32 $0x4180  }
0x15: {  	v0 =	vimm.f32 $0.0e+00;
	s0 =	simm.s32 $0x4280;
	s4 =	simm.s32 $0x5;
	s22 =	simm.s32 $0x6  }
.LBB2_1:
0x16: {  	s7 =	simm.s32 $0x0;
	s8 =	rddreg [dreg:$0x4]  }
0x17: {  	[tilespmem:s7], [sflag:$0x7] =	stream.linear.gather [hbm4b:s8+s7], $0x3E80, $0x38;
	[tilespmem:$0x1FB00] =	vst v63  }
0x18: {  	s7 =	simm.s32 $0x0;
	s8 =	simm.s32 $0x200  }
.LBB2_2:
0x19: {  	p0 =	sne.s32 s8, $0x9E00;
	[tilespmem:s7+$0x4370] =	vst v0  }
0x1a: {  	[tilespmem:s7+$0x4300] =	vst v0  }
0x1b: {  	[tilespmem:s7+$0x4310] =	vst v0  }
.Ltmp0:
0x1c: {  	[tilespmem:s7+$0x4320] =	vst v0;
	(pc) =	sbr.rel @p0 .LBB2_2-.Ltmp0, $4  }
0x1d: {  	[tilespmem:s7+$0x4330] =	vst v0  }
0x1e: {  	[tilespmem:s7+$0x4340] =	vst v0  }
0x1f: {  	[tilespmem:s7+$0x4350] =	vst v0  }
0x20: {  	[tilespmem:s7+$0x4360] =	vst v0;
	s7 =	sshra.s32 s8, $0x2;
	s8 =	sadd.s32 $0x200, s8  }
0x21: {  	[tilespmem:s7+$0x4370] =	vst v0  }
0x22: {  	[tilespmem:s7+$0x4300] =	vst v0  }
0x23: {  	[tilespmem:s7+$0x4310] =	vst v0  }
0x24: {  	[tilespmem:s7+$0x4320] =	vst v0  }
0x25: {  	[tilespmem:s7+$0x4330] =	vst v0  }
0x26: {  	[tilespmem:s7+$0x4340] =	vst v0  }
0x27: {  	[tilespmem:s7+$0x4350] =	vst v0  }
0x28: {  	[tilespmem:s7+$0x4360] =	vst v0  }
0x29: {  	[spmem:s5] =	stream.linear.scatter [tilespmem:s15], [sflag:$0x8], $0x2800, $0x38;
	[tilespmem:$0x1FB00] =	vst v63  }
0x2a: {  	s10 =	rddreg [dreg:$0x5]  }
0x2b: {  	[spmem:s10] =	stream.linear.scatter [tilespmem:s15], [sflag:$0x8], $0x2800, $0x38;
	[tilespmem:$0x1FB00] =	vst v63  }
0x2c: {  	s11 =	rddreg [dreg:$0x6]  }
0x2d: {  	[spmem:s11] =	stream.linear.scatter [tilespmem:s15], [sflag:$0x8], $0x2800, $0x38;
	[tilespmem:$0x1FB00] =	vst v63  }
0x2e: {  	s8 =	rddreg [dreg:$0x7]  }
0x2f: {  	[spmem:s8] =	stream.linear.scatter [tilespmem:s15], [sflag:$0x8], $0x2800, $0x38;
	[tilespmem:$0x1FB00] =	vst v63  }
0x30: {  	s9 =	rddreg [dreg:$0x8]  }
0x31: {  	[spmem:s9] =	stream.linear.scatter [tilespmem:s15], [sflag:$0x8], $0x2800, $0x38;
	[tilespmem:$0x1FB00] =	vst v63  }
0x32: {  	s10 =	rddreg [dreg:$0x9]  }
0x33: {  	[spmem:s10] =	stream.linear.scatter [tilespmem:s15], [sflag:$0x8], $0x2800, $0x38;
	[tilespmem:$0x1FB00] =	vst v63  }
0x34: {  	_ = 	snop  }
0x35: {  	[spmem:s12] =	stream.linear.scatter [tilespmem:s15], [sflag:$0x8], $0x2800, $0x38;
	[tilespmem:$0x1FB00] =	vst v63  }
0x36: {  	_ = 	snop  }
0x37: {  	[spmem:s13] =	stream.linear.scatter [tilespmem:s15], [sflag:$0x8], $0x2800, $0x38;
	[tilespmem:$0x1FB00] =	vst v63  }
0x38: {  	_ =	swait.ge [sflag:s16], $0x3E80  }
0x39: {  	[sflag:s16] =	ssyncset.done $0x0  }
0x3a: {  	[sflag:s16] =	ssyncadd.s32 $0xFFFFC180  }
0x3b: {  	_ =	swait.ge [sflag:s17], $0x2800  }
0x3c: {  	[sflag:s17] =	ssyncset.done $0x0  }
0x3d: {  	[sflag:s17] =	ssyncadd.s32 $0xFFFFD800  }
0x3e: {  	_ =	swait.ge [sflag:s17], $0x2800  }
0x3f: {  	[sflag:s17] =	ssyncset.done $0x0  }
0x40: {  	[sflag:s17] =	ssyncadd.s32 $0xFFFFD800  }
0x41: {  	_ =	swait.ge [sflag:s17], $0x2800  }
0x42: {  	[sflag:s17] =	ssyncset.done $0x0  }
0x43: {  	[sflag:s17] =	ssyncadd.s32 $0xFFFFD800  }
0x44: {  	_ =	swait.ge [sflag:s17], $0x2800  }
0x45: {  	[sflag:s17] =	ssyncset.done $0x0  }
0x46: {  	[sflag:s17] =	ssyncadd.s32 $0xFFFFD800  }
0x47: {  	_ =	swait.ge [sflag:s17], $0x2800  }
0x48: {  	[sflag:s17] =	ssyncset.done $0x0  }
0x49: {  	[sflag:s17] =	ssyncadd.s32 $0xFFFFD800  }
0x4a: {  	_ =	swait.ge [sflag:s17], $0x2800  }
0x4b: {  	[sflag:s17] =	ssyncset.done $0x0  }
0x4c: {  	[sflag:s17] =	ssyncadd.s32 $0xFFFFD800  }
0x4d: {  	_ =	swait.ge [sflag:s17], $0x2800  }
0x4e: {  	[sflag:s17] =	ssyncset.done $0x0  }
0x4f: {  	[sflag:s17] =	ssyncadd.s32 $0xFFFFD800  }
0x50: {  	_ =	swait.ge [sflag:s17], $0x2800  }
0x51: {  	[sflag:s17] =	ssyncset.done $0x0  }
0x52: {  	[sflag:s17] =	ssyncadd.s32 $0xFFFFD800  }
0x53: {  	v1 =	vld [tilespmem:$0x0];
	_ =	sdelay $0x1  }
0x54: {  	v2 =	vld [tilespmem:$0x10];
	_ =	sdelay $0x1  }
0x55: {  	v3 =	vld [tilespmem:$0x20]  }
0x56: {  	v4 =	vshrl.u32 v1, $0x10  }
0x57: {  	v59 =	vld [tilespmem:$0x30];
	v1 =	vand.u32 $0xFFFF, v1;
	[tilespmem:$0x4000] =	vst v4  }
0x58: {  	[tilespmem:$0x4180] =	vst v1;
	v1 =	vshrl.u32 v2, $0x10  }
0x59: {  	[tilespmem:$0x4010] =	vst v1;
	v1 =	vand.u32 $0xFFFF, v2;
	v2 =	vld [tilespmem:$0x40]  }
0x5a: {  	[tilespmem:$0x4190] =	vst v1;
	v1 =	vshrl.u32 v3, $0x10  }
0x5b: {  	[tilespmem:$0x4020] =	vst v1;
	v1 =	vand.u32 $0xFFFF, v3  }
0x5c: {  	[tilespmem:$0x41A0] =	vst v1;
	v1 =	vshrl.u32 v59, $0x10  }
0x5d: {  	[tilespmem:$0x4030] =	vst v1;
	v1 =	vand.u32 $0xFFFF, v59  }
0x5e: {  	[tilespmem:$0x41B0] =	vst v1;
	v1 =	vshrl.u32 v2, $0x10  }
0x5f: {  	[tilespmem:$0x4040] =	vst v1;
	v1 =	vand.u32 $0xFFFF, v2  }
0x60: {  	[tilespmem:$0x41C0] =	vst v1  }
0x61: {  	[tilespmem:s15], [sflag:$0x1] =	stream.indirect.gather [hbm4b:s1+s18], $0x80, s19, s18, $0xb8;
	[tilespmem:$0x1FB00] =	vst v63  }
0x62: {  	v1 =	vld [tilespmem:$0x80];
	_ =	sdelay $0x1  }
0x63: {  	v2 =	vld [tilespmem:$0x90];
	_ =	sdelay $0x1  }
0x64: {  	v3 =	vld [tilespmem:$0xA0]  }
0x65: {  	v60 =	vshrl.u32 v1, $0x10  }
0x66: {  	v61 =	vld [tilespmem:$0xB0];
	v1 =	vand.u32 $0xFFFF, v1;
	[tilespmem:$0x4080] =	vst v60  }
0x67: {  	[tilespmem:$0x4200] =	vst v1;
	v1 =	vshrl.u32 v2, $0x10  }
0x68: {  	[tilespmem:$0x4090] =	vst v1;
	v1 =	vand.u32 $0xFFFF, v2;
	v2 =	vld [tilespmem:$0xC0]  }
0x69: {  	[tilespmem:$0x4210] =	vst v1;
	v1 =	vshrl.u32 v3, $0x10  }
0x6a: {  	[tilespmem:$0x40A0] =	vst v1;
	v1 =	vand.u32 $0xFFFF, v3  }
0x6b: {  	[tilespmem:$0x4220] =	vst v1;
	v1 =	vshrl.u32 v61, $0x10  }
0x6c: {  	[tilespmem:$0x40B0] =	vst v1;
	v1 =	vand.u32 $0xFFFF, v61  }
0x6d: {  	[tilespmem:$0x4230] =	vst v1;
	v1 =	vshrl.u32 v2, $0x10  }
0x6e: {  	[tilespmem:$0x40C0] =	vst v1;
	v1 =	vand.u32 $0xFFFF, v2  }
0x6f: {  	[tilespmem:$0x4240] =	vst v1  }
0x70: {  	[tilespmem:s21], [sflag:$0x2] =	stream.indirect.gather [hbm4b:s1+s18], $0x80, s20, s18, $0xb8;
	[tilespmem:$0x1FB00] =	vst v63  }
0x71: {  	v1 =	vld [tilespmem:$0x100];
	_ =	sdelay $0x1  }
0x72: {  	v2 =	vld [tilespmem:$0x110];
	_ =	sdelay $0x1  }
0x73: {  	v3 =	vld [tilespmem:$0x120]  }
0x74: {  	v62 =	vshrl.u32 v1, $0x10  }
0x75: {  	v63 =	vld [tilespmem:$0x130];
	v1 =	vand.u32 $0xFFFF, v1;
	[tilespmem:$0x4100] =	vst v62  }
0x76: {  	[tilespmem:$0x4280] =	vst v1;
	v1 =	vshrl.u32 v2, $0x10  }
0x77: {  	[tilespmem:$0x4110] =	vst v1;
	v1 =	vand.u32 $0xFFFF, v2;
	v2 =	vld [tilespmem:$0x140]  }
0x78: {  	[tilespmem:$0x4290] =	vst v1;
	v1 =	vshrl.u32 v3, $0x10  }
0x79: {  	[tilespmem:$0x4120] =	vst v1;
	v1 =	vand.u32 $0xFFFF, v3  }
0x7a: {  	[tilespmem:$0x42A0] =	vst v1;
	v1 =	vshrl.u32 v63, $0x10  }
0x7b: {  	[tilespmem:$0x4130] =	vst v1;
	v1 =	vand.u32 $0xFFFF, v63  }
0x7c: {  	[tilespmem:$0x42B0] =	vst v1;
	v1 =	vshrl.u32 v2, $0x10  }
0x7d: {  	[tilespmem:$0x4140] =	vst v1;
	v1 =	vand.u32 $0xFFFF, v2  }
0x7e: {  	s11 =	simm.s32 $0x4100;
	[tilespmem:$0x42C0] =	vst v1  }
0x7f: {  	[tilespmem:s23], [sflag:$0x3] =	stream.indirect.gather [hbm4b:s1+s18], $0x80, s11, s18, $0xb8;
	[tilespmem:$0x1FB00] =	vst v63  }
0x80: {  	[bflag:$0x0] =	sbarrier.arrive $0xFFFF  }
0x81: {  	_ =	swait.ge [sflag:s25], $0x2800  }
0x82: {  	p0 =	por $0x1, $0x1;
	[sflag:s25] =	ssyncset.done $0x0  }
0x83: {  	s7 =	simm.s32 @!p0 $0x6;
	[sflag:s25] =	ssyncadd.s32 $0xFFFFD800  }
0x84: {  	[spmem:s2] =	stream.indirect.scatter.add.f32 [tilespmem:s15], [sflag:$0x4], $0x80, s26, s18, $0xb8;
	[tilespmem:$0x1FB00] =	vst v63  }
0x85: {  	_ =	swait.ge @!p0 [sflag:s7], $0x2800  }
0x86: {  	[sflag:s7] =	ssyncset.done @!p0 $0x0  }
0x87: {  	s8 =	simm.s32 @!p0 $0x0;
	[sflag:s7] =	ssyncadd.s32 @!p0 $0xFFFFD800  }
0x88: {  	v1 =	vld @!p0 [tilespmem:s8+$0x100];
	_ =	sdelay $0x4  }
0x89: {  	v2 =	vand.u32 @!p0 $0xFFFF, v1  }
0x8a: {  	v1 =	vshrl.u32 @!p0 v1, $0x10;
	[tilespmem:$0x4280] =	vst @!p0 v2  }
0x8b: {  	[tilespmem:$0x4100] =	vst @!p0 v1  }
0x8c: {  	v1 =	vld @!p0 [tilespmem:s8+$0x110];
	_ =	sdelay $0x4  }
0x8d: {  	v2 =	vshrl.u32 @!p0 v1, $0x10  }
0x8e: {  	v1 =	vand.u32 @!p0 $0xFFFF, v1;
	[tilespmem:$0x4110] =	vst @!p0 v2  }
0x8f: {  	[tilespmem:$0x4290] =	vst @!p0 v1  }
0x90: {  	v1 =	vld @!p0 [tilespmem:s8+$0x120];
	_ =	sdelay $0x4  }
0x91: {  	v2 =	vshrl.u32 @!p0 v1, $0x10  }
0x92: {  	v1 =	vand.u32 @!p0 $0xFFFF, v1;
	[tilespmem:$0x4120] =	vst @!p0 v2  }
0x93: {  	[tilespmem:$0x42A0] =	vst @!p0 v1  }
0x94: {  	v1 =	vld @!p0 [tilespmem:s8+$0x130];
	_ =	sdelay $0x4  }
0x95: {  	v2 =	vshrl.u32 @!p0 v1, $0x10  }
0x96: {  	v1 =	vand.u32 @!p0 $0xFFFF, v1;
	[tilespmem:$0x4130] =	vst @!p0 v2  }
0x97: {  	[tilespmem:$0x42B0] =	vst @!p0 v1  }
0x98: {  	v1 =	vld @!p0 [tilespmem:s8+$0x140];
	_ =	sdelay $0x4  }
0x99: {  	v2 =	vshrl.u32 @!p0 v1, $0x10  }
0x9a: {  	v1 =	vand.u32 @!p0 $0xFFFF, v1;
	[tilespmem:$0x4140] =	vst @!p0 v2  }
0x9b: {  	s9 =	simm.s32 @!p0 $0x9300;
	s7 =	simm.s32 @!p0 $0x50;
	s8 =	simm.s32 @!p0 $0x4100;
	[tilespmem:$0x42C0] =	vst @!p0 v1  }
0x9c: {  	[tilespmem:s9], [sflag:$0x3] =	stream.indirect.gather @!p0 [hbm4b:s1+s7], $0x80, s8, s7, $0xb8;
	[tilespmem:$0x1FB00] =	vst v63  }
0x9d: {  	_ =	swait.ge [sflag:s28], $0x2800  }
0x9e: {  	[sflag:s28] =	ssyncset.done $0x0  }
0x9f: {  	[sflag:s28] =	ssyncadd.s32 $0xFFFFD800  }
0xa0: {  	[spmem:s2] =	stream.indirect.scatter.add.f32 [tilespmem:s21], [sflag:$0x5], $0x80, s29, s18, $0xb8;
	[tilespmem:$0x1FB00] =	vst v63  }
0xa1: {  	_ =	swait.ge [sflag:s30], $0x2800  }
0xa2: {  	[sflag:s30] =	ssyncset.done $0x0  }
0xa3: {  	s8 =	simm.s32 $0x0;
	[sflag:s30] =	ssyncadd.s32 $0xFFFFD800  }
0xa4: {  	v1 =	vld [tilespmem:s8+$0x180];
	_ =	sdelay $0x4  }
0xa5: {  	v2 =	vshrl.u32 v1, $0x10  }
0xa6: {  	v1 =	vand.u32 $0xFFFF, v1;
	[tilespmem:$0x4000] =	vst v2  }
0xa7: {  	[tilespmem:$0x4180] =	vst v1  }
0xa8: {  	v1 =	vld [tilespmem:s8+$0x190];
	_ =	sdelay $0x4  }
0xa9: {  	v2 =	vshrl.u32 v1, $0x10  }
0xaa: {  	v1 =	vand.u32 $0xFFFF, v1;
	[tilespmem:$0x4010] =	vst v2  }
0xab: {  	[tilespmem:$0x4190] =	vst v1  }
0xac: {  	v1 =	vld [tilespmem:s8+$0x1A0];
	_ =	sdelay $0x4  }
0xad: {  	v2 =	vshrl.u32 v1, $0x10  }
0xae: {  	v1 =	vand.u32 $0xFFFF, v1;
	[tilespmem:$0x4020] =	vst v2  }
0xaf: {  	[tilespmem:$0x41A0] =	vst v1  }
0xb0: {  	v1 =	vld [tilespmem:s8+$0x1B0];
	_ =	sdelay $0x4  }
0xb1: {  	v2 =	vshrl.u32 v1, $0x10  }
0xb2: {  	v1 =	vand.u32 $0xFFFF, v1;
	[tilespmem:$0x4030] =	vst v2  }
0xb3: {  	[tilespmem:$0x41B0] =	vst v1  }
0xb4: {  	v1 =	vld [tilespmem:s8+$0x1C0];
	_ =	sdelay $0x4  }
0xb5: {  	v2 =	vshrl.u32 v1, $0x10  }
0xb6: {  	v1 =	vand.u32 $0xFFFF, v1;
	[tilespmem:$0x4040] =	vst v2  }
0xb7: {  	[tilespmem:$0x41C0] =	vst v1  }
0xb8: {  	[tilespmem:s15], [sflag:$0x1] =	stream.indirect.gather [hbm4b:s1+s18], $0x80, s19, s18, $0xb8;
	[tilespmem:$0x1FB00] =	vst v63  }
0xb9: {  	_ =	swait.ge [sflag:s31], $0x2800  }
0xba: {  	[sflag:s31] =	ssyncset.done $0x0  }
0xbb: {  	[sflag:s31] =	ssyncadd.s32 $0xFFFFD800  }
0xbc: {  	[spmem:s2] =	stream.indirect.scatter.add.f32 [tilespmem:s23], [sflag:$0x6], $0x80, s0, s18, $0xb8;
	[tilespmem:$0x1FB00] =	vst v63  }
0xbd: {  	_ =	swait.ge [sflag:s4], $0x2800  }
0xbe: {  	[sflag:s4] =	ssyncset.done $0x0  }
0xbf: {  	[sflag:s4] =	ssyncadd.s32 $0xFFFFD800  }
0xc0: {  	v1 =	vld [tilespmem:s8+$0x200];
	_ =	sdelay $0x4  }
0xc1: {  	v2 =	vshrl.u32 v1, $0x10  }
0xc2: {  	v1 =	vand.u32 $0xFFFF, v1;
	[tilespmem:$0x4080] =	vst v2  }
0xc3: {  	[tilespmem:$0x4200] =	vst v1  }
0xc4: {  	v1 =	vld [tilespmem:s8+$0x210];
	_ =	sdelay $0x4  }
0xc5: {  	v2 =	vshrl.u32 v1, $0x10  }
0xc6: {  	v1 =	vand.u32 $0xFFFF, v1;
	[tilespmem:$0x4090] =	vst v2  }
0xc7: {  	[tilespmem:$0x4210] =	vst v1  }
0xc8: {  	v1 =	vld [tilespmem:s8+$0x220];
	_ =	sdelay $0x4  }
0xc9: {  	v2 =	vshrl.u32 v1, $0x10  }
0xca: {  	s7 =	simm.s32 $0x600;
	v1 =	vand.u32 $0xFFFF, v1;
	[tilespmem:$0x40A0] =	vst v2  }
.LBB2_4:
0xcb: {  	[tilespmem:$0x4220] =	vst v1;
	s9 =	smov.u32 s7;
	s7 =	sadd.s32 $0x600, s7  }
0xcc: {  	p0 =	sne.s32 s7, $0xF600;
	v1 =	vld [tilespmem:s8+$0x230];
	_ =	sdelay $0x4  }
0xcd: {  	v2 =	vshrl.u32 v1, $0x10;
	v1 =	vand.u32 $0xFFFF, v1  }
0xce: {  	[tilespmem:$0x40B0] =	vst v2  }
0xcf: {  	[tilespmem:$0x4230] =	vst v1  }
0xd0: {  	v1 =	vld [tilespmem:s8+$0x240];
	_ =	sdelay $0x4  }
0xd1: {  	v2 =	vshrl.u32 v1, $0x10;
	v1 =	vand.u32 $0xFFFF, v1  }
0xd2: {  	[tilespmem:$0x40C0] =	vst v2  }
0xd3: {  	[tilespmem:$0x4240] =	vst v1  }
0xd4: {  	[tilespmem:s21], [sflag:$0x2] =	stream.indirect.gather [hbm4b:s1+s18], $0x80, s20, s18, $0xb8;
	[tilespmem:$0x1FB00] =	vst v63  }
0xd5: {  	p1 =	seq.s32 s9, $0x0;
	_ =	swait.ge [sflag:s25], $0x2800  }
0xd6: {  	[sflag:s25] =	ssyncset.done $0x0  }
0xd7: {  	s8 =	simm.s32 @!p1 $0x6;
	[sflag:s25] =	ssyncadd.s32 $0xFFFFD800  }
0xd8: {  	[spmem:s2] =	stream.indirect.scatter.add.f32 [tilespmem:s15], [sflag:$0x4], $0x80, s26, s18, $0xb8;
	[tilespmem:$0x1FB00] =	vst v63  }
0xd9: {  	_ =	swait.ge @!p1 [sflag:s8], $0x2800  }
0xda: {  	s10 =	sshra.s32 @!p1 s9, $0x2;
	[sflag:s8] =	ssyncset.done @!p1 $0x0  }
0xdb: {  	[sflag:s8] =	ssyncadd.s32 @!p1 $0xFFFFD800  }
0xdc: {  	v1 =	vld @!p1 [tilespmem:s10+$0x100];
	_ =	sdelay $0x4  }
0xdd: {  	v2 =	vshrl.u32 @!p1 v1, $0x10;
	v1 =	vand.u32 @!p1 $0xFFFF, v1  }
0xde: {  	[tilespmem:$0x4280] =	vst @!p1 v1  }
0xdf: {  	[tilespmem:$0x4100] =	vst @!p1 v2  }
0xe0: {  	v1 =	vld @!p1 [tilespmem:s10+$0x110];
	_ =	sdelay $0x4  }
0xe1: {  	v2 =	vshrl.u32 @!p1 v1, $0x10;
	v1 =	vand.u32 @!p1 $0xFFFF, v1  }
0xe2: {  	[tilespmem:$0x4110] =	vst @!p1 v2  }
0xe3: {  	[tilespmem:$0x4290] =	vst @!p1 v1  }
0xe4: {  	v1 =	vld @!p1 [tilespmem:s10+$0x120];
	_ =	sdelay $0x4  }
0xe5: {  	v2 =	vshrl.u32 @!p1 v1, $0x10;
	v1 =	vand.u32 @!p1 $0xFFFF, v1  }
0xe6: {  	[tilespmem:$0x4120] =	vst @!p1 v2  }
0xe7: {  	[tilespmem:$0x42A0] =	vst @!p1 v1  }
0xe8: {  	v1 =	vld @!p1 [tilespmem:s10+$0x130];
	_ =	sdelay $0x4  }
0xe9: {  	v2 =	vshrl.u32 @!p1 v1, $0x10;
	v1 =	vand.u32 @!p1 $0xFFFF, v1  }
0xea: {  	[tilespmem:$0x4130] =	vst @!p1 v2  }
0xeb: {  	[tilespmem:$0x42B0] =	vst @!p1 v1  }
0xec: {  	v1 =	vld @!p1 [tilespmem:s10+$0x140];
	_ =	sdelay $0x4  }
0xed: {  	v2 =	vshrl.u32 @!p1 v1, $0x10;
	v1 =	vand.u32 @!p1 $0xFFFF, v1  }
0xee: {  	[tilespmem:$0x4140] =	vst @!p1 v2  }
0xef: {  	s11 =	simm.s32 @!p1 $0x9300;
	s8 =	simm.s32 @!p1 $0x50;
	s10 =	simm.s32 @!p1 $0x4100;
	[tilespmem:$0x42C0] =	vst @!p1 v1  }
0xf0: {  	[tilespmem:s11], [sflag:$0x3] =	stream.indirect.gather @!p1 [hbm4b:s1+s8], $0x80, s10, s8, $0xb8;
	[tilespmem:$0x1FB00] =	vst v63  }
0xf1: {  	_ =	swait.ge [sflag:s28], $0x2800  }
0xf2: {  	[sflag:s28] =	ssyncset.done $0x0  }
0xf3: {  	[sflag:s28] =	ssyncadd.s32 $0xFFFFD800  }
0xf4: {  	[spmem:s2] =	stream.indirect.scatter.add.f32 [tilespmem:s21], [sflag:$0x5], $0x80, s29, s18, $0xb8;
	[tilespmem:$0x1FB00] =	vst v63  }
0xf5: {  	_ =	swait.ge [sflag:s30], $0x2800  }
0xf6: {  	[sflag:s30] =	ssyncset.done $0x0  }
0xf7: {  	s8 =	sshra.s32 s9, $0x2;
	[sflag:s30] =	ssyncadd.s32 $0xFFFFD800  }
0xf8: {  	v1 =	vld [tilespmem:s8+$0x180];
	_ =	sdelay $0x4  }
0xf9: {  	v2 =	vshrl.u32 v1, $0x10;
	v1 =	vand.u32 $0xFFFF, v1  }
0xfa: {  	[tilespmem:$0x4000] =	vst v2  }
0xfb: {  	[tilespmem:$0x4180] =	vst v1  }
0xfc: {  	v1 =	vld [tilespmem:s8+$0x190];
	_ =	sdelay $0x4  }
0xfd: {  	v2 =	vshrl.u32 v1, $0x10;
	v1 =	vand.u32 $0xFFFF, v1  }
0xfe: {  	[tilespmem:$0x4010] =	vst v2  }
0xff: {  	[tilespmem:$0x4190] =	vst v1  }
0x100: {  	v1 =	vld [tilespmem:s8+$0x1A0];
	_ =	sdelay $0x4  }
0x101: {  	v2 =	vshrl.u32 v1, $0x10;
	v1 =	vand.u32 $0xFFFF, v1  }
0x102: {  	[tilespmem:$0x4020] =	vst v2  }
0x103: {  	[tilespmem:$0x41A0] =	vst v1  }
0x104: {  	v1 =	vld [tilespmem:s8+$0x1B0];
	_ =	sdelay $0x4  }
0x105: {  	v2 =	vshrl.u32 v1, $0x10;
	v1 =	vand.u32 $0xFFFF, v1  }
0x106: {  	[tilespmem:$0x4030] =	vst v2  }
0x107: {  	[tilespmem:$0x41B0] =	vst v1  }
0x108: {  	v1 =	vld [tilespmem:s8+$0x1C0];
	_ =	sdelay $0x4  }
0x109: {  	v2 =	vshrl.u32 v1, $0x10;
	v1 =	vand.u32 $0xFFFF, v1  }
0x10a: {  	[tilespmem:$0x4040] =	vst v2  }
0x10b: {  	[tilespmem:$0x41C0] =	vst v1  }
0x10c: {  	[tilespmem:s15], [sflag:$0x1] =	stream.indirect.gather [hbm4b:s1+s18], $0x80, s19, s18, $0xb8;
	[tilespmem:$0x1FB00] =	vst v63  }
0x10d: {  	_ =	swait.ge [sflag:s31], $0x2800  }
0x10e: {  	[sflag:s31] =	ssyncset.done $0x0  }
0x10f: {  	[sflag:s31] =	ssyncadd.s32 $0xFFFFD800  }
0x110: {  	[spmem:s2] =	stream.indirect.scatter.add.f32 [tilespmem:s23], [sflag:$0x6], $0x80, s0, s18, $0xb8;
	[tilespmem:$0x1FB00] =	vst v63  }
0x111: {  	_ =	swait.ge [sflag:s4], $0x2800  }
0x112: {  	[sflag:s4] =	ssyncset.done $0x0  }
0x113: {  	[sflag:s4] =	ssyncadd.s32 $0xFFFFD800  }
0x114: {  	v1 =	vld [tilespmem:s8+$0x200];
	_ =	sdelay $0x4  }
0x115: {  	v2 =	vshrl.u32 v1, $0x10;
	v1 =	vand.u32 $0xFFFF, v1  }
0x116: {  	[tilespmem:$0x4080] =	vst v2  }
0x117: {  	[tilespmem:$0x4200] =	vst v1  }
0x118: {  	v1 =	vld [tilespmem:s8+$0x210];
	_ =	sdelay $0x4  }
0x119: {  	v2 =	vshrl.u32 v1, $0x10;
	v1 =	vand.u32 $0xFFFF, v1  }
0x11a: {  	[tilespmem:$0x4090] =	vst v2  }
0x11b: {  	[tilespmem:$0x4210] =	vst v1  }
0x11c: {  	v1 =	vld [tilespmem:s8+$0x220];
	_ =	sdelay $0x1  }
.Ltmp1:
0x11d: {  	(pc) =	sbr.rel @p0 .LBB2_4-.Ltmp1, $3  }
0x11e: {  	_ =	sdelay $0x1  }
0x11f: {  	v2 =	vshrl.u32 v1, $0x10;
	v1 =	vand.u32 $0xFFFF, v1  }
0x120: {  	[tilespmem:$0x40A0] =	vst v2  }
0x121: {  	[tilespmem:$0x4220] =	vst v1  }
0x122: {  	v1 =	vld [tilespmem:s8+$0x230];
	_ =	sdelay $0x4  }
0x123: {  	v2 =	vshrl.u32 v1, $0x10  }
0x124: {  	v1 =	vand.u32 $0xFFFF, v1;
	[tilespmem:$0x40B0] =	vst v2  }
0x125: {  	[tilespmem:$0x4230] =	vst v1  }
0x126: {  	v1 =	vld [tilespmem:s8+$0x240];
	_ =	sdelay $0x4  }
0x127: {  	v2 =	vshrl.u32 v1, $0x10  }
0x128: {  	v1 =	vand.u32 $0xFFFF, v1;
	[tilespmem:$0x40C0] =	vst v2  }
0x129: {  	[tilespmem:$0x4240] =	vst v1  }
0x12a: {  	[tilespmem:s21], [sflag:$0x2] =	stream.indirect.gather [hbm4b:s1+s18], $0x80, s20, s18, $0xb8;
	[tilespmem:$0x1FB00] =	vst v63  }
0x12b: {  	_ =	swait.ge [sflag:s25], $0x2800  }
0x12c: {  	[sflag:s25] =	ssyncset.done $0x0  }
0x12d: {  	[sflag:s25] =	ssyncadd.s32 $0xFFFFD800  }
0x12e: {  	[spmem:s2] =	stream.indirect.scatter.add.f32 [tilespmem:s15], [sflag:$0x4], $0x80, s26, s18, $0xb8;
	[tilespmem:$0x1FB00] =	vst v63  }
0x12f: {  	_ =	swait.ge [sflag:s28], $0x2800  }
0x130: {  	[sflag:s28] =	ssyncset.done $0x0  }
0x131: {  	[sflag:s28] =	ssyncadd.s32 $0xFFFFD800  }
0x132: {  	[spmem:s2] =	stream.indirect.scatter.add.f32 [tilespmem:s21], [sflag:$0x5], $0x80, s29, s18, $0xb8;
	[tilespmem:$0x1FB00] =	vst v63  }
0x133: {  	_ =	swait.ge [sflag:s30], $0x2800  }
0x134: {  	[sflag:s30] =	ssyncset.done $0x0  }
0x135: {  	[sflag:s30] =	ssyncadd.s32 $0xFFFFD800  }
0x136: {  	_ =	swait.ge [sflag:s4], $0x2800  }
0x137: {  	[sflag:s4] =	ssyncset.done $0x0  }
0x138: {  	[sflag:s4] =	ssyncadd.s32 $0xFFFFD800  }
0x139: {  	s7 =	stileid.u32;
	_ =	swait.ge [sflag:s22], $0x2800  }
0x13a: {  	s11 =	sshrl.u32 s5, $0x3;
	s6 =	sadd.s32 $0x1, s6;
	[sflag:s22] =	ssyncset.done $0x0  }
0x13b: {  	s7 =	sshll.u32 s7, $0x6;
	p0 =	sne.s32 s6, s14;
	[sflag:s22] =	ssyncadd.s32 $0xFFFFD800  }
.Ltmp2:
0x13c: {  	s7 =	sor.u32 $0x1C09, s7;
	[bflag:$0x0] =	sbarrier.arrive $0xFFFF;
	(pc) =	sbr.rel @p0 .LBB2_1-.Ltmp2, $4  }
0x13d: {  	[hbm:s24], [sflag:s7] =	dma.local [spmem:s11], $0x2800  }
0x13e: {  	_ =	swait.ge [sflag:s3], $0x2800  }
0x13f: {  	[sflag:s3] =	ssyncset.done $0x0  }
0x140: {  	[sflag:s3] =	ssyncadd.s32 $0xFFFFD800  }
0x141: {  	_ =	sfence.sel $0x180000  }
0x142: {  	[bflag:$0x0] =	sbarrier.arrive $0xFFFF  }
0x143: {  	_ =	strace $0x9000004A  }
0x144: {  	s0 =	stileid.u32;
	[bflag:$0x2] =	sbarrier.arrive $0xFFFF  }
0x145: {  	p0 =	sne.s32 s0, $0x0;
	s0 =	rddreg [dreg:$0x3]  }
0x146: {  	s0 =	sadd.s32 @!p0 $0x100000, s0  }
0x147: {  	[sflag:s0] =	ssyncadd.tile.s32 @!p0 $0x1;
	_ =	shalt  }
.Lfunc_end2:
_tile_overlayer_lowered:
.L_overlay_start_2:
0x148: {  	(tag) =	ssettag $0x2  }
0x149: {  	s0 =	rddreg [dreg:$0x0];
	s2 =	stileid.u32  }
0x14a: {  	s1 =	rddreg [dreg:$0x1];
	p0 =	sne.s32 s2, $0x0  }
0x14b: {  	s3 =	rddreg [dreg:$0x2];
	[bflag:$0x3] =	sbarrier.arrive $0xFFFF;
	s2 =	simm.s32 @!p0 $0x1C09  }
0x14c: {  	[timem:s3], [sflag:s2] =	dma.local @!p0 [hbm:s0], s1  }
0x14d: {  	s0 =	simm.s32 @!p0 $0x9  }
0x14e: {  	_ =	swait.ge @!p0 [sflag:s0], s1  }
0x14f: {  	s1 =	ssub.s32 @!p0 $0x0, s1;
	[sflag:s0] =	ssyncset.done @!p0 $0x0  }
0x150: {  	[sflag:s0] =	ssyncadd.s32 @!p0 s1  }
0x151: {  	[bflag:$0x3] =	sbarrier.arrive $0xFFFF  }
0x152: {  	_ =	shalt  }

</sc_bundles>
